<compile_context>
chip_gen: v7x
topology: tpu7x:2x2x1
jax: 0.10.2.dev20260603
libtpu: 0.0.44.dev20260713+nightly
codegen_flags: <defaults>
</compile_context>

<pallas_src>
import dataclasses
import functools

import jax
import jax.numpy as jnp
from jax import lax
from jax.experimental import pallas as pl
from jax.experimental.pallas import tpu as pltpu
from jax.experimental.pallas import tpu_sc as plsc

L = 16
NC = 2
NS = 16
NW = NC * NS

NEG_BIG = -3e38


def _sc_compiler_params():
    cp = pltpu.CompilerParams(use_tc_tiling_on_sc=False)
    if "needs_layout_passes" in pltpu.CompilerParams.__dataclass_fields__:
        cp = dataclasses.replace(cp, needs_layout_passes=False)
    return cp


def _dense_body(out_dim, feat_ref, wl_ref, bl_ref, wa_ref, ba_ref, mw_ref,
                haug_ref, as_ref, ad_ref):
    n = feat_ref.shape[0]
    mw = mw_ref[...]
    fm = feat_ref[...] * jax.nn.sigmoid(mw)[None, :]
    h = lax.dot_general(
        fm, wl_ref[...], (((1,), (1,)), ((), ())),
        precision=lax.Precision.HIGHEST,
        preferred_element_type=jnp.float32,
    ) + bl_ref[...][None, :]
    wa = wa_ref[...]
    a1 = wa[0, :out_dim]
    a2 = wa[0, out_dim:]
    as_ref[...] = jnp.sum(h * a1[None, :], axis=1, keepdims=True)
    ad_ref[...] = jnp.sum(h * a2[None, :], axis=1, keepdims=True) + ba_ref[...][0]
    haug_ref[:n, :out_dim] = h
    col = lax.broadcasted_iota(jnp.int32, (haug_ref.shape[0], L), 1)
    haug_ref[:, out_dim:] = jnp.where(col == 0, jnp.float32(1.0), jnp.float32(0.0))


def _score_body(n_nodes, ept, ch1, src_hbm, dst_hbm, as_hbm, ad_hbm,
                s_hbm, tmax_hbm, asv, adv, srcv, dstv, sv, mxv):
    cid = lax.axis_index("c")
    sid = lax.axis_index("s")
    wid = sid * NC + cid
    pltpu.sync_copy(as_hbm, asv)
    pltpu.sync_copy(ad_hbm, adv)
    mxv[...] = jnp.full((L,), NEG_BIG, jnp.float32)
    base0 = wid * ept

    @pl.loop(0, ept // ch1)
    def _chunk(c):
        base = base0 + c * ch1
        pltpu.sync_copy(src_hbm.at[pl.ds(base, ch1)], srcv)
        pltpu.sync_copy(dst_hbm.at[pl.ds(base, ch1)], dstv)

        @pl.loop(0, ch1 // L)
        def _group(g):
            i16 = srcv[pl.ds(g * L, L)]
            j16 = dstv[pl.ds(g * L, L)]
            a = plsc.load_gather(asv, [i16])
            b = plsc.load_gather(adv, [j16])
            s16 = a + b
            s16 = jnp.where(s16 >= 0, s16, s16 * jnp.float32(0.01))
            sv[pl.ds(g * L, L)] = s16
            mxv[...] = jnp.maximum(mxv[...], s16)

        pltpu.sync_copy(sv, s_hbm.at[pl.ds(base, ch1)])

    pltpu.sync_copy(mxv, tmax_hbm.at[wid])


def _aggregate_body(np_pad, da, ch2, nsup, jrows,
                    src2_hbm, dst2_hbm, s2_hbm, tmax_hbm, haug_hbm, zeros_hbm,
                    part_hbm,
                    srcb, dstb, sb, rows0, rows1, mxall, exb, acc,
                    gsem0, gsem1, ssem0, ssem1):
    cid = lax.axis_index("c")
    sid = lax.axis_index("s")
    wid = sid * NC + cid
    rows_per_sub = np_pad // NS
    rowbase0 = wid * nsup * jrows

    def splat(vec, r):
        return lax.gather(
            vec, jnp.full((L, 1), r, jnp.int32),
            dimension_numbers=lax.GatherDimensionNumbers(
                offset_dims=(), collapsed_slice_dims=(0,),
                start_index_map=(0,)),
            slice_sizes=(1,),
            mode=lax.GatherScatterMode.PROMISE_IN_BOUNDS)

    def gather_start(c, rbuf, sem):
        pltpu.async_copy(haug_hbm.at[srcb.at[c]], rbuf, sem)

    def gather_wait(c, rbuf, sem):
        pltpu.make_async_copy(haug_hbm.at[srcb.at[c]], rbuf, sem).wait()

    def scatter_start(c, rbuf, sem):
        pltpu.async_copy(rbuf, acc.at[dstb.at[c]], sem, add=True)

    def scatter_wait(c, rbuf, sem):
        pltpu.make_async_copy(rbuf, acc.at[dstb.at[c]], sem).wait()

    def scale(c, rbuf, gmax):
        @pl.loop(0, ch2 // L)
        def _group(g):
            s16 = sb[c, pl.ds(g * L, L)]
            exb[pl.ds(g * L, L)] = jnp.exp(s16 - gmax)

        @plsc.parallel_loop(0, ch2, unroll=4)
        def _row(r):
            es = plsc.load_gather(exb, [jnp.full((L,), r, jnp.int32)])
            for k in range(da // L - 1):
                rbuf[r, pl.ds(k * L, L)] = rbuf[r, pl.ds(k * L, L)] * es
            rbuf[r, pl.ds(da - L, L)] = es

    pltpu.sync_copy(tmax_hbm, mxall)
    m16 = mxall[0]
    for i in range(1, NW):
        m16 = jnp.maximum(m16, mxall[i])
    gmax = jnp.max(m16)

    pltpu.sync_copy(zeros_hbm, acc.at[pl.ds(sid * rows_per_sub, rows_per_sub)])

    plsc.subcore_barrier()

    @pl.loop(0, nsup)
    def _block(sblk):
        rb = rowbase0 + sblk * jrows
        pltpu.sync_copy(src2_hbm.at[pl.ds(rb, jrows)], srcb)
        pltpu.sync_copy(dst2_hbm.at[pl.ds(rb, jrows)], dstb)
        pltpu.sync_copy(s2_hbm.at[pl.ds(rb, jrows)], sb)
        gather_start(0, rows0, gsem0)

        @pl.loop(0, (jrows - 1) // 2)
        def _pair(t):
            a = 2 * t
            b = a + 1
            gather_wait(a, rows0, gsem0)

            @pl.when(t > 0)
            def _():
                scatter_wait(b - 2, rows1, ssem1)

            gather_start(b, rows1, gsem1)
            scale(a, rows0, gmax)
            scatter_start(a, rows0, ssem0)
            gather_wait(b, rows1, gsem1)
            scatter_wait(a, rows0, ssem0)
            gather_start(a + 2, rows0, gsem0)
            scale(b, rows1, gmax)
            scatter_start(b, rows1, ssem1)

        last = jrows - 1
        gather_wait(last, rows0, gsem0)
        scatter_wait(last - 1, rows1, ssem1)
        scale(last, rows0, gmax)
        pltpu.sync_copy(rows0, acc.at[dstb.at[last]], add=True)

    plsc.subcore_barrier()
    pltpu.sync_copy(acc.at[pl.ds(sid * rows_per_sub, rows_per_sub)],
                    part_hbm.at[cid, pl.ds(sid * rows_per_sub, rows_per_sub)])


def _combine_body(np_pad, da, out_dim, bs, part_hbm, out_hbm, b0, b1, ob):
    cid = lax.axis_index("c")
    sid = lax.axis_index("s")
    wid = sid * NC + cid
    rpt = np_pad // NW
    base = wid * rpt

    @pl.loop(0, rpt // bs)
    def _blk(z):
        off = base + z * bs
        pltpu.sync_copy(part_hbm.at[0, pl.ds(off, bs)], b0)
        pltpu.sync_copy(part_hbm.at[1, pl.ds(off, bs)], b1)

        @plsc.parallel_loop(0, bs, unroll=2)
        def _row(r):
            d16 = b0[r, pl.ds(out_dim, L)] + b1[r, pl.ds(out_dim, L)]
            den = lax.gather(
                d16, jnp.zeros((L, 1), jnp.int32),
                dimension_numbers=lax.GatherDimensionNumbers(
                    offset_dims=(), collapsed_slice_dims=(0,),
                    start_index_map=(0,)),
                slice_sizes=(1,),
                mode=lax.GatherScatterMode.PROMISE_IN_BOUNDS)
            den = jnp.maximum(den, jnp.float32(1e-9))
            for k in range(out_dim // L):
                ob[r, pl.ds(k * L, L)] = (
                    b0[r, pl.ds(k * L, L)] + b1[r, pl.ds(k * L, L)]) / den

        pltpu.sync_copy(ob, out_hbm.at[pl.ds(off, bs)])


@jax.jit
def _run(feat, edge_index, W_lin, b_lin, W_attn, b_attn, mask_w):
    n, in_dim = feat.shape
    out_dim = W_lin.shape[0]
    e = edge_index.shape[1]
    da = out_dim + L
    ept = e // NW
    ch1 = 2000
    ch2 = 80
    jrows = 25
    nsup = ept // (ch2 * jrows)
    rps = -(-n // NS)
    rps = -(-rps // 32) * 32
    np_pad = rps * NS
    assert ept % ch1 == 0 and ch1 % L == 0
    assert ept % (ch2 * jrows) == 0 and ch2 % L == 0 and ch2 <= 128
    assert jrows % 2 == 1

    haug, alpha_s, alpha_d = pl.pallas_call(
        functools.partial(_dense_body, out_dim),
        out_shape=[
            jax.ShapeDtypeStruct((np_pad, da), jnp.float32),
            jax.ShapeDtypeStruct((n, 1), jnp.float32),
            jax.ShapeDtypeStruct((n, 1), jnp.float32),
        ],
    )(feat, W_lin, b_lin, W_attn, b_attn, mask_w)
    alpha_s = alpha_s.reshape(n)
    alpha_d = alpha_d.reshape(n)

    src = edge_index[0]
    dst = edge_index[1]

    mesh = plsc.VectorSubcoreMesh(core_axis_name="c", subcore_axis_name="s",
                                  num_cores=NC, num_subcores=NS)

    score_kernel = pl.kernel(
        functools.partial(_score_body, n, ept, ch1),
        out_type=[
            jax.ShapeDtypeStruct((e,), jnp.float32),
            jax.ShapeDtypeStruct((NW, L), jnp.float32),
        ],
        mesh=mesh,
        scratch_types=[
            pltpu.VMEM((n,), jnp.float32),
            pltpu.VMEM((n,), jnp.float32),
            pltpu.VMEM((ch1,), jnp.int32),
            pltpu.VMEM((ch1,), jnp.int32),
            pltpu.VMEM((ch1,), jnp.float32),
            pltpu.VMEM((L,), jnp.float32),
        ],
        compiler_params=_sc_compiler_params(),
    )
    s, tmax = score_kernel(src, dst, alpha_s, alpha_d)

    src2 = src.reshape(e // ch2, ch2)
    dst2 = dst.reshape(e // ch2, ch2)
    s2 = s.reshape(e // ch2, ch2)

    agg_kernel = pl.kernel(
        functools.partial(_aggregate_body, np_pad, da, ch2, nsup, jrows),
        out_type=jax.ShapeDtypeStruct((NC, np_pad, da), jnp.float32),
        mesh=mesh,
        scratch_types=[
            pltpu.VMEM((jrows, ch2), jnp.int32),
            pltpu.VMEM((jrows, ch2), jnp.int32),
            pltpu.VMEM((jrows, ch2), jnp.float32),
            pltpu.VMEM((ch2, da), jnp.float32),
            pltpu.VMEM((ch2, da), jnp.float32),
            pltpu.VMEM((NW, L), jnp.float32),
            pltpu.VMEM((ch2,), jnp.float32),
            pltpu.VMEM_SHARED((np_pad, da), jnp.float32),
            pltpu.SemaphoreType.DMA,
            pltpu.SemaphoreType.DMA,
            pltpu.SemaphoreType.DMA,
            pltpu.SemaphoreType.DMA,
        ],
        compiler_params=_sc_compiler_params(),
    )
    zeros = jnp.zeros((np_pad // NS, da), jnp.float32)
    part = agg_kernel(src2, dst2, s2, tmax, haug, zeros)

    bs = 64
    assert (np_pad // NW) % bs == 0
    combine_kernel = pl.kernel(
        functools.partial(_combine_body, np_pad, da, out_dim, bs),
        out_type=jax.ShapeDtypeStruct((np_pad, out_dim), jnp.float32),
        mesh=mesh,
        scratch_types=[
            pltpu.VMEM((bs, da), jnp.float32),
            pltpu.VMEM((bs, da), jnp.float32),
            pltpu.VMEM((bs, out_dim), jnp.float32),
        ],
        compiler_params=_sc_compiler_params(),
    )
    h_new = combine_kernel(part)
    return h_new[:n]


def kernel(feat, edge_index, W_lin, b_lin, W_attn, b_attn, mask_w):
    return _run(feat, edge_index, W_lin, b_lin, W_attn, b_attn, mask_w)

# --- scband reference (transcript-rebuilt; emitter-appended) ---
"""Pipeline reference for scband-biclique-attention-layer-37194416783611 (READ-ONLY COPY).

The authoritative reference and input builder live on the scoring server;
editing this copy changes nothing except your own understanding.
"""

import jax, jax.numpy as jnp
import numpy as np

N = 10000
E = 320000
IN_DIM = 128
OUT_DIM = 128


def setup_inputs(seed: int = 0) -> dict:
    key = jax.random.key(seed)
    ks = jax.random.split(key, 8)
    feat = jax.random.normal(ks[0], (N, IN_DIM), dtype=jnp.float32)
    edge_index = jax.random.randint(ks[1], (2, E), 0, N, dtype=jnp.int32)
    W_lin = jax.random.normal(ks[2], (OUT_DIM, IN_DIM), dtype=jnp.float32) * (1.0 / np.sqrt(IN_DIM))
    b_lin = jnp.zeros((OUT_DIM,), dtype=jnp.float32)
    W_attn = jax.random.normal(ks[3], (1, 2 * OUT_DIM), dtype=jnp.float32) * (1.0 / np.sqrt(2 * OUT_DIM))
    b_attn = jnp.zeros((1,), dtype=jnp.float32)
    mask_w = jnp.ones((IN_DIM,), dtype=jnp.float32)
    return {"feat": feat, "edge_index": edge_index, "W_lin": W_lin, "b_lin": b_lin, "W_attn": W_attn, "b_attn": b_attn, "mask_w": mask_w}


def reference(feat, edge_index, W_lin, b_lin, W_attn, b_attn, mask_w):
    # feature masking: feat * sigmoid(mask_weights)
    feat_masked = feat * jax.nn.sigmoid(mask_w)[None, :]
    # h = Linear(feat_masked)
    h = feat_masked @ W_lin.T + b_lin
    src = edge_index[0]
    dst = edge_index[1]
    # edge score: leaky_relu(attn_mlp(cat(h_src, h_dst)))
    z = jnp.concatenate([h[src], h[dst]], axis=1)  # [E, 2*OUT]
    score = jax.nn.leaky_relu(z @ W_attn.T + b_attn, negative_slope=0.01)  # [E, 1]
    s = score[:, 0]
    # edge softmax grouped by destination node
    smax = jax.ops.segment_max(s, dst, num_segments=N)
    smax = jnp.where(jnp.isfinite(smax), smax, 0.0)
    ex = jnp.exp(s - smax[dst])
    denom = jax.ops.segment_sum(ex, dst, num_segments=N)
    a = ex / jnp.maximum(denom[dst], 1e-9)
    # message passing: sum over incoming edges of h_src * a
    msg = h[src] * a[:, None]
    h_new = jax.ops.segment_sum(msg, dst, num_segments=N)
    return h_new

if __name__ == "__main__":
    import jax
    _d = setup_inputs()
    print(jax.jit(kernel)(*tuple(_d.values())))

</pallas_src>

<mosaic_0001>
#map = affine_map<(d0, d1) -> (0, 0)>
#map1 = affine_map<(d0, d1) -> (0, 0, 0)>
module attributes {stable_mosaic.version = 14 : i64} {
  func.func @_aggregate_body(%arg0: i32, %arg1: i32, %arg2: memref<4000x80xi32, #tpu.memory_space<hbm>>, %arg3: memref<4000x80xi32, #tpu.memory_space<hbm>>, %arg4: memref<4000x80xf32, #tpu.memory_space<hbm>>, %arg5: memref<32x16xf32, #tpu.memory_space<hbm>>, %arg6: memref<10240x144xf32, #tpu.memory_space<hbm>>, %arg7: memref<640x144xf32, #tpu.memory_space<hbm>>, %arg8: memref<2x10240x144xf32, #tpu.memory_space<hbm>>, %arg9: memref<25x80xi32, #tpu.memory_space<vmem>>, %arg10: memref<25x80xi32, #tpu.memory_space<vmem>>, %arg11: memref<25x80xf32, #tpu.memory_space<vmem>>, %arg12: memref<80x144xf32, #tpu.memory_space<vmem>>, %arg13: memref<80x144xf32, #tpu.memory_space<vmem>>, %arg14: memref<32x16xf32, #tpu.memory_space<vmem>>, %arg15: memref<80xf32, #tpu.memory_space<vmem>>, %arg16: memref<10240x144xf32, #tpu.memory_space<vmem_shared>>, %arg17: memref<!tpu.dma_semaphore, #tpu.memory_space<semaphore_mem>>, %arg18: memref<!tpu.dma_semaphore, #tpu.memory_space<semaphore_mem>>, %arg19: memref<!tpu.dma_semaphore, #tpu.memory_space<semaphore_mem>>, %arg20: memref<!tpu.dma_semaphore, #tpu.memory_space<semaphore_mem>>) attributes {dimension_semantics = [#tpu.dimension_semantics<core_parallel>, #tpu.dimension_semantics<subcore_parallel>], iteration_bounds = array<i64: 2, 16>, scalar_prefetch = 0 : i64, scratch_operands = 12 : i64, tpu.core_type = #tpu.core_type<sc_vector_subcore>, window_params = [{transform_indices = #map}, {transform_indices = #map}, {transform_indices = #map}, {transform_indices = #map}, {transform_indices = #map}, {transform_indices = #map}, {transform_indices = #map1}]} {
    %mul3A = arith.constant 2 : i32
    %mul3A_0 = arith.muli %arg1, %mul3A : i32
    %add3A = arith.addi %mul3A_0, %arg0 : i32
    %mul3A_1 = arith.constant 5 : i32
    %mul3A_2 = arith.muli %add3A, %mul3A_1 : i32
    %mul3A_3 = arith.constant 25 : i32
    %mul3A_4 = arith.muli %mul3A_2, %mul3A_3 : i32
    "tpu.region"() ({
      %run_scoped3A = tpu.sem_alloc : memref<!tpu.dma_semaphore, #tpu.memory_space<semaphore_mem>>
      tpu.enqueue_dma source(%arg5 : memref<32x16xf32, #tpu.memory_space<hbm>>) target(%arg14 : memref<32x16xf32, #tpu.memory_space<vmem>>) target_semaphore(%run_scoped3A : memref<!tpu.dma_semaphore, #tpu.memory_space<semaphore_mem>>)
      tpu.wait_dma2 semaphore(%run_scoped3A : memref<!tpu.dma_semaphore, #tpu.memory_space<semaphore_mem>>) src(%arg5 : memref<32x16xf32, #tpu.memory_space<hbm>>) dst(%arg14 : memref<32x16xf32, #tpu.memory_space<vmem>>)
      tpu.yield
    }) : () -> ()
    %get3A = arith.constant 0 : i32
    %get3A_5 = arith.index_cast %get3A : i32 to index
    %get3A_6 = arith.constant 0 : index
    %get3A_7 = tpu.vector_load %arg14[%get3A_5, %get3A_6] {strides = array<i32>} : memref<32x16xf32, #tpu.memory_space<vmem>>, vector<16xf32>,
    %get3A_8 = arith.constant 1 : i32
    %get3A_9 = arith.index_cast %get3A_8 : i32 to index
    %get3A_10 = arith.constant 0 : index
    %get3A_11 = tpu.vector_load %arg14[%get3A_9, %get3A_10] {strides = array<i32>} : memref<32x16xf32, #tpu.memory_space<vmem>>, vector<16xf32>,
    %max3A = arith.maximumf %get3A_7, %get3A_11 : vector<16xf32>
    %get3A_12 = arith.constant 2 : i32
    %get3A_13 = arith.index_cast %get3A_12 : i32 to index
    %get3A_14 = arith.constant 0 : index
    %get3A_15 = tpu.vector_load %arg14[%get3A_13, %get3A_14] {strides = array<i32>} : memref<32x16xf32, #tpu.memory_space<vmem>>, vector<16xf32>,
    %max3A_16 = arith.maximumf %max3A, %get3A_15 : vector<16xf32>
    %get3A_17 = arith.constant 3 : i32
    %get3A_18 = arith.index_cast %get3A_17 : i32 to index
    %get3A_19 = arith.constant 0 : index
    %get3A_20 = tpu.vector_load %arg14[%get3A_18, %get3A_19] {strides = array<i32>} : memref<32x16xf32, #tpu.memory_space<vmem>>, vector<16xf32>,
    %max3A_21 = arith.maximumf %max3A_16, %get3A_20 : vector<16xf32>
    %get3A_22 = arith.constant 4 : i32
    %get3A_23 = arith.index_cast %get3A_22 : i32 to index
    %get3A_24 = arith.constant 0 : index
    %get3A_25 = tpu.vector_load %arg14[%get3A_23, %get3A_24] {strides = array<i32>} : memref<32x16xf32, #tpu.memory_space<vmem>>, vector<16xf32>,
    %max3A_26 = arith.maximumf %max3A_21, %get3A_25 : vector<16xf32>
    %get3A_27 = arith.constant 5 : i32
    %get3A_28 = arith.index_cast %get3A_27 : i32 to index
    %get3A_29 = arith.constant 0 : index
    %get3A_30 = tpu.vector_load %arg14[%get3A_28, %get3A_29] {strides = array<i32>} : memref<32x16xf32, #tpu.memory_space<vmem>>, vector<16xf32>,
    %max3A_31 = arith.maximumf %max3A_26, %get3A_30 : vector<16xf32>
    %get3A_32 = arith.constant 6 : i32
    %get3A_33 = arith.index_cast %get3A_32 : i32 to index
    %get3A_34 = arith.constant 0 : index
    %get3A_35 = tpu.vector_load %arg14[%get3A_33, %get3A_34] {strides = array<i32>} : memref<32x16xf32, #tpu.memory_space<vmem>>, vector<16xf32>,
    %max3A_36 = arith.maximumf %max3A_31, %get3A_35 : vector<16xf32>
    %get3A_37 = arith.constant 7 : i32
    %get3A_38 = arith.index_cast %get3A_37 : i32 to index
    %get3A_39 = arith.constant 0 : index
    %get3A_40 = tpu.vector_load %arg14[%get3A_38, %get3A_39] {strides = array<i32>} : memref<32x16xf32, #tpu.memory_space<vmem>>, vector<16xf32>,
    %max3A_41 = arith.maximumf %max3A_36, %get3A_40 : vector<16xf32>
    %get3A_42 = arith.constant 8 : i32
    %get3A_43 = arith.index_cast %get3A_42 : i32 to index
    %get3A_44 = arith.constant 0 : index
    %get3A_45 = tpu.vector_load %arg14[%get3A_43, %get3A_44] {strides = array<i32>} : memref<32x16xf32, #tpu.memory_space<vmem>>, vector<16xf32>,
    %max3A_46 = arith.maximumf %max3A_41, %get3A_45 : vector<16xf32>
    %get3A_47 = arith.constant 9 : i32
    %get3A_48 = arith.index_cast %get3A_47 : i32 to index
    %get3A_49 = arith.constant 0 : index
    %get3A_50 = tpu.vector_load %arg14[%get3A_48, %get3A_49] {strides = array<i32>} : memref<32x16xf32, #tpu.memory_space<vmem>>, vector<16xf32>,
    %max3A_51 = arith.maximumf %max3A_46, %get3A_50 : vector<16xf32>
    %get3A_52 = arith.constant 10 : i32
    %get3A_53 = arith.index_cast %get3A_52 : i32 to index
    %get3A_54 = arith.constant 0 : index
    %get3A_55 = tpu.vector_load %arg14[%get3A_53, %get3A_54] {strides = array<i32>} : memref<32x16xf32, #tpu.memory_space<vmem>>, vector<16xf32>,
    %max3A_56 = arith.maximumf %max3A_51, %get3A_55 : vector<16xf32>
    %get3A_57 = arith.constant 11 : i32
    %get3A_58 = arith.index_cast %get3A_57 : i32 to index
    %get3A_59 = arith.constant 0 : index
    %get3A_60 = tpu.vector_load %arg14[%get3A_58, %get3A_59] {strides = array<i32>} : memref<32x16xf32, #tpu.memory_space<vmem>>, vector<16xf32>,
    %max3A_61 = arith.maximumf %max3A_56, %get3A_60 : vector<16xf32>
    %get3A_62 = arith.constant 12 : i32
    %get3A_63 = arith.index_cast %get3A_62 : i32 to index
    %get3A_64 = arith.constant 0 : index
    %get3A_65 = tpu.vector_load %arg14[%get3A_63, %get3A_64] {strides = array<i32>} : memref<32x16xf32, #tpu.memory_space<vmem>>, vector<16xf32>,
    %max3A_66 = arith.maximumf %max3A_61, %get3A_65 : vector<16xf32>
    %get3A_67 = arith.constant 13 : i32
    %get3A_68 = arith.index_cast %get3A_67 : i32 to index
    %get3A_69 = arith.constant 0 : index
    %get3A_70 = tpu.vector_load %arg14[%get3A_68, %get3A_69] {strides = array<i32>} : memref<32x16xf32, #tpu.memory_space<vmem>>, vector<16xf32>,
    %max3A_71 = arith.maximumf %max3A_66, %get3A_70 : vector<16xf32>
    %get3A_72 = arith.constant 14 : i32
    %get3A_73 = arith.index_cast %get3A_72 : i32 to index
    %get3A_74 = arith.constant 0 : index
    %get3A_75 = tpu.vector_load %arg14[%get3A_73, %get3A_74] {strides = array<i32>} : memref<32x16xf32, #tpu.memory_space<vmem>>, vector<16xf32>,
    %max3A_76 = arith.maximumf %max3A_71, %get3A_75 : vector<16xf32>
    %get3A_77 = arith.constant 15 : i32
    %get3A_78 = arith.index_cast %get3A_77 : i32 to index
    %get3A_79 = arith.constant 0 : index
    %get3A_80 = tpu.vector_load %arg14[%get3A_78, %get3A_79] {strides = array<i32>} : memref<32x16xf32, #tpu.memory_space<vmem>>, vector<16xf32>,
    %max3A_81 = arith.maximumf %max3A_76, %get3A_80 : vector<16xf32>
    %get3A_82 = arith.constant 16 : i32
    %get3A_83 = arith.index_cast %get3A_82 : i32 to index
    %get3A_84 = arith.constant 0 : index
    %get3A_85 = tpu.vector_load %arg14[%get3A_83, %get3A_84] {strides = array<i32>} : memref<32x16xf32, #tpu.memory_space<vmem>>, vector<16xf32>,
    %max3A_86 = arith.maximumf %max3A_81, %get3A_85 : vector<16xf32>
    %get3A_87 = arith.constant 17 : i32
    %get3A_88 = arith.index_cast %get3A_87 : i32 to index
    %get3A_89 = arith.constant 0 : index
    %get3A_90 = tpu.vector_load %arg14[%get3A_88, %get3A_89] {strides = array<i32>} : memref<32x16xf32, #tpu.memory_space<vmem>>, vector<16xf32>,
    %max3A_91 = arith.maximumf %max3A_86, %get3A_90 : vector<16xf32>
    %get3A_92 = arith.constant 18 : i32
    %get3A_93 = arith.index_cast %get3A_92 : i32 to index
    %get3A_94 = arith.constant 0 : index
    %get3A_95 = tpu.vector_load %arg14[%get3A_93, %get3A_94] {strides = array<i32>} : memref<32x16xf32, #tpu.memory_space<vmem>>, vector<16xf32>,
    %max3A_96 = arith.maximumf %max3A_91, %get3A_95 : vector<16xf32>
    %get3A_97 = arith.constant 19 : i32
    %get3A_98 = arith.index_cast %get3A_97 : i32 to index
    %get3A_99 = arith.constant 0 : index
    %get3A_100 = tpu.vector_load %arg14[%get3A_98, %get3A_99] {strides = array<i32>} : memref<32x16xf32, #tpu.memory_space<vmem>>, vector<16xf32>,
    %max3A_101 = arith.maximumf %max3A_96, %get3A_100 : vector<16xf32>
    %get3A_102 = arith.constant 20 : i32
    %get3A_103 = arith.index_cast %get3A_102 : i32 to index
    %get3A_104 = arith.constant 0 : index
    %get3A_105 = tpu.vector_load %arg14[%get3A_103, %get3A_104] {strides = array<i32>} : memref<32x16xf32, #tpu.memory_space<vmem>>, vector<16xf32>,
    %max3A_106 = arith.maximumf %max3A_101, %get3A_105 : vector<16xf32>
    %get3A_107 = arith.constant 21 : i32
    %get3A_108 = arith.index_cast %get3A_107 : i32 to index
    %get3A_109 = arith.constant 0 : index
    %get3A_110 = tpu.vector_load %arg14[%get3A_108, %get3A_109] {strides = array<i32>} : memref<32x16xf32, #tpu.memory_space<vmem>>, vector<16xf32>,
    %max3A_111 = arith.maximumf %max3A_106, %get3A_110 : vector<16xf32>
    %get3A_112 = arith.constant 22 : i32
    %get3A_113 = arith.index_cast %get3A_112 : i32 to index
    %get3A_114 = arith.constant 0 : index
    %get3A_115 = tpu.vector_load %arg14[%get3A_113, %get3A_114] {strides = array<i32>} : memref<32x16xf32, #tpu.memory_space<vmem>>, vector<16xf32>,
    %max3A_116 = arith.maximumf %max3A_111, %get3A_115 : vector<16xf32>
    %get3A_117 = arith.constant 23 : i32
    %get3A_118 = arith.index_cast %get3A_117 : i32 to index
    %get3A_119 = arith.constant 0 : index
    %get3A_120 = tpu.vector_load %arg14[%get3A_118, %get3A_119] {strides = array<i32>} : memref<32x16xf32, #tpu.memory_space<vmem>>, vector<16xf32>,
    %max3A_121 = arith.maximumf %max3A_116, %get3A_120 : vector<16xf32>
    %get3A_122 = arith.constant 24 : i32
    %get3A_123 = arith.index_cast %get3A_122 : i32 to index
    %get3A_124 = arith.constant 0 : index
    %get3A_125 = tpu.vector_load %arg14[%get3A_123, %get3A_124] {strides = array<i32>} : memref<32x16xf32, #tpu.memory_space<vmem>>, vector<16xf32>,
    %max3A_126 = arith.maximumf %max3A_121, %get3A_125 : vector<16xf32>
    %get3A_127 = arith.constant 25 : i32
    %get3A_128 = arith.index_cast %get3A_127 : i32 to index
    %get3A_129 = arith.constant 0 : index
    %get3A_130 = tpu.vector_load %arg14[%get3A_128, %get3A_129] {strides = array<i32>} : memref<32x16xf32, #tpu.memory_space<vmem>>, vector<16xf32>,
    %max3A_131 = arith.maximumf %max3A_126, %get3A_130 : vector<16xf32>
    %get3A_132 = arith.constant 26 : i32
    %get3A_133 = arith.index_cast %get3A_132 : i32 to index
    %get3A_134 = arith.constant 0 : index
    %get3A_135 = tpu.vector_load %arg14[%get3A_133, %get3A_134] {strides = array<i32>} : memref<32x16xf32, #tpu.memory_space<vmem>>, vector<16xf32>,
    %max3A_136 = arith.maximumf %max3A_131, %get3A_135 : vector<16xf32>
    %get3A_137 = arith.constant 27 : i32
    %get3A_138 = arith.index_cast %get3A_137 : i32 to index
    %get3A_139 = arith.constant 0 : index
    %get3A_140 = tpu.vector_load %arg14[%get3A_138, %get3A_139] {strides = array<i32>} : memref<32x16xf32, #tpu.memory_space<vmem>>, vector<16xf32>,
    %max3A_141 = arith.maximumf %max3A_136, %get3A_140 : vector<16xf32>
    %get3A_142 = arith.constant 28 : i32
    %get3A_143 = arith.index_cast %get3A_142 : i32 to index
    %get3A_144 = arith.constant 0 : index
    %get3A_145 = tpu.vector_load %arg14[%get3A_143, %get3A_144] {strides = array<i32>} : memref<32x16xf32, #tpu.memory_space<vmem>>, vector<16xf32>,
    %max3A_146 = arith.maximumf %max3A_141, %get3A_145 : vector<16xf32>
    %get3A_147 = arith.constant 29 : i32
    %get3A_148 = arith.index_cast %get3A_147 : i32 to index
    %get3A_149 = arith.constant 0 : index
    %get3A_150 = tpu.vector_load %arg14[%get3A_148, %get3A_149] {strides = array<i32>} : memref<32x16xf32, #tpu.memory_space<vmem>>, vector<16xf32>,
    %max3A_151 = arith.maximumf %max3A_146, %get3A_150 : vector<16xf32>
    %get3A_152 = arith.constant 30 : i32
    %get3A_153 = arith.index_cast %get3A_152 : i32 to index
    %get3A_154 = arith.constant 0 : index
    %get3A_155 = tpu.vector_load %arg14[%get3A_153, %get3A_154] {strides = array<i32>} : memref<32x16xf32, #tpu.memory_space<vmem>>, vector<16xf32>,
    %max3A_156 = arith.maximumf %max3A_151, %get3A_155 : vector<16xf32>
    %get3A_157 = arith.constant 31 : i32
    %get3A_158 = arith.index_cast %get3A_157 : i32 to index
    %get3A_159 = arith.constant 0 : index
    %get3A_160 = tpu.vector_load %arg14[%get3A_158, %get3A_159] {strides = array<i32>} : memref<32x16xf32, #tpu.memory_space<vmem>>, vector<16xf32>,
    %max3A_161 = arith.maximumf %max3A_156, %get3A_160 : vector<16xf32>
    %reduce_max3A = arith.constant true
    %reduce_max3A_162 = vector.broadcast %reduce_max3A : i1 to vector<16xi1>
    %reduce_max3A_163 = tpu.scan <max>, %max3A_161 masked %reduce_max3A_162 : vector<16xf32>, vector<16xi1> -> vector<16xf32>
    %reduce_max3A_164 = vector.extract %reduce_max3A_163[15] : f32 from vector<16xf32>
    %mul3A_165 = arith.constant 640 : i32
    %mul3A_166 = arith.muli %arg1, %mul3A_165 : i32
    "tpu.region"() ({
      %run_scoped3A = tpu.sem_alloc : memref<!tpu.dma_semaphore, #tpu.memory_space<semaphore_mem>>
      %dma_start3A = arith.constant 0 : i32
      %dma_start3A_176 = tpu.memref_slice %arg16[%mul3A_166, %dma_start3A] : memref<10240x144xf32, #tpu.memory_space<vmem_shared>> -> memref<640x144xf32, #tpu.memory_space<vmem_shared>>
      tpu.enqueue_dma source(%arg7 : memref<640x144xf32, #tpu.memory_space<hbm>>) target(%dma_start3A_176 : memref<640x144xf32, #tpu.memory_space<vmem_shared>>) target_semaphore(%run_scoped3A : memref<!tpu.dma_semaphore, #tpu.memory_space<semaphore_mem>>)
      %dma_wait3A = arith.constant 0 : i32
      %dma_wait3A_177 = tpu.memref_slice %arg16[%mul3A_166, %dma_wait3A] : memref<10240x144xf32, #tpu.memory_space<vmem_shared>> -> memref<640x144xf32, #tpu.memory_space<vmem_shared>>
      tpu.wait_dma2 semaphore(%run_scoped3A : memref<!tpu.dma_semaphore, #tpu.memory_space<semaphore_mem>>) src(%arg7 : memref<640x144xf32, #tpu.memory_space<hbm>>) dst(%dma_wait3A_177 : memref<640x144xf32, #tpu.memory_space<vmem_shared>>)
      tpu.yield
    }) : () -> ()
    %barrier3A = arith.constant 0 : index
    tpu.barrier barrier_id(%barrier3A)
    %scan3A = arith.constant 0 : i32
    %scan3A_167 = arith.constant 5 : i32
    %scan3A_168 = arith.addi %scan3A, %scan3A_167 : i32
    %scan3A_169 = arith.constant 1 : i32
    scf.for %scan3A_176 = %scan3A to %scan3A_168 step %scan3A_169  : i32 {
      %mul3A_177 = arith.constant 1 : i32
      %mul3A_178 = arith.muli %scan3A_176, %mul3A_177 : i32
      %add3A_179 = arith.constant 0 : i32
      %add3A_180 = arith.addi %add3A_179, %mul3A_178 : i32
      %mul3A_181 = arith.constant 25 : i32
      %mul3A_182 = arith.muli %add3A_180, %mul3A_181 : i32
      %add3A_183 = arith.addi %mul3A_4, %mul3A_182 : i32
      "tpu.region"() ({
        %run_scoped3A_215 = tpu.sem_alloc : memref<!tpu.dma_semaphore, #tpu.memory_space<semaphore_mem>>
        %dma_start3A_216 = arith.constant 0 : i32
        %dma_start3A_217 = tpu.memref_slice %arg2[%add3A_183, %dma_start3A_216] : memref<4000x80xi32, #tpu.memory_space<hbm>> -> memref<25x80xi32, #tpu.memory_space<hbm>>
        %dma_start3A_218 = arith.constant 0 : i32
        %dma_start3A_219 = tpu.memref_slice %arg2[%add3A_183, %dma_start3A_218] : memref<4000x80xi32, #tpu.memory_space<hbm>> -> memref<25x80xi32, #tpu.memory_space<hbm>>
        tpu.enqueue_dma source(%dma_start3A_219 : memref<25x80xi32, #tpu.memory_space<hbm>>) target(%arg9 : memref<25x80xi32, #tpu.memory_space<vmem>>) target_semaphore(%run_scoped3A_215 : memref<!tpu.dma_semaphore, #tpu.memory_space<semaphore_mem>>)
        %dma_wait3A_220 = arith.constant 0 : i32
        %dma_wait3A_221 = tpu.memref_slice %arg2[%add3A_183, %dma_wait3A_220] : memref<4000x80xi32, #tpu.memory_space<hbm>> -> memref<25x80xi32, #tpu.memory_space<hbm>>
        %dma_wait3A_222 = arith.constant 0 : i32
        %dma_wait3A_223 = tpu.memref_slice %arg2[%add3A_183, %dma_wait3A_222] : memref<4000x80xi32, #tpu.memory_space<hbm>> -> memref<25x80xi32, #tpu.memory_space<hbm>>
        tpu.wait_dma2 semaphore(%run_scoped3A_215 : memref<!tpu.dma_semaphore, #tpu.memory_space<semaphore_mem>>) src(%dma_wait3A_223 : memref<25x80xi32, #tpu.memory_space<hbm>>) dst(%arg9 : memref<25x80xi32, #tpu.memory_space<vmem>>)
        tpu.yield
      }) : () -> ()
      "tpu.region"() ({
        %run_scoped3A_215 = tpu.sem_alloc : memref<!tpu.dma_semaphore, #tpu.memory_space<semaphore_mem>>
        %dma_start3A_216 = arith.constant 0 : i32
        %dma_start3A_217 = tpu.memref_slice %arg3[%add3A_183, %dma_start3A_216] : memref<4000x80xi32, #tpu.memory_space<hbm>> -> memref<25x80xi32, #tpu.memory_space<hbm>>
        %dma_start3A_218 = arith.constant 0 : i32
        %dma_start3A_219 = tpu.memref_slice %arg3[%add3A_183, %dma_start3A_218] : memref<4000x80xi32, #tpu.memory_space<hbm>> -> memref<25x80xi32, #tpu.memory_space<hbm>>
        tpu.enqueue_dma source(%dma_start3A_219 : memref<25x80xi32, #tpu.memory_space<hbm>>) target(%arg10 : memref<25x80xi32, #tpu.memory_space<vmem>>) target_semaphore(%run_scoped3A_215 : memref<!tpu.dma_semaphore, #tpu.memory_space<semaphore_mem>>)
        %dma_wait3A_220 = arith.constant 0 : i32
        %dma_wait3A_221 = tpu.memref_slice %arg3[%add3A_183, %dma_wait3A_220] : memref<4000x80xi32, #tpu.memory_space<hbm>> -> memref<25x80xi32, #tpu.memory_space<hbm>>
        %dma_wait3A_222 = arith.constant 0 : i32
        %dma_wait3A_223 = tpu.memref_slice %arg3[%add3A_183, %dma_wait3A_222] : memref<4000x80xi32, #tpu.memory_space<hbm>> -> memref<25x80xi32, #tpu.memory_space<hbm>>
        tpu.wait_dma2 semaphore(%run_scoped3A_215 : memref<!tpu.dma_semaphore, #tpu.memory_space<semaphore_mem>>) src(%dma_wait3A_223 : memref<25x80xi32, #tpu.memory_space<hbm>>) dst(%arg10 : memref<25x80xi32, #tpu.memory_space<vmem>>)
        tpu.yield
      }) : () -> ()
      "tpu.region"() ({
        %run_scoped3A_215 = tpu.sem_alloc : memref<!tpu.dma_semaphore, #tpu.memory_space<semaphore_mem>>
        %dma_start3A_216 = arith.constant 0 : i32
        %dma_start3A_217 = tpu.memref_slice %arg4[%add3A_183, %dma_start3A_216] : memref<4000x80xf32, #tpu.memory_space<hbm>> -> memref<25x80xf32, #tpu.memory_space<hbm>>
        %dma_start3A_218 = arith.constant 0 : i32
        %dma_start3A_219 = tpu.memref_slice %arg4[%add3A_183, %dma_start3A_218] : memref<4000x80xf32, #tpu.memory_space<hbm>> -> memref<25x80xf32, #tpu.memory_space<hbm>>
        tpu.enqueue_dma source(%dma_start3A_219 : memref<25x80xf32, #tpu.memory_space<hbm>>) target(%arg11 : memref<25x80xf32, #tpu.memory_space<vmem>>) target_semaphore(%run_scoped3A_215 : memref<!tpu.dma_semaphore, #tpu.memory_space<semaphore_mem>>)
        %dma_wait3A_220 = arith.constant 0 : i32
        %dma_wait3A_221 = tpu.memref_slice %arg4[%add3A_183, %dma_wait3A_220] : memref<4000x80xf32, #tpu.memory_space<hbm>> -> memref<25x80xf32, #tpu.memory_space<hbm>>
        %dma_wait3A_222 = arith.constant 0 : i32
        %dma_wait3A_223 = tpu.memref_slice %arg4[%add3A_183, %dma_wait3A_222] : memref<4000x80xf32, #tpu.memory_space<hbm>> -> memref<25x80xf32, #tpu.memory_space<hbm>>
        tpu.wait_dma2 semaphore(%run_scoped3A_215 : memref<!tpu.dma_semaphore, #tpu.memory_space<semaphore_mem>>) src(%dma_wait3A_223 : memref<25x80xf32, #tpu.memory_space<hbm>>) dst(%arg11 : memref<25x80xf32, #tpu.memory_space<vmem>>)
        tpu.yield
      }) : () -> ()
      %dma_start3A = arith.constant 0 : i32
      %dma_start3A_184 = arith.constant 0 : i32
      %dma_start3A_185 = tpu.memref_slice %arg9[%dma_start3A, %dma_start3A_184] : memref<25x80xi32, #tpu.memory_space<vmem>> -> memref<1x80xi32, #tpu.memory_space<vmem>>
      %dma_start3A_186 = tpu.memref_squeeze %dma_start3A_185 : memref<1x80xi32, #tpu.memory_space<vmem>> -> memref<80xi32, #tpu.memory_space<vmem>>
      %dma_start3A_187 = arith.constant 0 : i32
      %dma_start3A_188 = arith.constant 0 : i32
      %dma_start3A_189 = tpu.memref_slice %arg6[%dma_start3A_187, %dma_start3A_188] : memref<10240x144xf32, #tpu.memory_space<hbm>> -> memref<10240x144xf32, #tpu.memory_space<hbm>>
      tpu.enqueue_indirect_dma source(%dma_start3A_189 : memref<10240x144xf32, #tpu.memory_space<hbm>>) target(%arg12 : memref<80x144xf32, #tpu.memory_space<vmem>>) offsets(%dma_start3A_186 : memref<80xi32, #tpu.memory_space<vmem>>) semaphore(%arg17 : memref<!tpu.dma_semaphore, #tpu.memory_space<semaphore_mem>>)
      %scan3A_190 = arith.constant 0 : i32
      %scan3A_191 = arith.constant 12 : i32
      %scan3A_192 = arith.addi %scan3A_190, %scan3A_191 : i32
      %scan3A_193 = arith.constant 1 : i32
      scf.for %scan3A_215 = %scan3A_190 to %scan3A_192 step %scan3A_193  : i32 {
        %mul3A_216 = arith.constant 1 : i32
        %mul3A_217 = arith.muli %scan3A_215, %mul3A_216 : i32
        %add3A_218 = arith.constant 0 : i32
        %add3A_219 = arith.addi %add3A_218, %mul3A_217 : i32
        %mul3A_220 = arith.constant 2 : i32
        %mul3A_221 = arith.muli %mul3A_220, %add3A_219 : i32
        %add3A_222 = arith.constant 1 : i32
        %add3A_223 = arith.addi %mul3A_221, %add3A_222 : i32
        %dma_wait3A_224 = arith.constant 0 : i32
        %dma_wait3A_225 = tpu.memref_slice %arg9[%mul3A_221, %dma_wait3A_224] : memref<25x80xi32, #tpu.memory_space<vmem>> -> memref<1x80xi32, #tpu.memory_space<vmem>>
        %dma_wait3A_226 = tpu.memref_squeeze %dma_wait3A_225 : memref<1x80xi32, #tpu.memory_space<vmem>> -> memref<80xi32, #tpu.memory_space<vmem>>
        %dma_wait3A_227 = arith.constant 0 : i32
        %dma_wait3A_228 = arith.constant 0 : i32
        %dma_wait3A_229 = tpu.memref_slice %arg6[%dma_wait3A_227, %dma_wait3A_228] : memref<10240x144xf32, #tpu.memory_space<hbm>> -> memref<10240x144xf32, #tpu.memory_space<hbm>>
        tpu.wait_indirect_dma semaphore(%arg17 : memref<!tpu.dma_semaphore, #tpu.memory_space<semaphore_mem>>) src(%dma_wait3A_229 : memref<10240x144xf32, #tpu.memory_space<hbm>>) dst(%arg12 : memref<80x144xf32, #tpu.memory_space<vmem>>)
        %gt3A = arith.constant 0 : i32
        %gt3A_230 = arith.cmpi sgt, %add3A_219, %gt3A : i32
        %convert_element_type3A = arith.extui %gt3A_230 : i1 to i32
        %cond3A = arith.constant 0 : i32
        %cond3A_231 = arith.cmpi ne, %convert_element_type3A, %cond3A : i32
        scf.if %cond3A_231 {
          %sub3A = arith.constant 2 : i32
          %sub3A_286 = arith.subi %add3A_223, %sub3A : i32
          %dma_wait3A_287 = arith.constant 0 : i32
          %dma_wait3A_288 = tpu.memref_slice %arg10[%sub3A_286, %dma_wait3A_287] : memref<25x80xi32, #tpu.memory_space<vmem>> -> memref<1x80xi32, #tpu.memory_space<vmem>>
          %dma_wait3A_289 = tpu.memref_squeeze %dma_wait3A_288 : memref<1x80xi32, #tpu.memory_space<vmem>> -> memref<80xi32, #tpu.memory_space<vmem>>
          %dma_wait3A_290 = arith.constant 0 : i32
          %dma_wait3A_291 = arith.constant 0 : i32
          %dma_wait3A_292 = tpu.memref_slice %arg16[%dma_wait3A_290, %dma_wait3A_291] : memref<10240x144xf32, #tpu.memory_space<vmem_shared>> -> memref<10240x144xf32, #tpu.memory_space<vmem_shared>>
          tpu.wait_indirect_dma semaphore(%arg20 : memref<!tpu.dma_semaphore, #tpu.memory_space<semaphore_mem>>) src(%arg13 : memref<80x144xf32, #tpu.memory_space<vmem>>) dst(%dma_wait3A_292 : memref<10240x144xf32, #tpu.memory_space<vmem_shared>>)
        } else {
        }
        %dma_start3A_232 = arith.constant 0 : i32
        %dma_start3A_233 = tpu.memref_slice %arg9[%add3A_223, %dma_start3A_232] : memref<25x80xi32, #tpu.memory_space<vmem>> -> memref<1x80xi32, #tpu.memory_space<vmem>>
        %dma_start3A_234 = tpu.memref_squeeze %dma_start3A_233 : memref<1x80xi32, #tpu.memory_space<vmem>> -> memref<80xi32, #tpu.memory_space<vmem>>
        %dma_start3A_235 = arith.constant 0 : i32
        %dma_start3A_236 = arith.constant 0 : i32
        %dma_start3A_237 = tpu.memref_slice %arg6[%dma_start3A_235, %dma_start3A_236] : memref<10240x144xf32, #tpu.memory_space<hbm>> -> memref<10240x144xf32, #tpu.memory_space<hbm>>
        tpu.enqueue_indirect_dma source(%dma_start3A_237 : memref<10240x144xf32, #tpu.memory_space<hbm>>) target(%arg13 : memref<80x144xf32, #tpu.memory_space<vmem>>) offsets(%dma_start3A_234 : memref<80xi32, #tpu.memory_space<vmem>>) semaphore(%arg18 : memref<!tpu.dma_semaphore, #tpu.memory_space<semaphore_mem>>)
        %scan3A_238 = arith.constant 0 : i32
        %scan3A_239 = arith.constant 5 : i32
        %scan3A_240 = arith.addi %scan3A_238, %scan3A_239 : i32
        %scan3A_241 = arith.constant 1 : i32
        scf.for %scan3A_286 = %scan3A_238 to %scan3A_240 step %scan3A_241  : i32 {
          %mul3A_287 = arith.constant 1 : i32
          %mul3A_288 = arith.muli %scan3A_286, %mul3A_287 : i32
          %add3A_289 = arith.constant 0 : i32
          %add3A_290 = arith.addi %add3A_289, %mul3A_288 : i32
          %mul3A_291 = arith.constant 16 : i32
          %mul3A_292 = arith.muli %add3A_290, %mul3A_291 : i32
          %get3A_293 = arith.index_cast %mul3A_221 : i32 to index
          %get3A_294 = arith.index_cast %mul3A_292 : i32 to index
          %get3A_295 = tpu.vector_load %arg11[%get3A_293, %get3A_294] {strides = array<i32>} : memref<25x80xf32, #tpu.memory_space<vmem>>, vector<16xf32>,
          %sub3A = vector.broadcast %reduce_max3A_164 : f32 to vector<16xf32>
          %sub3A_296 = arith.subf %get3A_295, %sub3A : vector<16xf32>
          %exp3A = math.exp %sub3A_296 : vector<16xf32>
          %mul3A_297 = arith.constant 16 : i32
          %mul3A_298 = arith.muli %add3A_290, %mul3A_297 : i32
          %swap3A = arith.index_cast %mul3A_298 : i32 to index
          %swap3A_299 = tpu.vector_load %arg15[%swap3A] {strides = array<i32>} : memref<80xf32, #tpu.memory_space<vmem>>, vector<16xf32>,
          tpu.vector_store %arg15[%swap3A], %exp3A {strides = array<i32>} : memref<80xf32, #tpu.memory_space<vmem>>, vector<16xf32>,
        }
        %scan3A_242 = arith.constant 5 : i32
        %parallel_loop3A_243 = arith.constant 0 : i32
        %parallel_loop3A_244 = arith.constant 80 : i32
        %parallel_loop3A_245 = arith.constant 1 : i32
        scf.for %parallel_loop3A_286 = %parallel_loop3A_243 to %parallel_loop3A_244 step %parallel_loop3A_245  : i32 {
          %parallel_loop3A_287 = vector.broadcast %parallel_loop3A_286 : i32 to vector<16xi32>
          %parallel_loop3A_288 = tpu.vector_load_idx %arg15[%parallel_loop3A_287] : memref<80xf32, #tpu.memory_space<vmem>>[vector<16xi32>], vector<16xf32>,
          %parallel_loop3A_289 = arith.index_cast %parallel_loop3A_286 : i32 to index
          %parallel_loop3A_290 = arith.constant 0 : index
          %parallel_loop3A_291 = tpu.vector_load %arg12[%parallel_loop3A_289, %parallel_loop3A_290] {strides = array<i32>} : memref<80x144xf32, #tpu.memory_space<vmem>>, vector<16xf32>,
          %parallel_loop3A_292 = arith.mulf %parallel_loop3A_291, %parallel_loop3A_288 : vector<16xf32>
          %parallel_loop3A_293 = arith.index_cast %parallel_loop3A_286 : i32 to index
          %parallel_loop3A_294 = arith.constant 0 : index
          %parallel_loop3A_295 = tpu.vector_load %arg12[%parallel_loop3A_293, %parallel_loop3A_294] {strides = array<i32>} : memref<80x144xf32, #tpu.memory_space<vmem>>, vector<16xf32>,
          tpu.vector_store %arg12[%parallel_loop3A_293, %parallel_loop3A_294], %parallel_loop3A_292 {strides = array<i32>} : memref<80x144xf32, #tpu.memory_space<vmem>>, vector<16xf32>,
          %parallel_loop3A_296 = arith.index_cast %parallel_loop3A_286 : i32 to index
          %parallel_loop3A_297 = arith.constant 16 : index
          %parallel_loop3A_298 = tpu.vector_load %arg12[%parallel_loop3A_296, %parallel_loop3A_297] {strides = array<i32>} : memref<80x144xf32, #tpu.memory_space<vmem>>, vector<16xf32>,
          %parallel_loop3A_299 = arith.mulf %parallel_loop3A_298, %parallel_loop3A_288 : vector<16xf32>
          %parallel_loop3A_300 = arith.index_cast %parallel_loop3A_286 : i32 to index
          %parallel_loop3A_301 = arith.constant 16 : index
          %parallel_loop3A_302 = tpu.vector_load %arg12[%parallel_loop3A_300, %parallel_loop3A_301] {strides = array<i32>} : memref<80x144xf32, #tpu.memory_space<vmem>>, vector<16xf32>,
          tpu.vector_store %arg12[%parallel_loop3A_300, %parallel_loop3A_301], %parallel_loop3A_299 {strides = array<i32>} : memref<80x144xf32, #tpu.memory_space<vmem>>, vector<16xf32>,
          %parallel_loop3A_303 = arith.index_cast %parallel_loop3A_286 : i32 to index
          %parallel_loop3A_304 = arith.constant 32 : index
          %parallel_loop3A_305 = tpu.vector_load %arg12[%parallel_loop3A_303, %parallel_loop3A_304] {strides = array<i32>} : memref<80x144xf32, #tpu.memory_space<vmem>>, vector<16xf32>,
          %parallel_loop3A_306 = arith.mulf %parallel_loop3A_305, %parallel_loop3A_288 : vector<16xf32>
          %parallel_loop3A_307 = arith.index_cast %parallel_loop3A_286 : i32 to index
          %parallel_loop3A_308 = arith.constant 32 : index
          %parallel_loop3A_309 = tpu.vector_load %arg12[%parallel_loop3A_307, %parallel_loop3A_308] {strides = array<i32>} : memref<80x144xf32, #tpu.memory_space<vmem>>, vector<16xf32>,
          tpu.vector_store %arg12[%parallel_loop3A_307, %parallel_loop3A_308], %parallel_loop3A_306 {strides = array<i32>} : memref<80x144xf32, #tpu.memory_space<vmem>>, vector<16xf32>,
          %parallel_loop3A_310 = arith.index_cast %parallel_loop3A_286 : i32 to index
          %parallel_loop3A_311 = arith.constant 48 : index
          %parallel_loop3A_312 = tpu.vector_load %arg12[%parallel_loop3A_310, %parallel_loop3A_311] {strides = array<i32>} : memref<80x144xf32, #tpu.memory_space<vmem>>, vector<16xf32>,
          %parallel_loop3A_313 = arith.mulf %parallel_loop3A_312, %parallel_loop3A_288 : vector<16xf32>
          %parallel_loop3A_314 = arith.index_cast %parallel_loop3A_286 : i32 to index
          %parallel_loop3A_315 = arith.constant 48 : index
          %parallel_loop3A_316 = tpu.vector_load %arg12[%parallel_loop3A_314, %parallel_loop3A_315] {strides = array<i32>} : memref<80x144xf32, #tpu.memory_space<vmem>>, vector<16xf32>,
          tpu.vector_store %arg12[%parallel_loop3A_314, %parallel_loop3A_315], %parallel_loop3A_313 {strides = array<i32>} : memref<80x144xf32, #tpu.memory_space<vmem>>, vector<16xf32>,
          %parallel_loop3A_317 = arith.index_cast %parallel_loop3A_286 : i32 to index
          %parallel_loop3A_318 = arith.constant 64 : index
          %parallel_loop3A_319 = tpu.vector_load %arg12[%parallel_loop3A_317, %parallel_loop3A_318] {strides = array<i32>} : memref<80x144xf32, #tpu.memory_space<vmem>>, vector<16xf32>,
          %parallel_loop3A_320 = arith.mulf %parallel_loop3A_319, %parallel_loop3A_288 : vector<16xf32>
          %parallel_loop3A_321 = arith.index_cast %parallel_loop3A_286 : i32 to index
          %parallel_loop3A_322 = arith.constant 64 : index
          %parallel_loop3A_323 = tpu.vector_load %arg12[%parallel_loop3A_321, %parallel_loop3A_322] {strides = array<i32>} : memref<80x144xf32, #tpu.memory_space<vmem>>, vector<16xf32>,
          tpu.vector_store %arg12[%parallel_loop3A_321, %parallel_loop3A_322], %parallel_loop3A_320 {strides = array<i32>} : memref<80x144xf32, #tpu.memory_space<vmem>>, vector<16xf32>,
          %parallel_loop3A_324 = arith.index_cast %parallel_loop3A_286 : i32 to index
          %parallel_loop3A_325 = arith.constant 80 : index
          %parallel_loop3A_326 = tpu.vector_load %arg12[%parallel_loop3A_324, %parallel_loop3A_325] {strides = array<i32>} : memref<80x144xf32, #tpu.memory_space<vmem>>, vector<16xf32>,
          %parallel_loop3A_327 = arith.mulf %parallel_loop3A_326, %parallel_loop3A_288 : vector<16xf32>
          %parallel_loop3A_328 = arith.index_cast %parallel_loop3A_286 : i32 to index
          %parallel_loop3A_329 = arith.constant 80 : index
          %parallel_loop3A_330 = tpu.vector_load %arg12[%parallel_loop3A_328, %parallel_loop3A_329] {strides = array<i32>} : memref<80x144xf32, #tpu.memory_space<vmem>>, vector<16xf32>,
          tpu.vector_store %arg12[%parallel_loop3A_328, %parallel_loop3A_329], %parallel_loop3A_327 {strides = array<i32>} : memref<80x144xf32, #tpu.memory_space<vmem>>, vector<16xf32>,
          %parallel_loop3A_331 = arith.index_cast %parallel_loop3A_286 : i32 to index
          %parallel_loop3A_332 = arith.constant 96 : index
          %parallel_loop3A_333 = tpu.vector_load %arg12[%parallel_loop3A_331, %parallel_loop3A_332] {strides = array<i32>} : memref<80x144xf32, #tpu.memory_space<vmem>>, vector<16xf32>,
          %parallel_loop3A_334 = arith.mulf %parallel_loop3A_333, %parallel_loop3A_288 : vector<16xf32>
          %parallel_loop3A_335 = arith.index_cast %parallel_loop3A_286 : i32 to index
          %parallel_loop3A_336 = arith.constant 96 : index
          %parallel_loop3A_337 = tpu.vector_load %arg12[%parallel_loop3A_335, %parallel_loop3A_336] {strides = array<i32>} : memref<80x144xf32, #tpu.memory_space<vmem>>, vector<16xf32>,
          tpu.vector_store %arg12[%parallel_loop3A_335, %parallel_loop3A_336], %parallel_loop3A_334 {strides = array<i32>} : memref<80x144xf32, #tpu.memory_space<vmem>>, vector<16xf32>,
          %parallel_loop3A_338 = arith.index_cast %parallel_loop3A_286 : i32 to index
          %parallel_loop3A_339 = arith.constant 112 : index
          %parallel_loop3A_340 = tpu.vector_load %arg12[%parallel_loop3A_338, %parallel_loop3A_339] {strides = array<i32>} : memref<80x144xf32, #tpu.memory_space<vmem>>, vector<16xf32>,
          %parallel_loop3A_341 = arith.mulf %parallel_loop3A_340, %parallel_loop3A_288 : vector<16xf32>
          %parallel_loop3A_342 = arith.index_cast %parallel_loop3A_286 : i32 to index
          %parallel_loop3A_343 = arith.constant 112 : index
          %parallel_loop3A_344 = tpu.vector_load %arg12[%parallel_loop3A_342, %parallel_loop3A_343] {strides = array<i32>} : memref<80x144xf32, #tpu.memory_space<vmem>>, vector<16xf32>,
          tpu.vector_store %arg12[%parallel_loop3A_342, %parallel_loop3A_343], %parallel_loop3A_341 {strides = array<i32>} : memref<80x144xf32, #tpu.memory_space<vmem>>, vector<16xf32>,
          %parallel_loop3A_345 = arith.index_cast %parallel_loop3A_286 : i32 to index
          %parallel_loop3A_346 = arith.constant 128 : index
          %parallel_loop3A_347 = tpu.vector_load %arg12[%parallel_loop3A_345, %parallel_loop3A_346] {strides = array<i32>} : memref<80x144xf32, #tpu.memory_space<vmem>>, vector<16xf32>,
          tpu.vector_store %arg12[%parallel_loop3A_345, %parallel_loop3A_346], %parallel_loop3A_288 {strides = array<i32>} : memref<80x144xf32, #tpu.memory_space<vmem>>, vector<16xf32>,
        } {sc.loop_unroll_factor = 4 : i64, sc.parallel_access}
        %dma_start3A_246 = arith.constant 0 : i32
        %dma_start3A_247 = tpu.memref_slice %arg10[%mul3A_221, %dma_start3A_246] : memref<25x80xi32, #tpu.memory_space<vmem>> -> memref<1x80xi32, #tpu.memory_space<vmem>>
        %dma_start3A_248 = tpu.memref_squeeze %dma_start3A_247 : memref<1x80xi32, #tpu.memory_space<vmem>> -> memref<80xi32, #tpu.memory_space<vmem>>
        %dma_start3A_249 = arith.constant 0 : i32
        %dma_start3A_250 = arith.constant 0 : i32
        %dma_start3A_251 = tpu.memref_slice %arg16[%dma_start3A_249, %dma_start3A_250] : memref<10240x144xf32, #tpu.memory_space<vmem_shared>> -> memref<10240x144xf32, #tpu.memory_space<vmem_shared>>
        tpu.enqueue_indirect_dma source(%arg12 : memref<80x144xf32, #tpu.memory_space<vmem>>) target(%dma_start3A_251 : memref<10240x144xf32, #tpu.memory_space<vmem_shared>>) offsets(%dma_start3A_248 : memref<80xi32, #tpu.memory_space<vmem>>) semaphore(%arg19 : memref<!tpu.dma_semaphore, #tpu.memory_space<semaphore_mem>>) {add = true}
        %dma_wait3A_252 = arith.constant 0 : i32
        %dma_wait3A_253 = tpu.memref_slice %arg9[%add3A_223, %dma_wait3A_252] : memref<25x80xi32, #tpu.memory_space<vmem>> -> memref<1x80xi32, #tpu.memory_space<vmem>>
        %dma_wait3A_254 = tpu.memref_squeeze %dma_wait3A_253 : memref<1x80xi32, #tpu.memory_space<vmem>> -> memref<80xi32, #tpu.memory_space<vmem>>
        %dma_wait3A_255 = arith.constant 0 : i32
        %dma_wait3A_256 = arith.constant 0 : i32
        %dma_wait3A_257 = tpu.memref_slice %arg6[%dma_wait3A_255, %dma_wait3A_256] : memref<10240x144xf32, #tpu.memory_space<hbm>> -> memref<10240x144xf32, #tpu.memory_space<hbm>>
        tpu.wait_indirect_dma semaphore(%arg18 : memref<!tpu.dma_semaphore, #tpu.memory_space<semaphore_mem>>) src(%dma_wait3A_257 : memref<10240x144xf32, #tpu.memory_space<hbm>>) dst(%arg13 : memref<80x144xf32, #tpu.memory_space<vmem>>)
        %dma_wait3A_258 = arith.constant 0 : i32
        %dma_wait3A_259 = tpu.memref_slice %arg10[%mul3A_221, %dma_wait3A_258] : memref<25x80xi32, #tpu.memory_space<vmem>> -> memref<1x80xi32, #tpu.memory_space<vmem>>
        %dma_wait3A_260 = tpu.memref_squeeze %dma_wait3A_259 : memref<1x80xi32, #tpu.memory_space<vmem>> -> memref<80xi32, #tpu.memory_space<vmem>>
        %dma_wait3A_261 = arith.constant 0 : i32
        %dma_wait3A_262 = arith.constant 0 : i32
        %dma_wait3A_263 = tpu.memref_slice %arg16[%dma_wait3A_261, %dma_wait3A_262] : memref<10240x144xf32, #tpu.memory_space<vmem_shared>> -> memref<10240x144xf32, #tpu.memory_space<vmem_shared>>
        tpu.wait_indirect_dma semaphore(%arg19 : memref<!tpu.dma_semaphore, #tpu.memory_space<semaphore_mem>>) src(%arg12 : memref<80x144xf32, #tpu.memory_space<vmem>>) dst(%dma_wait3A_263 : memref<10240x144xf32, #tpu.memory_space<vmem_shared>>)
        %add3A_264 = arith.constant 2 : i32
        %add3A_265 = arith.addi %mul3A_221, %add3A_264 : i32
        %dma_start3A_266 = arith.constant 0 : i32
        %dma_start3A_267 = tpu.memref_slice %arg9[%add3A_265, %dma_start3A_266] : memref<25x80xi32, #tpu.memory_space<vmem>> -> memref<1x80xi32, #tpu.memory_space<vmem>>
        %dma_start3A_268 = tpu.memref_squeeze %dma_start3A_267 : memref<1x80xi32, #tpu.memory_space<vmem>> -> memref<80xi32, #tpu.memory_space<vmem>>
        %dma_start3A_269 = arith.constant 0 : i32
        %dma_start3A_270 = arith.constant 0 : i32
        %dma_start3A_271 = tpu.memref_slice %arg6[%dma_start3A_269, %dma_start3A_270] : memref<10240x144xf32, #tpu.memory_space<hbm>> -> memref<10240x144xf32, #tpu.memory_space<hbm>>
        tpu.enqueue_indirect_dma source(%dma_start3A_271 : memref<10240x144xf32, #tpu.memory_space<hbm>>) target(%arg12 : memref<80x144xf32, #tpu.memory_space<vmem>>) offsets(%dma_start3A_268 : memref<80xi32, #tpu.memory_space<vmem>>) semaphore(%arg17 : memref<!tpu.dma_semaphore, #tpu.memory_space<semaphore_mem>>)
        %scan3A_272 = arith.constant 0 : i32
        %scan3A_273 = arith.constant 5 : i32
        %scan3A_274 = arith.addi %scan3A_272, %scan3A_273 : i32
        %scan3A_275 = arith.constant 1 : i32
        scf.for %scan3A_286 = %scan3A_272 to %scan3A_274 step %scan3A_275  : i32 {
          %mul3A_287 = arith.constant 1 : i32
          %mul3A_288 = arith.muli %scan3A_286, %mul3A_287 : i32
          %add3A_289 = arith.constant 0 : i32
          %add3A_290 = arith.addi %add3A_289, %mul3A_288 : i32
          %mul3A_291 = arith.constant 16 : i32
          %mul3A_292 = arith.muli %add3A_290, %mul3A_291 : i32
          %get3A_293 = arith.index_cast %add3A_223 : i32 to index
          %get3A_294 = arith.index_cast %mul3A_292 : i32 to index
          %get3A_295 = tpu.vector_load %arg11[%get3A_293, %get3A_294] {strides = array<i32>} : memref<25x80xf32, #tpu.memory_space<vmem>>, vector<16xf32>,
          %sub3A = vector.broadcast %reduce_max3A_164 : f32 to vector<16xf32>
          %sub3A_296 = arith.subf %get3A_295, %sub3A : vector<16xf32>
          %exp3A = math.exp %sub3A_296 : vector<16xf32>
          %mul3A_297 = arith.constant 16 : i32
          %mul3A_298 = arith.muli %add3A_290, %mul3A_297 : i32
          %swap3A = arith.index_cast %mul3A_298 : i32 to index
          %swap3A_299 = tpu.vector_load %arg15[%swap3A] {strides = array<i32>} : memref<80xf32, #tpu.memory_space<vmem>>, vector<16xf32>,
          tpu.vector_store %arg15[%swap3A], %exp3A {strides = array<i32>} : memref<80xf32, #tpu.memory_space<vmem>>, vector<16xf32>,
        }
        %scan3A_276 = arith.constant 5 : i32
        %parallel_loop3A_277 = arith.constant 0 : i32
        %parallel_loop3A_278 = arith.constant 80 : i32
        %parallel_loop3A_279 = arith.constant 1 : i32
        scf.for %parallel_loop3A_286 = %parallel_loop3A_277 to %parallel_loop3A_278 step %parallel_loop3A_279  : i32 {
          %parallel_loop3A_287 = vector.broadcast %parallel_loop3A_286 : i32 to vector<16xi32>
          %parallel_loop3A_288 = tpu.vector_load_idx %arg15[%parallel_loop3A_287] : memref<80xf32, #tpu.memory_space<vmem>>[vector<16xi32>], vector<16xf32>,
          %parallel_loop3A_289 = arith.index_cast %parallel_loop3A_286 : i32 to index
          %parallel_loop3A_290 = arith.constant 0 : index
          %parallel_loop3A_291 = tpu.vector_load %arg13[%parallel_loop3A_289, %parallel_loop3A_290] {strides = array<i32>} : memref<80x144xf32, #tpu.memory_space<vmem>>, vector<16xf32>,
          %parallel_loop3A_292 = arith.mulf %parallel_loop3A_291, %parallel_loop3A_288 : vector<16xf32>
          %parallel_loop3A_293 = arith.index_cast %parallel_loop3A_286 : i32 to index
          %parallel_loop3A_294 = arith.constant 0 : index
          %parallel_loop3A_295 = tpu.vector_load %arg13[%parallel_loop3A_293, %parallel_loop3A_294] {strides = array<i32>} : memref<80x144xf32, #tpu.memory_space<vmem>>, vector<16xf32>,
          tpu.vector_store %arg13[%parallel_loop3A_293, %parallel_loop3A_294], %parallel_loop3A_292 {strides = array<i32>} : memref<80x144xf32, #tpu.memory_space<vmem>>, vector<16xf32>,
          %parallel_loop3A_296 = arith.index_cast %parallel_loop3A_286 : i32 to index
          %parallel_loop3A_297 = arith.constant 16 : index
          %parallel_loop3A_298 = tpu.vector_load %arg13[%parallel_loop3A_296, %parallel_loop3A_297] {strides = array<i32>} : memref<80x144xf32, #tpu.memory_space<vmem>>, vector<16xf32>,
          %parallel_loop3A_299 = arith.mulf %parallel_loop3A_298, %parallel_loop3A_288 : vector<16xf32>
          %parallel_loop3A_300 = arith.index_cast %parallel_loop3A_286 : i32 to index
          %parallel_loop3A_301 = arith.constant 16 : index
          %parallel_loop3A_302 = tpu.vector_load %arg13[%parallel_loop3A_300, %parallel_loop3A_301] {strides = array<i32>} : memref<80x144xf32, #tpu.memory_space<vmem>>, vector<16xf32>,
          tpu.vector_store %arg13[%parallel_loop3A_300, %parallel_loop3A_301], %parallel_loop3A_299 {strides = array<i32>} : memref<80x144xf32, #tpu.memory_space<vmem>>, vector<16xf32>,
          %parallel_loop3A_303 = arith.index_cast %parallel_loop3A_286 : i32 to index
          %parallel_loop3A_304 = arith.constant 32 : index
          %parallel_loop3A_305 = tpu.vector_load %arg13[%parallel_loop3A_303, %parallel_loop3A_304] {strides = array<i32>} : memref<80x144xf32, #tpu.memory_space<vmem>>, vector<16xf32>,
          %parallel_loop3A_306 = arith.mulf %parallel_loop3A_305, %parallel_loop3A_288 : vector<16xf32>
          %parallel_loop3A_307 = arith.index_cast %parallel_loop3A_286 : i32 to index
          %parallel_loop3A_308 = arith.constant 32 : index
          %parallel_loop3A_309 = tpu.vector_load %arg13[%parallel_loop3A_307, %parallel_loop3A_308] {strides = array<i32>} : memref<80x144xf32, #tpu.memory_space<vmem>>, vector<16xf32>,
          tpu.vector_store %arg13[%parallel_loop3A_307, %parallel_loop3A_308], %parallel_loop3A_306 {strides = array<i32>} : memref<80x144xf32, #tpu.memory_space<vmem>>, vector<16xf32>,
          %parallel_loop3A_310 = arith.index_cast %parallel_loop3A_286 : i32 to index
          %parallel_loop3A_311 = arith.constant 48 : index
          %parallel_loop3A_312 = tpu.vector_load %arg13[%parallel_loop3A_310, %parallel_loop3A_311] {strides = array<i32>} : memref<80x144xf32, #tpu.memory_space<vmem>>, vector<16xf32>,
          %parallel_loop3A_313 = arith.mulf %parallel_loop3A_312, %parallel_loop3A_288 : vector<16xf32>
          %parallel_loop3A_314 = arith.index_cast %parallel_loop3A_286 : i32 to index
          %parallel_loop3A_315 = arith.constant 48 : index
          %parallel_loop3A_316 = tpu.vector_load %arg13[%parallel_loop3A_314, %parallel_loop3A_315] {strides = array<i32>} : memref<80x144xf32, #tpu.memory_space<vmem>>, vector<16xf32>,
          tpu.vector_store %arg13[%parallel_loop3A_314, %parallel_loop3A_315], %parallel_loop3A_313 {strides = array<i32>} : memref<80x144xf32, #tpu.memory_space<vmem>>, vector<16xf32>,
          %parallel_loop3A_317 = arith.index_cast %parallel_loop3A_286 : i32 to index
          %parallel_loop3A_318 = arith.constant 64 : index
          %parallel_loop3A_319 = tpu.vector_load %arg13[%parallel_loop3A_317, %parallel_loop3A_318] {strides = array<i32>} : memref<80x144xf32, #tpu.memory_space<vmem>>, vector<16xf32>,
          %parallel_loop3A_320 = arith.mulf %parallel_loop3A_319, %parallel_loop3A_288 : vector<16xf32>
          %parallel_loop3A_321 = arith.index_cast %parallel_loop3A_286 : i32 to index
          %parallel_loop3A_322 = arith.constant 64 : index
          %parallel_loop3A_323 = tpu.vector_load %arg13[%parallel_loop3A_321, %parallel_loop3A_322] {strides = array<i32>} : memref<80x144xf32, #tpu.memory_space<vmem>>, vector<16xf32>,
          tpu.vector_store %arg13[%parallel_loop3A_321, %parallel_loop3A_322], %parallel_loop3A_320 {strides = array<i32>} : memref<80x144xf32, #tpu.memory_space<vmem>>, vector<16xf32>,
          %parallel_loop3A_324 = arith.index_cast %parallel_loop3A_286 : i32 to index
          %parallel_loop3A_325 = arith.constant 80 : index
          %parallel_loop3A_326 = tpu.vector_load %arg13[%parallel_loop3A_324, %parallel_loop3A_325] {strides = array<i32>} : memref<80x144xf32, #tpu.memory_space<vmem>>, vector<16xf32>,
          %parallel_loop3A_327 = arith.mulf %parallel_loop3A_326, %parallel_loop3A_288 : vector<16xf32>
          %parallel_loop3A_328 = arith.index_cast %parallel_loop3A_286 : i32 to index
          %parallel_loop3A_329 = arith.constant 80 : index
          %parallel_loop3A_330 = tpu.vector_load %arg13[%parallel_loop3A_328, %parallel_loop3A_329] {strides = array<i32>} : memref<80x144xf32, #tpu.memory_space<vmem>>, vector<16xf32>,
          tpu.vector_store %arg13[%parallel_loop3A_328, %parallel_loop3A_329], %parallel_loop3A_327 {strides = array<i32>} : memref<80x144xf32, #tpu.memory_space<vmem>>, vector<16xf32>,
          %parallel_loop3A_331 = arith.index_cast %parallel_loop3A_286 : i32 to index
          %parallel_loop3A_332 = arith.constant 96 : index
          %parallel_loop3A_333 = tpu.vector_load %arg13[%parallel_loop3A_331, %parallel_loop3A_332] {strides = array<i32>} : memref<80x144xf32, #tpu.memory_space<vmem>>, vector<16xf32>,
          %parallel_loop3A_334 = arith.mulf %parallel_loop3A_333, %parallel_loop3A_288 : vector<16xf32>
          %parallel_loop3A_335 = arith.index_cast %parallel_loop3A_286 : i32 to index
          %parallel_loop3A_336 = arith.constant 96 : index
          %parallel_loop3A_337 = tpu.vector_load %arg13[%parallel_loop3A_335, %parallel_loop3A_336] {strides = array<i32>} : memref<80x144xf32, #tpu.memory_space<vmem>>, vector<16xf32>,
          tpu.vector_store %arg13[%parallel_loop3A_335, %parallel_loop3A_336], %parallel_loop3A_334 {strides = array<i32>} : memref<80x144xf32, #tpu.memory_space<vmem>>, vector<16xf32>,
          %parallel_loop3A_338 = arith.index_cast %parallel_loop3A_286 : i32 to index
          %parallel_loop3A_339 = arith.constant 112 : index
          %parallel_loop3A_340 = tpu.vector_load %arg13[%parallel_loop3A_338, %parallel_loop3A_339] {strides = array<i32>} : memref<80x144xf32, #tpu.memory_space<vmem>>, vector<16xf32>,
          %parallel_loop3A_341 = arith.mulf %parallel_loop3A_340, %parallel_loop3A_288 : vector<16xf32>
          %parallel_loop3A_342 = arith.index_cast %parallel_loop3A_286 : i32 to index
          %parallel_loop3A_343 = arith.constant 112 : index
          %parallel_loop3A_344 = tpu.vector_load %arg13[%parallel_loop3A_342, %parallel_loop3A_343] {strides = array<i32>} : memref<80x144xf32, #tpu.memory_space<vmem>>, vector<16xf32>,
          tpu.vector_store %arg13[%parallel_loop3A_342, %parallel_loop3A_343], %parallel_loop3A_341 {strides = array<i32>} : memref<80x144xf32, #tpu.memory_space<vmem>>, vector<16xf32>,
          %parallel_loop3A_345 = arith.index_cast %parallel_loop3A_286 : i32 to index
          %parallel_loop3A_346 = arith.constant 128 : index
          %parallel_loop3A_347 = tpu.vector_load %arg13[%parallel_loop3A_345, %parallel_loop3A_346] {strides = array<i32>} : memref<80x144xf32, #tpu.memory_space<vmem>>, vector<16xf32>,
          tpu.vector_store %arg13[%parallel_loop3A_345, %parallel_loop3A_346], %parallel_loop3A_288 {strides = array<i32>} : memref<80x144xf32, #tpu.memory_space<vmem>>, vector<16xf32>,
        } {sc.loop_unroll_factor = 4 : i64, sc.parallel_access}
        %dma_start3A_280 = arith.constant 0 : i32
        %dma_start3A_281 = tpu.memref_slice %arg10[%add3A_223, %dma_start3A_280] : memref<25x80xi32, #tpu.memory_space<vmem>> -> memref<1x80xi32, #tpu.memory_space<vmem>>
        %dma_start3A_282 = tpu.memref_squeeze %dma_start3A_281 : memref<1x80xi32, #tpu.memory_space<vmem>> -> memref<80xi32, #tpu.memory_space<vmem>>
        %dma_start3A_283 = arith.constant 0 : i32
        %dma_start3A_284 = arith.constant 0 : i32
        %dma_start3A_285 = tpu.memref_slice %arg16[%dma_start3A_283, %dma_start3A_284] : memref<10240x144xf32, #tpu.memory_space<vmem_shared>> -> memref<10240x144xf32, #tpu.memory_space<vmem_shared>>
        tpu.enqueue_indirect_dma source(%arg13 : memref<80x144xf32, #tpu.memory_space<vmem>>) target(%dma_start3A_285 : memref<10240x144xf32, #tpu.memory_space<vmem_shared>>) offsets(%dma_start3A_282 : memref<80xi32, #tpu.memory_space<vmem>>) semaphore(%arg20 : memref<!tpu.dma_semaphore, #tpu.memory_space<semaphore_mem>>) {add = true}
      }
      %scan3A_194 = arith.constant 12 : i32
      %dma_wait3A = arith.constant 24 : i32
      %dma_wait3A_195 = arith.constant 0 : i32
      %dma_wait3A_196 = tpu.memref_slice %arg9[%dma_wait3A, %dma_wait3A_195] : memref<25x80xi32, #tpu.memory_space<vmem>> -> memref<1x80xi32, #tpu.memory_space<vmem>>
      %dma_wait3A_197 = tpu.memref_squeeze %dma_wait3A_196 : memref<1x80xi32, #tpu.memory_space<vmem>> -> memref<80xi32, #tpu.memory_space<vmem>>
      %dma_wait3A_198 = arith.constant 0 : i32
      %dma_wait3A_199 = arith.constant 0 : i32
      %dma_wait3A_200 = tpu.memref_slice %arg6[%dma_wait3A_198, %dma_wait3A_199] : memref<10240x144xf32, #tpu.memory_space<hbm>> -> memref<10240x144xf32, #tpu.memory_space<hbm>>
      tpu.wait_indirect_dma semaphore(%arg17 : memref<!tpu.dma_semaphore, #tpu.memory_space<semaphore_mem>>) src(%dma_wait3A_200 : memref<10240x144xf32, #tpu.memory_space<hbm>>) dst(%arg12 : memref<80x144xf32, #tpu.memory_space<vmem>>)
      %dma_wait3A_201 = arith.constant 23 : i32
      %dma_wait3A_202 = arith.constant 0 : i32
      %dma_wait3A_203 = tpu.memref_slice %arg10[%dma_wait3A_201, %dma_wait3A_202] : memref<25x80xi32, #tpu.memory_space<vmem>> -> memref<1x80xi32, #tpu.memory_space<vmem>>
      %dma_wait3A_204 = tpu.memref_squeeze %dma_wait3A_203 : memref<1x80xi32, #tpu.memory_space<vmem>> -> memref<80xi32, #tpu.memory_space<vmem>>
      %dma_wait3A_205 = arith.constant 0 : i32
      %dma_wait3A_206 = arith.constant 0 : i32
      %dma_wait3A_207 = tpu.memref_slice %arg16[%dma_wait3A_205, %dma_wait3A_206] : memref<10240x144xf32, #tpu.memory_space<vmem_shared>> -> memref<10240x144xf32, #tpu.memory_space<vmem_shared>>
      tpu.wait_indirect_dma semaphore(%arg20 : memref<!tpu.dma_semaphore, #tpu.memory_space<semaphore_mem>>) src(%arg13 : memref<80x144xf32, #tpu.memory_space<vmem>>) dst(%dma_wait3A_207 : memref<10240x144xf32, #tpu.memory_space<vmem_shared>>)
      %scan3A_208 = arith.constant 0 : i32
      %scan3A_209 = arith.constant 5 : i32
      %scan3A_210 = arith.addi %scan3A_208, %scan3A_209 : i32
      %scan3A_211 = arith.constant 1 : i32
      scf.for %scan3A_215 = %scan3A_208 to %scan3A_210 step %scan3A_211  : i32 {
        %mul3A_216 = arith.constant 1 : i32
        %mul3A_217 = arith.muli %scan3A_215, %mul3A_216 : i32
        %add3A_218 = arith.constant 0 : i32
        %add3A_219 = arith.addi %add3A_218, %mul3A_217 : i32
        %mul3A_220 = arith.constant 16 : i32
        %mul3A_221 = arith.muli %add3A_219, %mul3A_220 : i32
        %get3A_222 = arith.constant 24 : i32
        %get3A_223 = arith.index_cast %get3A_222 : i32 to index
        %get3A_224 = arith.index_cast %mul3A_221 : i32 to index
        %get3A_225 = tpu.vector_load %arg11[%get3A_223, %get3A_224] {strides = array<i32>} : memref<25x80xf32, #tpu.memory_space<vmem>>, vector<16xf32>,
        %sub3A = vector.broadcast %reduce_max3A_164 : f32 to vector<16xf32>
        %sub3A_226 = arith.subf %get3A_225, %sub3A : vector<16xf32>
        %exp3A = math.exp %sub3A_226 : vector<16xf32>
        %mul3A_227 = arith.constant 16 : i32
        %mul3A_228 = arith.muli %add3A_219, %mul3A_227 : i32
        %swap3A = arith.index_cast %mul3A_228 : i32 to index
        %swap3A_229 = tpu.vector_load %arg15[%swap3A] {strides = array<i32>} : memref<80xf32, #tpu.memory_space<vmem>>, vector<16xf32>,
        tpu.vector_store %arg15[%swap3A], %exp3A {strides = array<i32>} : memref<80xf32, #tpu.memory_space<vmem>>, vector<16xf32>,
      }
      %scan3A_212 = arith.constant 5 : i32
      %parallel_loop3A = arith.constant 0 : i32
      %parallel_loop3A_213 = arith.constant 80 : i32
      %parallel_loop3A_214 = arith.constant 1 : i32
      scf.for %parallel_loop3A_215 = %parallel_loop3A to %parallel_loop3A_213 step %parallel_loop3A_214  : i32 {
        %parallel_loop3A_216 = vector.broadcast %parallel_loop3A_215 : i32 to vector<16xi32>
        %parallel_loop3A_217 = tpu.vector_load_idx %arg15[%parallel_loop3A_216] : memref<80xf32, #tpu.memory_space<vmem>>[vector<16xi32>], vector<16xf32>,
        %parallel_loop3A_218 = arith.index_cast %parallel_loop3A_215 : i32 to index
        %parallel_loop3A_219 = arith.constant 0 : index
        %parallel_loop3A_220 = tpu.vector_load %arg12[%parallel_loop3A_218, %parallel_loop3A_219] {strides = array<i32>} : memref<80x144xf32, #tpu.memory_space<vmem>>, vector<16xf32>,
        %parallel_loop3A_221 = arith.mulf %parallel_loop3A_220, %parallel_loop3A_217 : vector<16xf32>
        %parallel_loop3A_222 = arith.index_cast %parallel_loop3A_215 : i32 to index
        %parallel_loop3A_223 = arith.constant 0 : index
        %parallel_loop3A_224 = tpu.vector_load %arg12[%parallel_loop3A_222, %parallel_loop3A_223] {strides = array<i32>} : memref<80x144xf32, #tpu.memory_space<vmem>>, vector<16xf32>,
        tpu.vector_store %arg12[%parallel_loop3A_222, %parallel_loop3A_223], %parallel_loop3A_221 {strides = array<i32>} : memref<80x144xf32, #tpu.memory_space<vmem>>, vector<16xf32>,
        %parallel_loop3A_225 = arith.index_cast %parallel_loop3A_215 : i32 to index
        %parallel_loop3A_226 = arith.constant 16 : index
        %parallel_loop3A_227 = tpu.vector_load %arg12[%parallel_loop3A_225, %parallel_loop3A_226] {strides = array<i32>} : memref<80x144xf32, #tpu.memory_space<vmem>>, vector<16xf32>,
        %parallel_loop3A_228 = arith.mulf %parallel_loop3A_227, %parallel_loop3A_217 : vector<16xf32>
        %parallel_loop3A_229 = arith.index_cast %parallel_loop3A_215 : i32 to index
        %parallel_loop3A_230 = arith.constant 16 : index
        %parallel_loop3A_231 = tpu.vector_load %arg12[%parallel_loop3A_229, %parallel_loop3A_230] {strides = array<i32>} : memref<80x144xf32, #tpu.memory_space<vmem>>, vector<16xf32>,
        tpu.vector_store %arg12[%parallel_loop3A_229, %parallel_loop3A_230], %parallel_loop3A_228 {strides = array<i32>} : memref<80x144xf32, #tpu.memory_space<vmem>>, vector<16xf32>,
        %parallel_loop3A_232 = arith.index_cast %parallel_loop3A_215 : i32 to index
        %parallel_loop3A_233 = arith.constant 32 : index
        %parallel_loop3A_234 = tpu.vector_load %arg12[%parallel_loop3A_232, %parallel_loop3A_233] {strides = array<i32>} : memref<80x144xf32, #tpu.memory_space<vmem>>, vector<16xf32>,
        %parallel_loop3A_235 = arith.mulf %parallel_loop3A_234, %parallel_loop3A_217 : vector<16xf32>
        %parallel_loop3A_236 = arith.index_cast %parallel_loop3A_215 : i32 to index
        %parallel_loop3A_237 = arith.constant 32 : index
        %parallel_loop3A_238 = tpu.vector_load %arg12[%parallel_loop3A_236, %parallel_loop3A_237] {strides = array<i32>} : memref<80x144xf32, #tpu.memory_space<vmem>>, vector<16xf32>,
        tpu.vector_store %arg12[%parallel_loop3A_236, %parallel_loop3A_237], %parallel_loop3A_235 {strides = array<i32>} : memref<80x144xf32, #tpu.memory_space<vmem>>, vector<16xf32>,
        %parallel_loop3A_239 = arith.index_cast %parallel_loop3A_215 : i32 to index
        %parallel_loop3A_240 = arith.constant 48 : index
        %parallel_loop3A_241 = tpu.vector_load %arg12[%parallel_loop3A_239, %parallel_loop3A_240] {strides = array<i32>} : memref<80x144xf32, #tpu.memory_space<vmem>>, vector<16xf32>,
        %parallel_loop3A_242 = arith.mulf %parallel_loop3A_241, %parallel_loop3A_217 : vector<16xf32>
        %parallel_loop3A_243 = arith.index_cast %parallel_loop3A_215 : i32 to index
        %parallel_loop3A_244 = arith.constant 48 : index
        %parallel_loop3A_245 = tpu.vector_load %arg12[%parallel_loop3A_243, %parallel_loop3A_244] {strides = array<i32>} : memref<80x144xf32, #tpu.memory_space<vmem>>, vector<16xf32>,
        tpu.vector_store %arg12[%parallel_loop3A_243, %parallel_loop3A_244], %parallel_loop3A_242 {strides = array<i32>} : memref<80x144xf32, #tpu.memory_space<vmem>>, vector<16xf32>,
        %parallel_loop3A_246 = arith.index_cast %parallel_loop3A_215 : i32 to index
        %parallel_loop3A_247 = arith.constant 64 : index
        %parallel_loop3A_248 = tpu.vector_load %arg12[%parallel_loop3A_246, %parallel_loop3A_247] {strides = array<i32>} : memref<80x144xf32, #tpu.memory_space<vmem>>, vector<16xf32>,
        %parallel_loop3A_249 = arith.mulf %parallel_loop3A_248, %parallel_loop3A_217 : vector<16xf32>
        %parallel_loop3A_250 = arith.index_cast %parallel_loop3A_215 : i32 to index
        %parallel_loop3A_251 = arith.constant 64 : index
        %parallel_loop3A_252 = tpu.vector_load %arg12[%parallel_loop3A_250, %parallel_loop3A_251] {strides = array<i32>} : memref<80x144xf32, #tpu.memory_space<vmem>>, vector<16xf32>,
        tpu.vector_store %arg12[%parallel_loop3A_250, %parallel_loop3A_251], %parallel_loop3A_249 {strides = array<i32>} : memref<80x144xf32, #tpu.memory_space<vmem>>, vector<16xf32>,
        %parallel_loop3A_253 = arith.index_cast %parallel_loop3A_215 : i32 to index
        %parallel_loop3A_254 = arith.constant 80 : index
        %parallel_loop3A_255 = tpu.vector_load %arg12[%parallel_loop3A_253, %parallel_loop3A_254] {strides = array<i32>} : memref<80x144xf32, #tpu.memory_space<vmem>>, vector<16xf32>,
        %parallel_loop3A_256 = arith.mulf %parallel_loop3A_255, %parallel_loop3A_217 : vector<16xf32>
        %parallel_loop3A_257 = arith.index_cast %parallel_loop3A_215 : i32 to index
        %parallel_loop3A_258 = arith.constant 80 : index
        %parallel_loop3A_259 = tpu.vector_load %arg12[%parallel_loop3A_257, %parallel_loop3A_258] {strides = array<i32>} : memref<80x144xf32, #tpu.memory_space<vmem>>, vector<16xf32>,
        tpu.vector_store %arg12[%parallel_loop3A_257, %parallel_loop3A_258], %parallel_loop3A_256 {strides = array<i32>} : memref<80x144xf32, #tpu.memory_space<vmem>>, vector<16xf32>,
        %parallel_loop3A_260 = arith.index_cast %parallel_loop3A_215 : i32 to index
        %parallel_loop3A_261 = arith.constant 96 : index
        %parallel_loop3A_262 = tpu.vector_load %arg12[%parallel_loop3A_260, %parallel_loop3A_261] {strides = array<i32>} : memref<80x144xf32, #tpu.memory_space<vmem>>, vector<16xf32>,
        %parallel_loop3A_263 = arith.mulf %parallel_loop3A_262, %parallel_loop3A_217 : vector<16xf32>
        %parallel_loop3A_264 = arith.index_cast %parallel_loop3A_215 : i32 to index
        %parallel_loop3A_265 = arith.constant 96 : index
        %parallel_loop3A_266 = tpu.vector_load %arg12[%parallel_loop3A_264, %parallel_loop3A_265] {strides = array<i32>} : memref<80x144xf32, #tpu.memory_space<vmem>>, vector<16xf32>,
        tpu.vector_store %arg12[%parallel_loop3A_264, %parallel_loop3A_265], %parallel_loop3A_263 {strides = array<i32>} : memref<80x144xf32, #tpu.memory_space<vmem>>, vector<16xf32>,
        %parallel_loop3A_267 = arith.index_cast %parallel_loop3A_215 : i32 to index
        %parallel_loop3A_268 = arith.constant 112 : index
        %parallel_loop3A_269 = tpu.vector_load %arg12[%parallel_loop3A_267, %parallel_loop3A_268] {strides = array<i32>} : memref<80x144xf32, #tpu.memory_space<vmem>>, vector<16xf32>,
        %parallel_loop3A_270 = arith.mulf %parallel_loop3A_269, %parallel_loop3A_217 : vector<16xf32>
        %parallel_loop3A_271 = arith.index_cast %parallel_loop3A_215 : i32 to index
        %parallel_loop3A_272 = arith.constant 112 : index
        %parallel_loop3A_273 = tpu.vector_load %arg12[%parallel_loop3A_271, %parallel_loop3A_272] {strides = array<i32>} : memref<80x144xf32, #tpu.memory_space<vmem>>, vector<16xf32>,
        tpu.vector_store %arg12[%parallel_loop3A_271, %parallel_loop3A_272], %parallel_loop3A_270 {strides = array<i32>} : memref<80x144xf32, #tpu.memory_space<vmem>>, vector<16xf32>,
        %parallel_loop3A_274 = arith.index_cast %parallel_loop3A_215 : i32 to index
        %parallel_loop3A_275 = arith.constant 128 : index
        %parallel_loop3A_276 = tpu.vector_load %arg12[%parallel_loop3A_274, %parallel_loop3A_275] {strides = array<i32>} : memref<80x144xf32, #tpu.memory_space<vmem>>, vector<16xf32>,
        tpu.vector_store %arg12[%parallel_loop3A_274, %parallel_loop3A_275], %parallel_loop3A_217 {strides = array<i32>} : memref<80x144xf32, #tpu.memory_space<vmem>>, vector<16xf32>,
      } {sc.loop_unroll_factor = 4 : i64, sc.parallel_access}
      %run_scoped3A = arith.constant 24 : i32
      "tpu.region"() ({
        %run_scoped3A_215 = tpu.sem_alloc : memref<!tpu.dma_semaphore, #tpu.memory_space<semaphore_mem>>
        %dma_start3A_216 = arith.constant 0 : i32
        %dma_start3A_217 = tpu.memref_slice %arg10[%run_scoped3A, %dma_start3A_216] : memref<25x80xi32, #tpu.memory_space<vmem>> -> memref<1x80xi32, #tpu.memory_space<vmem>>
        %dma_start3A_218 = tpu.memref_squeeze %dma_start3A_217 : memref<1x80xi32, #tpu.memory_space<vmem>> -> memref<80xi32, #tpu.memory_space<vmem>>
        %dma_start3A_219 = arith.constant 0 : i32
        %dma_start3A_220 = arith.constant 0 : i32
        %dma_start3A_221 = tpu.memref_slice %arg16[%dma_start3A_219, %dma_start3A_220] : memref<10240x144xf32, #tpu.memory_space<vmem_shared>> -> memref<10240x144xf32, #tpu.memory_space<vmem_shared>>
        tpu.enqueue_indirect_dma source(%arg12 : memref<80x144xf32, #tpu.memory_space<vmem>>) target(%dma_start3A_221 : memref<10240x144xf32, #tpu.memory_space<vmem_shared>>) offsets(%dma_start3A_218 : memref<80xi32, #tpu.memory_space<vmem>>) semaphore(%run_scoped3A_215 : memref<!tpu.dma_semaphore, #tpu.memory_space<semaphore_mem>>) {add = true}
        %dma_wait3A_222 = arith.constant 0 : i32
        %dma_wait3A_223 = tpu.memref_slice %arg10[%run_scoped3A, %dma_wait3A_222] : memref<25x80xi32, #tpu.memory_space<vmem>> -> memref<1x80xi32, #tpu.memory_space<vmem>>
        %dma_wait3A_224 = tpu.memref_squeeze %dma_wait3A_223 : memref<1x80xi32, #tpu.memory_space<vmem>> -> memref<80xi32, #tpu.memory_space<vmem>>
        %dma_wait3A_225 = arith.constant 0 : i32
        %dma_wait3A_226 = arith.constant 0 : i32
        %dma_wait3A_227 = tpu.memref_slice %arg16[%dma_wait3A_225, %dma_wait3A_226] : memref<10240x144xf32, #tpu.memory_space<vmem_shared>> -> memref<10240x144xf32, #tpu.memory_space<vmem_shared>>
        tpu.wait_indirect_dma semaphore(%run_scoped3A_215 : memref<!tpu.dma_semaphore, #tpu.memory_space<semaphore_mem>>) src(%arg12 : memref<80x144xf32, #tpu.memory_space<vmem>>) dst(%dma_wait3A_227 : memref<10240x144xf32, #tpu.memory_space<vmem_shared>>)
        tpu.yield
      }) : () -> ()
    }
    %scan3A_170 = arith.constant 5 : i32
    %barrier3A_171 = arith.constant 0 : index
    tpu.barrier barrier_id(%barrier3A_171)
    %mul3A_172 = arith.constant 640 : i32
    %mul3A_173 = arith.muli %arg1, %mul3A_172 : i32
    %mul3A_174 = arith.constant 640 : i32
    %mul3A_175 = arith.muli %arg1, %mul3A_174 : i32
    "tpu.region"() ({
      %run_scoped3A = tpu.sem_alloc : memref<!tpu.dma_semaphore, #tpu.memory_space<semaphore_mem>>
      %dma_start3A = arith.constant 0 : i32
      %dma_start3A_176 = tpu.memref_slice %arg8[%arg0, %mul3A_175, %dma_start3A] : memref<2x10240x144xf32, #tpu.memory_space<hbm>> -> memref<1x640x144xf32, #tpu.memory_space<hbm>>
      %dma_start3A_177 = tpu.memref_squeeze %dma_start3A_176 : memref<1x640x144xf32, #tpu.memory_space<hbm>> -> memref<640x144xf32, #tpu.memory_space<hbm>>
      %dma_start3A_178 = arith.constant 0 : i32
      %dma_start3A_179 = tpu.memref_slice %arg16[%mul3A_173, %dma_start3A_178] : memref<10240x144xf32, #tpu.memory_space<vmem_shared>> -> memref<640x144xf32, #tpu.memory_space<vmem_shared>>
      tpu.enqueue_dma source(%dma_start3A_179 : memref<640x144xf32, #tpu.memory_space<vmem_shared>>) target(%dma_start3A_177 : memref<640x144xf32, #tpu.memory_space<hbm>>) target_semaphore(%run_scoped3A : memref<!tpu.dma_semaphore, #tpu.memory_space<semaphore_mem>>)
      %dma_wait3A = arith.constant 0 : i32
      %dma_wait3A_180 = tpu.memref_slice %arg8[%arg0, %mul3A_175, %dma_wait3A] : memref<2x10240x144xf32, #tpu.memory_space<hbm>> -> memref<1x640x144xf32, #tpu.memory_space<hbm>>
      %dma_wait3A_181 = tpu.memref_squeeze %dma_wait3A_180 : memref<1x640x144xf32, #tpu.memory_space<hbm>> -> memref<640x144xf32, #tpu.memory_space<hbm>>
      %dma_wait3A_182 = arith.constant 0 : i32
      %dma_wait3A_183 = tpu.memref_slice %arg16[%mul3A_173, %dma_wait3A_182] : memref<10240x144xf32, #tpu.memory_space<vmem_shared>> -> memref<640x144xf32, #tpu.memory_space<vmem_shared>>
      tpu.wait_dma2 semaphore(%run_scoped3A : memref<!tpu.dma_semaphore, #tpu.memory_space<semaphore_mem>>) src(%dma_wait3A_183 : memref<640x144xf32, #tpu.memory_space<vmem_shared>>) dst(%dma_wait3A_181 : memref<640x144xf32, #tpu.memory_space<hbm>>)
      tpu.yield
    }) : () -> ()
    return
  }
}

#map = affine_map<(d0, d1) -> (0)>
#map1 = affine_map<(d0, d1) -> (0, 0)>
module attributes {stable_mosaic.version = 14 : i64} {
  func.func @_score_body(%arg0: i32, %arg1: i32, %arg2: memref<320000xi32, #tpu.memory_space<hbm>>, %arg3: memref<320000xi32, #tpu.memory_space<hbm>>, %arg4: memref<10000xf32, #tpu.memory_space<hbm>>, %arg5: memref<10000xf32, #tpu.memory_space<hbm>>, %arg6: memref<320000xf32, #tpu.memory_space<hbm>>, %arg7: memref<32x16xf32, #tpu.memory_space<hbm>>, %arg8: memref<10000xf32, #tpu.memory_space<vmem>>, %arg9: memref<10000xf32, #tpu.memory_space<vmem>>, %arg10: memref<2000xi32, #tpu.memory_space<vmem>>, %arg11: memref<2000xi32, #tpu.memory_space<vmem>>, %arg12: memref<2000xf32, #tpu.memory_space<vmem>>, %arg13: memref<16xf32, #tpu.memory_space<vmem>>) attributes {dimension_semantics = [#tpu.dimension_semantics<core_parallel>, #tpu.dimension_semantics<subcore_parallel>], iteration_bounds = array<i64: 2, 16>, scalar_prefetch = 0 : i64, scratch_operands = 6 : i64, tpu.core_type = #tpu.core_type<sc_vector_subcore>, window_params = [{transform_indices = #map}, {transform_indices = #map}, {transform_indices = #map}, {transform_indices = #map}, {transform_indices = #map}, {transform_indices = #map1}]} {
    %mul3A = arith.constant 2 : i32
    %mul3A_0 = arith.muli %arg1, %mul3A : i32
    %add3A = arith.addi %mul3A_0, %arg0 : i32
    "tpu.region"() ({
      %run_scoped3A = tpu.sem_alloc : memref<!tpu.dma_semaphore, #tpu.memory_space<semaphore_mem>>
      tpu.enqueue_dma source(%arg4 : memref<10000xf32, #tpu.memory_space<hbm>>) target(%arg8 : memref<10000xf32, #tpu.memory_space<vmem>>) target_semaphore(%run_scoped3A : memref<!tpu.dma_semaphore, #tpu.memory_space<semaphore_mem>>)
      tpu.wait_dma2 semaphore(%run_scoped3A : memref<!tpu.dma_semaphore, #tpu.memory_space<semaphore_mem>>) src(%arg4 : memref<10000xf32, #tpu.memory_space<hbm>>) dst(%arg8 : memref<10000xf32, #tpu.memory_space<vmem>>)
      tpu.yield
    }) : () -> ()
    "tpu.region"() ({
      %run_scoped3A = tpu.sem_alloc : memref<!tpu.dma_semaphore, #tpu.memory_space<semaphore_mem>>
      tpu.enqueue_dma source(%arg5 : memref<10000xf32, #tpu.memory_space<hbm>>) target(%arg9 : memref<10000xf32, #tpu.memory_space<vmem>>) target_semaphore(%run_scoped3A : memref<!tpu.dma_semaphore, #tpu.memory_space<semaphore_mem>>)
      tpu.wait_dma2 semaphore(%run_scoped3A : memref<!tpu.dma_semaphore, #tpu.memory_space<semaphore_mem>>) src(%arg5 : memref<10000xf32, #tpu.memory_space<hbm>>) dst(%arg9 : memref<10000xf32, #tpu.memory_space<vmem>>)
      tpu.yield
    }) : () -> ()
    %broadcast_in_dim3A = arith.constant -3.000000e+38 : f32
    %broadcast_in_dim3A_1 = vector.broadcast %broadcast_in_dim3A : f32 to vector<16xf32>
    %swap3A = arith.constant 0 : index
    %swap3A_2 = tpu.vector_load %arg13[%swap3A] {strides = array<i32>} : memref<16xf32, #tpu.memory_space<vmem>>, vector<16xf32>,
    tpu.vector_store %arg13[%swap3A], %broadcast_in_dim3A_1 {strides = array<i32>} : memref<16xf32, #tpu.memory_space<vmem>>, vector<16xf32>,
    %mul3A_3 = arith.constant 10000 : i32
    %mul3A_4 = arith.muli %add3A, %mul3A_3 : i32
    %scan3A = arith.constant 0 : i32
    %scan3A_5 = arith.constant 5 : i32
    %scan3A_6 = arith.addi %scan3A, %scan3A_5 : i32
    %scan3A_7 = arith.constant 1 : i32
    scf.for %scan3A_9 = %scan3A to %scan3A_6 step %scan3A_7  : i32 {
      %mul3A_10 = arith.constant 1 : i32
      %mul3A_11 = arith.muli %scan3A_9, %mul3A_10 : i32
      %add3A_12 = arith.constant 0 : i32
      %add3A_13 = arith.addi %add3A_12, %mul3A_11 : i32
      %mul3A_14 = arith.constant 2000 : i32
      %mul3A_15 = arith.muli %add3A_13, %mul3A_14 : i32
      %add3A_16 = arith.addi %mul3A_4, %mul3A_15 : i32
      "tpu.region"() ({
        %run_scoped3A = tpu.sem_alloc : memref<!tpu.dma_semaphore, #tpu.memory_space<semaphore_mem>>
        %dma_start3A = tpu.memref_slice %arg2[%add3A_16] : memref<320000xi32, #tpu.memory_space<hbm>> -> memref<2000xi32, #tpu.memory_space<hbm>>
        %dma_start3A_22 = tpu.memref_slice %arg2[%add3A_16] : memref<320000xi32, #tpu.memory_space<hbm>> -> memref<2000xi32, #tpu.memory_space<hbm>>
        tpu.enqueue_dma source(%dma_start3A_22 : memref<2000xi32, #tpu.memory_space<hbm>>) target(%arg10 : memref<2000xi32, #tpu.memory_space<vmem>>) target_semaphore(%run_scoped3A : memref<!tpu.dma_semaphore, #tpu.memory_space<semaphore_mem>>)
        %dma_wait3A = tpu.memref_slice %arg2[%add3A_16] : memref<320000xi32, #tpu.memory_space<hbm>> -> memref<2000xi32, #tpu.memory_space<hbm>>
        %dma_wait3A_23 = tpu.memref_slice %arg2[%add3A_16] : memref<320000xi32, #tpu.memory_space<hbm>> -> memref<2000xi32, #tpu.memory_space<hbm>>
        tpu.wait_dma2 semaphore(%run_scoped3A : memref<!tpu.dma_semaphore, #tpu.memory_space<semaphore_mem>>) src(%dma_wait3A_23 : memref<2000xi32, #tpu.memory_space<hbm>>) dst(%arg10 : memref<2000xi32, #tpu.memory_space<vmem>>)
        tpu.yield
      }) : () -> ()
      "tpu.region"() ({
        %run_scoped3A = tpu.sem_alloc : memref<!tpu.dma_semaphore, #tpu.memory_space<semaphore_mem>>
        %dma_start3A = tpu.memref_slice %arg3[%add3A_16] : memref<320000xi32, #tpu.memory_space<hbm>> -> memref<2000xi32, #tpu.memory_space<hbm>>
        %dma_start3A_22 = tpu.memref_slice %arg3[%add3A_16] : memref<320000xi32, #tpu.memory_space<hbm>> -> memref<2000xi32, #tpu.memory_space<hbm>>
        tpu.enqueue_dma source(%dma_start3A_22 : memref<2000xi32, #tpu.memory_space<hbm>>) target(%arg11 : memref<2000xi32, #tpu.memory_space<vmem>>) target_semaphore(%run_scoped3A : memref<!tpu.dma_semaphore, #tpu.memory_space<semaphore_mem>>)
        %dma_wait3A = tpu.memref_slice %arg3[%add3A_16] : memref<320000xi32, #tpu.memory_space<hbm>> -> memref<2000xi32, #tpu.memory_space<hbm>>
        %dma_wait3A_23 = tpu.memref_slice %arg3[%add3A_16] : memref<320000xi32, #tpu.memory_space<hbm>> -> memref<2000xi32, #tpu.memory_space<hbm>>
        tpu.wait_dma2 semaphore(%run_scoped3A : memref<!tpu.dma_semaphore, #tpu.memory_space<semaphore_mem>>) src(%dma_wait3A_23 : memref<2000xi32, #tpu.memory_space<hbm>>) dst(%arg11 : memref<2000xi32, #tpu.memory_space<vmem>>)
        tpu.yield
      }) : () -> ()
      %scan3A_17 = arith.constant 0 : i32
      %scan3A_18 = arith.constant 125 : i32
      %scan3A_19 = arith.addi %scan3A_17, %scan3A_18 : i32
      %scan3A_20 = arith.constant 1 : i32
      scf.for %scan3A_22 = %scan3A_17 to %scan3A_19 step %scan3A_20  : i32 {
        %mul3A_23 = arith.constant 1 : i32
        %mul3A_24 = arith.muli %scan3A_22, %mul3A_23 : i32
        %add3A_25 = arith.constant 0 : i32
        %add3A_26 = arith.addi %add3A_25, %mul3A_24 : i32
        %mul3A_27 = arith.constant 16 : i32
        %mul3A_28 = arith.muli %add3A_26, %mul3A_27 : i32
        %get3A = arith.index_cast %mul3A_28 : i32 to index
        %get3A_29 = tpu.vector_load %arg10[%get3A] {strides = array<i32>} : memref<2000xi32, #tpu.memory_space<vmem>>, vector<16xi32>,
        %mul3A_30 = arith.constant 16 : i32
        %mul3A_31 = arith.muli %add3A_26, %mul3A_30 : i32
        %get3A_32 = arith.index_cast %mul3A_31 : i32 to index
        %get3A_33 = tpu.vector_load %arg11[%get3A_32] {strides = array<i32>} : memref<2000xi32, #tpu.memory_space<vmem>>, vector<16xi32>,
        %gather3A = tpu.vector_load_idx %arg8[%get3A_29] : memref<10000xf32, #tpu.memory_space<vmem>>[vector<16xi32>], vector<16xf32>,
        %gather3A_34 = tpu.vector_load_idx %arg9[%get3A_33] : memref<10000xf32, #tpu.memory_space<vmem>>[vector<16xi32>], vector<16xf32>,
        %add3A_35 = arith.addf %gather3A, %gather3A_34 : vector<16xf32>
        %ge3A = arith.constant 0.000000e+00 : f32
        %ge3A_36 = vector.broadcast %ge3A : f32 to vector<16xf32>
        %ge3A_37 = arith.cmpf oge, %add3A_35, %ge3A_36 : vector<16xf32>
        %mul3A_38 = arith.constant 0.00999999977 : f32
        %mul3A_39 = vector.broadcast %mul3A_38 : f32 to vector<16xf32>
        %mul3A_40 = arith.mulf %add3A_35, %mul3A_39 : vector<16xf32>
        %select_n3A = arith.select %ge3A_37, %add3A_35, %mul3A_40 : vector<16xi1>, vector<16xf32>
        %mul3A_41 = arith.constant 16 : i32
        %mul3A_42 = arith.muli %add3A_26, %mul3A_41 : i32
        %swap3A_43 = arith.index_cast %mul3A_42 : i32 to index
        %swap3A_44 = tpu.vector_load %arg12[%swap3A_43] {strides = array<i32>} : memref<2000xf32, #tpu.memory_space<vmem>>, vector<16xf32>,
        tpu.vector_store %arg12[%swap3A_43], %select_n3A {strides = array<i32>} : memref<2000xf32, #tpu.memory_space<vmem>>, vector<16xf32>,
        %get3A_45 = arith.constant 0 : index
        %get3A_46 = tpu.vector_load %arg13[%get3A_45] {strides = array<i32>} : memref<16xf32, #tpu.memory_space<vmem>>, vector<16xf32>,
        %max3A = arith.maximumf %get3A_46, %select_n3A : vector<16xf32>
        %swap3A_47 = arith.constant 0 : index
        %swap3A_48 = tpu.vector_load %arg13[%swap3A_47] {strides = array<i32>} : memref<16xf32, #tpu.memory_space<vmem>>, vector<16xf32>,
        tpu.vector_store %arg13[%swap3A_47], %max3A {strides = array<i32>} : memref<16xf32, #tpu.memory_space<vmem>>, vector<16xf32>,
      }
      %scan3A_21 = arith.constant 125 : i32
      "tpu.region"() ({
        %run_scoped3A = tpu.sem_alloc : memref<!tpu.dma_semaphore, #tpu.memory_space<semaphore_mem>>
        %dma_start3A = tpu.memref_slice %arg6[%add3A_16] : memref<320000xf32, #tpu.memory_space<hbm>> -> memref<2000xf32, #tpu.memory_space<hbm>>
        %dma_start3A_22 = tpu.memref_slice %arg6[%add3A_16] : memref<320000xf32, #tpu.memory_space<hbm>> -> memref<2000xf32, #tpu.memory_space<hbm>>
        tpu.enqueue_dma source(%arg12 : memref<2000xf32, #tpu.memory_space<vmem>>) target(%dma_start3A_22 : memref<2000xf32, #tpu.memory_space<hbm>>) target_semaphore(%run_scoped3A : memref<!tpu.dma_semaphore, #tpu.memory_space<semaphore_mem>>)
        %dma_wait3A = tpu.memref_slice %arg6[%add3A_16] : memref<320000xf32, #tpu.memory_space<hbm>> -> memref<2000xf32, #tpu.memory_space<hbm>>
        %dma_wait3A_23 = tpu.memref_slice %arg6[%add3A_16] : memref<320000xf32, #tpu.memory_space<hbm>> -> memref<2000xf32, #tpu.memory_space<hbm>>
        tpu.wait_dma2 semaphore(%run_scoped3A : memref<!tpu.dma_semaphore, #tpu.memory_space<semaphore_mem>>) src(%arg12 : memref<2000xf32, #tpu.memory_space<vmem>>) dst(%dma_wait3A_23 : memref<2000xf32, #tpu.memory_space<hbm>>)
        tpu.yield
      }) : () -> ()
    }
    %scan3A_8 = arith.constant 5 : i32
    "tpu.region"() ({
      %run_scoped3A = tpu.sem_alloc : memref<!tpu.dma_semaphore, #tpu.memory_space<semaphore_mem>>
      %dma_start3A = arith.constant 0 : i32
      %dma_start3A_9 = tpu.memref_slice %arg7[%add3A, %dma_start3A] : memref<32x16xf32, #tpu.memory_space<hbm>> -> memref<1x16xf32, #tpu.memory_space<hbm>>
      %dma_start3A_10 = tpu.memref_squeeze %dma_start3A_9 : memref<1x16xf32, #tpu.memory_space<hbm>> -> memref<16xf32, #tpu.memory_space<hbm>>
      %dma_start3A_11 = arith.constant 0 : i32
      %dma_start3A_12 = tpu.memref_slice %arg7[%add3A, %dma_start3A_11] : memref<32x16xf32, #tpu.memory_space<hbm>> -> memref<1x16xf32, #tpu.memory_space<hbm>>
      %dma_start3A_13 = tpu.memref_squeeze %dma_start3A_12 : memref<1x16xf32, #tpu.memory_space<hbm>> -> memref<16xf32, #tpu.memory_space<hbm>>
      tpu.enqueue_dma source(%arg13 : memref<16xf32, #tpu.memory_space<vmem>>) target(%dma_start3A_13 : memref<16xf32, #tpu.memory_space<hbm>>) target_semaphore(%run_scoped3A : memref<!tpu.dma_semaphore, #tpu.memory_space<semaphore_mem>>)
      %dma_wait3A = arith.constant 0 : i32
      %dma_wait3A_14 = tpu.memref_slice %arg7[%add3A, %dma_wait3A] : memref<32x16xf32, #tpu.memory_space<hbm>> -> memref<1x16xf32, #tpu.memory_space<hbm>>
      %dma_wait3A_15 = tpu.memref_squeeze %dma_wait3A_14 : memref<1x16xf32, #tpu.memory_space<hbm>> -> memref<16xf32, #tpu.memory_space<hbm>>
      %dma_wait3A_16 = arith.constant 0 : i32
      %dma_wait3A_17 = tpu.memref_slice %arg7[%add3A, %dma_wait3A_16] : memref<32x16xf32, #tpu.memory_space<hbm>> -> memref<1x16xf32, #tpu.memory_space<hbm>>
      %dma_wait3A_18 = tpu.memref_squeeze %dma_wait3A_17 : memref<1x16xf32, #tpu.memory_space<hbm>> -> memref<16xf32, #tpu.memory_space<hbm>>
      tpu.wait_dma2 semaphore(%run_scoped3A : memref<!tpu.dma_semaphore, #tpu.memory_space<semaphore_mem>>) src(%arg13 : memref<16xf32, #tpu.memory_space<vmem>>) dst(%dma_wait3A_18 : memref<16xf32, #tpu.memory_space<hbm>>)
      tpu.yield
    }) : () -> ()
    return
  }
}

#map = affine_map<(d0, d1) -> (0, 0, 0)>
#map1 = affine_map<(d0, d1) -> (0, 0)>
module attributes {stable_mosaic.version = 14 : i64} {
  func.func @_combine_body(%arg0: i32, %arg1: i32, %arg2: memref<2x10240x144xf32, #tpu.memory_space<hbm>>, %arg3: memref<10240x128xf32, #tpu.memory_space<hbm>>, %arg4: memref<64x144xf32, #tpu.memory_space<vmem>>, %arg5: memref<64x144xf32, #tpu.memory_space<vmem>>, %arg6: memref<64x128xf32, #tpu.memory_space<vmem>>) attributes {dimension_semantics = [#tpu.dimension_semantics<core_parallel>, #tpu.dimension_semantics<subcore_parallel>], iteration_bounds = array<i64: 2, 16>, scalar_prefetch = 0 : i64, scratch_operands = 3 : i64, tpu.core_type = #tpu.core_type<sc_vector_subcore>, window_params = [{transform_indices = #map}, {transform_indices = #map1}]} {
    %mul3A = arith.constant 2 : i32
    %mul3A_0 = arith.muli %arg1, %mul3A : i32
    %add3A = arith.addi %mul3A_0, %arg0 : i32
    %mul3A_1 = arith.constant 320 : i32
    %mul3A_2 = arith.muli %add3A, %mul3A_1 : i32
    %scan3A = arith.constant 0 : i32
    %scan3A_3 = arith.constant 5 : i32
    %scan3A_4 = arith.addi %scan3A, %scan3A_3 : i32
    %scan3A_5 = arith.constant 1 : i32
    scf.for %scan3A_7 = %scan3A to %scan3A_4 step %scan3A_5  : i32 {
      %mul3A_8 = arith.constant 1 : i32
      %mul3A_9 = arith.muli %scan3A_7, %mul3A_8 : i32
      %add3A_10 = arith.constant 0 : i32
      %add3A_11 = arith.addi %add3A_10, %mul3A_9 : i32
      %mul3A_12 = arith.constant 64 : i32
      %mul3A_13 = arith.muli %add3A_11, %mul3A_12 : i32
      %add3A_14 = arith.addi %mul3A_2, %mul3A_13 : i32
      %run_scoped3A = arith.constant 0 : i32
      "tpu.region"() ({
        %run_scoped3A_18 = tpu.sem_alloc : memref<!tpu.dma_semaphore, #tpu.memory_space<semaphore_mem>>
        %dma_start3A = arith.constant 0 : i32
        %dma_start3A_19 = tpu.memref_slice %arg2[%run_scoped3A, %add3A_14, %dma_start3A] : memref<2x10240x144xf32, #tpu.memory_space<hbm>> -> memref<1x64x144xf32, #tpu.memory_space<hbm>>
        %dma_start3A_20 = tpu.memref_squeeze %dma_start3A_19 : memref<1x64x144xf32, #tpu.memory_space<hbm>> -> memref<64x144xf32, #tpu.memory_space<hbm>>
        %dma_start3A_21 = arith.constant 0 : i32
        %dma_start3A_22 = tpu.memref_slice %arg2[%run_scoped3A, %add3A_14, %dma_start3A_21] : memref<2x10240x144xf32, #tpu.memory_space<hbm>> -> memref<1x64x144xf32, #tpu.memory_space<hbm>>
        %dma_start3A_23 = tpu.memref_squeeze %dma_start3A_22 : memref<1x64x144xf32, #tpu.memory_space<hbm>> -> memref<64x144xf32, #tpu.memory_space<hbm>>
        tpu.enqueue_dma source(%dma_start3A_23 : memref<64x144xf32, #tpu.memory_space<hbm>>) target(%arg4 : memref<64x144xf32, #tpu.memory_space<vmem>>) target_semaphore(%run_scoped3A_18 : memref<!tpu.dma_semaphore, #tpu.memory_space<semaphore_mem>>)
        %dma_wait3A = arith.constant 0 : i32
        %dma_wait3A_24 = tpu.memref_slice %arg2[%run_scoped3A, %add3A_14, %dma_wait3A] : memref<2x10240x144xf32, #tpu.memory_space<hbm>> -> memref<1x64x144xf32, #tpu.memory_space<hbm>>
        %dma_wait3A_25 = tpu.memref_squeeze %dma_wait3A_24 : memref<1x64x144xf32, #tpu.memory_space<hbm>> -> memref<64x144xf32, #tpu.memory_space<hbm>>
        %dma_wait3A_26 = arith.constant 0 : i32
        %dma_wait3A_27 = tpu.memref_slice %arg2[%run_scoped3A, %add3A_14, %dma_wait3A_26] : memref<2x10240x144xf32, #tpu.memory_space<hbm>> -> memref<1x64x144xf32, #tpu.memory_space<hbm>>
        %dma_wait3A_28 = tpu.memref_squeeze %dma_wait3A_27 : memref<1x64x144xf32, #tpu.memory_space<hbm>> -> memref<64x144xf32, #tpu.memory_space<hbm>>
        tpu.wait_dma2 semaphore(%run_scoped3A_18 : memref<!tpu.dma_semaphore, #tpu.memory_space<semaphore_mem>>) src(%dma_wait3A_28 : memref<64x144xf32, #tpu.memory_space<hbm>>) dst(%arg4 : memref<64x144xf32, #tpu.memory_space<vmem>>)
        tpu.yield
      }) : () -> ()
      %run_scoped3A_15 = arith.constant 1 : i32
      "tpu.region"() ({
        %run_scoped3A_18 = tpu.sem_alloc : memref<!tpu.dma_semaphore, #tpu.memory_space<semaphore_mem>>
        %dma_start3A = arith.constant 0 : i32
        %dma_start3A_19 = tpu.memref_slice %arg2[%run_scoped3A_15, %add3A_14, %dma_start3A] : memref<2x10240x144xf32, #tpu.memory_space<hbm>> -> memref<1x64x144xf32, #tpu.memory_space<hbm>>
        %dma_start3A_20 = tpu.memref_squeeze %dma_start3A_19 : memref<1x64x144xf32, #tpu.memory_space<hbm>> -> memref<64x144xf32, #tpu.memory_space<hbm>>
        %dma_start3A_21 = arith.constant 0 : i32
        %dma_start3A_22 = tpu.memref_slice %arg2[%run_scoped3A_15, %add3A_14, %dma_start3A_21] : memref<2x10240x144xf32, #tpu.memory_space<hbm>> -> memref<1x64x144xf32, #tpu.memory_space<hbm>>
        %dma_start3A_23 = tpu.memref_squeeze %dma_start3A_22 : memref<1x64x144xf32, #tpu.memory_space<hbm>> -> memref<64x144xf32, #tpu.memory_space<hbm>>
        tpu.enqueue_dma source(%dma_start3A_23 : memref<64x144xf32, #tpu.memory_space<hbm>>) target(%arg5 : memref<64x144xf32, #tpu.memory_space<vmem>>) target_semaphore(%run_scoped3A_18 : memref<!tpu.dma_semaphore, #tpu.memory_space<semaphore_mem>>)
        %dma_wait3A = arith.constant 0 : i32
        %dma_wait3A_24 = tpu.memref_slice %arg2[%run_scoped3A_15, %add3A_14, %dma_wait3A] : memref<2x10240x144xf32, #tpu.memory_space<hbm>> -> memref<1x64x144xf32, #tpu.memory_space<hbm>>
        %dma_wait3A_25 = tpu.memref_squeeze %dma_wait3A_24 : memref<1x64x144xf32, #tpu.memory_space<hbm>> -> memref<64x144xf32, #tpu.memory_space<hbm>>
        %dma_wait3A_26 = arith.constant 0 : i32
        %dma_wait3A_27 = tpu.memref_slice %arg2[%run_scoped3A_15, %add3A_14, %dma_wait3A_26] : memref<2x10240x144xf32, #tpu.memory_space<hbm>> -> memref<1x64x144xf32, #tpu.memory_space<hbm>>
        %dma_wait3A_28 = tpu.memref_squeeze %dma_wait3A_27 : memref<1x64x144xf32, #tpu.memory_space<hbm>> -> memref<64x144xf32, #tpu.memory_space<hbm>>
        tpu.wait_dma2 semaphore(%run_scoped3A_18 : memref<!tpu.dma_semaphore, #tpu.memory_space<semaphore_mem>>) src(%dma_wait3A_28 : memref<64x144xf32, #tpu.memory_space<hbm>>) dst(%arg5 : memref<64x144xf32, #tpu.memory_space<vmem>>)
        tpu.yield
      }) : () -> ()
      %parallel_loop3A = arith.constant 0 : i32
      %parallel_loop3A_16 = arith.constant 64 : i32
      %parallel_loop3A_17 = arith.constant 1 : i32
      scf.for %parallel_loop3A_18 = %parallel_loop3A to %parallel_loop3A_16 step %parallel_loop3A_17  : i32 {
        %parallel_loop3A_19 = arith.index_cast %parallel_loop3A_18 : i32 to index
        %parallel_loop3A_20 = arith.constant 128 : index
        %parallel_loop3A_21 = tpu.vector_load %arg4[%parallel_loop3A_19, %parallel_loop3A_20] {strides = array<i32>} : memref<64x144xf32, #tpu.memory_space<vmem>>, vector<16xf32>,
        %parallel_loop3A_22 = arith.index_cast %parallel_loop3A_18 : i32 to index
        %parallel_loop3A_23 = arith.constant 128 : index
        %parallel_loop3A_24 = tpu.vector_load %arg5[%parallel_loop3A_22, %parallel_loop3A_23] {strides = array<i32>} : memref<64x144xf32, #tpu.memory_space<vmem>>, vector<16xf32>,
        %parallel_loop3A_25 = arith.addf %parallel_loop3A_21, %parallel_loop3A_24 : vector<16xf32>
        %parallel_loop3A_26 = arith.constant 0 : i32
        %parallel_loop3A_27 = vector.broadcast %parallel_loop3A_26 : i32 to vector<16x1xi32>
        %parallel_loop3A_28 = vector.shape_cast %parallel_loop3A_27 : vector<16x1xi32> to vector<16xi32>
        %parallel_loop3A_29 = tpu.dynamic_gather %parallel_loop3A_25[%parallel_loop3A_28] in [0] : vector<16xf32>, vector<16xi32> -> vector<16xf32>
        %parallel_loop3A_30 = arith.constant 9.99999971E-10 : f32
        %parallel_loop3A_31 = vector.broadcast %parallel_loop3A_30 : f32 to vector<16xf32>
        %parallel_loop3A_32 = arith.maximumf %parallel_loop3A_29, %parallel_loop3A_31 : vector<16xf32>
        %parallel_loop3A_33 = arith.index_cast %parallel_loop3A_18 : i32 to index
        %parallel_loop3A_34 = arith.constant 0 : index
        %parallel_loop3A_35 = tpu.vector_load %arg4[%parallel_loop3A_33, %parallel_loop3A_34] {strides = array<i32>} : memref<64x144xf32, #tpu.memory_space<vmem>>, vector<16xf32>,
        %parallel_loop3A_36 = arith.index_cast %parallel_loop3A_18 : i32 to index
        %parallel_loop3A_37 = arith.constant 0 : index
        %parallel_loop3A_38 = tpu.vector_load %arg5[%parallel_loop3A_36, %parallel_loop3A_37] {strides = array<i32>} : memref<64x144xf32, #tpu.memory_space<vmem>>, vector<16xf32>,
        %parallel_loop3A_39 = arith.addf %parallel_loop3A_35, %parallel_loop3A_38 : vector<16xf32>
        %parallel_loop3A_40 = arith.divf %parallel_loop3A_39, %parallel_loop3A_32 : vector<16xf32>
        %parallel_loop3A_41 = arith.index_cast %parallel_loop3A_18 : i32 to index
        %parallel_loop3A_42 = arith.constant 0 : index
        %parallel_loop3A_43 = tpu.vector_load %arg6[%parallel_loop3A_41, %parallel_loop3A_42] {strides = array<i32>} : memref<64x128xf32, #tpu.memory_space<vmem>>, vector<16xf32>,
        tpu.vector_store %arg6[%parallel_loop3A_41, %parallel_loop3A_42], %parallel_loop3A_40 {strides = array<i32>} : memref<64x128xf32, #tpu.memory_space<vmem>>, vector<16xf32>,
        %parallel_loop3A_44 = arith.index_cast %parallel_loop3A_18 : i32 to index
        %parallel_loop3A_45 = arith.constant 16 : index
        %parallel_loop3A_46 = tpu.vector_load %arg4[%parallel_loop3A_44, %parallel_loop3A_45] {strides = array<i32>} : memref<64x144xf32, #tpu.memory_space<vmem>>, vector<16xf32>,
        %parallel_loop3A_47 = arith.index_cast %parallel_loop3A_18 : i32 to index
        %parallel_loop3A_48 = arith.constant 16 : index
        %parallel_loop3A_49 = tpu.vector_load %arg5[%parallel_loop3A_47, %parallel_loop3A_48] {strides = array<i32>} : memref<64x144xf32, #tpu.memory_space<vmem>>, vector<16xf32>,
        %parallel_loop3A_50 = arith.addf %parallel_loop3A_46, %parallel_loop3A_49 : vector<16xf32>
        %parallel_loop3A_51 = arith.divf %parallel_loop3A_50, %parallel_loop3A_32 : vector<16xf32>
        %parallel_loop3A_52 = arith.index_cast %parallel_loop3A_18 : i32 to index
        %parallel_loop3A_53 = arith.constant 16 : index
        %parallel_loop3A_54 = tpu.vector_load %arg6[%parallel_loop3A_52, %parallel_loop3A_53] {strides = array<i32>} : memref<64x128xf32, #tpu.memory_space<vmem>>, vector<16xf32>,
        tpu.vector_store %arg6[%parallel_loop3A_52, %parallel_loop3A_53], %parallel_loop3A_51 {strides = array<i32>} : memref<64x128xf32, #tpu.memory_space<vmem>>, vector<16xf32>,
        %parallel_loop3A_55 = arith.index_cast %parallel_loop3A_18 : i32 to index
        %parallel_loop3A_56 = arith.constant 32 : index
        %parallel_loop3A_57 = tpu.vector_load %arg4[%parallel_loop3A_55, %parallel_loop3A_56] {strides = array<i32>} : memref<64x144xf32, #tpu.memory_space<vmem>>, vector<16xf32>,
        %parallel_loop3A_58 = arith.index_cast %parallel_loop3A_18 : i32 to index
        %parallel_loop3A_59 = arith.constant 32 : index
        %parallel_loop3A_60 = tpu.vector_load %arg5[%parallel_loop3A_58, %parallel_loop3A_59] {strides = array<i32>} : memref<64x144xf32, #tpu.memory_space<vmem>>, vector<16xf32>,
        %parallel_loop3A_61 = arith.addf %parallel_loop3A_57, %parallel_loop3A_60 : vector<16xf32>
        %parallel_loop3A_62 = arith.divf %parallel_loop3A_61, %parallel_loop3A_32 : vector<16xf32>
        %parallel_loop3A_63 = arith.index_cast %parallel_loop3A_18 : i32 to index
        %parallel_loop3A_64 = arith.constant 32 : index
        %parallel_loop3A_65 = tpu.vector_load %arg6[%parallel_loop3A_63, %parallel_loop3A_64] {strides = array<i32>} : memref<64x128xf32, #tpu.memory_space<vmem>>, vector<16xf32>,
        tpu.vector_store %arg6[%parallel_loop3A_63, %parallel_loop3A_64], %parallel_loop3A_62 {strides = array<i32>} : memref<64x128xf32, #tpu.memory_space<vmem>>, vector<16xf32>,
        %parallel_loop3A_66 = arith.index_cast %parallel_loop3A_18 : i32 to index
        %parallel_loop3A_67 = arith.constant 48 : index
        %parallel_loop3A_68 = tpu.vector_load %arg4[%parallel_loop3A_66, %parallel_loop3A_67] {strides = array<i32>} : memref<64x144xf32, #tpu.memory_space<vmem>>, vector<16xf32>,
        %parallel_loop3A_69 = arith.index_cast %parallel_loop3A_18 : i32 to index
        %parallel_loop3A_70 = arith.constant 48 : index
        %parallel_loop3A_71 = tpu.vector_load %arg5[%parallel_loop3A_69, %parallel_loop3A_70] {strides = array<i32>} : memref<64x144xf32, #tpu.memory_space<vmem>>, vector<16xf32>,
        %parallel_loop3A_72 = arith.addf %parallel_loop3A_68, %parallel_loop3A_71 : vector<16xf32>
        %parallel_loop3A_73 = arith.divf %parallel_loop3A_72, %parallel_loop3A_32 : vector<16xf32>
        %parallel_loop3A_74 = arith.index_cast %parallel_loop3A_18 : i32 to index
        %parallel_loop3A_75 = arith.constant 48 : index
        %parallel_loop3A_76 = tpu.vector_load %arg6[%parallel_loop3A_74, %parallel_loop3A_75] {strides = array<i32>} : memref<64x128xf32, #tpu.memory_space<vmem>>, vector<16xf32>,
        tpu.vector_store %arg6[%parallel_loop3A_74, %parallel_loop3A_75], %parallel_loop3A_73 {strides = array<i32>} : memref<64x128xf32, #tpu.memory_space<vmem>>, vector<16xf32>,
        %parallel_loop3A_77 = arith.index_cast %parallel_loop3A_18 : i32 to index
        %parallel_loop3A_78 = arith.constant 64 : index
        %parallel_loop3A_79 = tpu.vector_load %arg4[%parallel_loop3A_77, %parallel_loop3A_78] {strides = array<i32>} : memref<64x144xf32, #tpu.memory_space<vmem>>, vector<16xf32>,
        %parallel_loop3A_80 = arith.index_cast %parallel_loop3A_18 : i32 to index
        %parallel_loop3A_81 = arith.constant 64 : index
        %parallel_loop3A_82 = tpu.vector_load %arg5[%parallel_loop3A_80, %parallel_loop3A_81] {strides = array<i32>} : memref<64x144xf32, #tpu.memory_space<vmem>>, vector<16xf32>,
        %parallel_loop3A_83 = arith.addf %parallel_loop3A_79, %parallel_loop3A_82 : vector<16xf32>
        %parallel_loop3A_84 = arith.divf %parallel_loop3A_83, %parallel_loop3A_32 : vector<16xf32>
        %parallel_loop3A_85 = arith.index_cast %parallel_loop3A_18 : i32 to index
        %parallel_loop3A_86 = arith.constant 64 : index
        %parallel_loop3A_87 = tpu.vector_load %arg6[%parallel_loop3A_85, %parallel_loop3A_86] {strides = array<i32>} : memref<64x128xf32, #tpu.memory_space<vmem>>, vector<16xf32>,
        tpu.vector_store %arg6[%parallel_loop3A_85, %parallel_loop3A_86], %parallel_loop3A_84 {strides = array<i32>} : memref<64x128xf32, #tpu.memory_space<vmem>>, vector<16xf32>,
        %parallel_loop3A_88 = arith.index_cast %parallel_loop3A_18 : i32 to index
        %parallel_loop3A_89 = arith.constant 80 : index
        %parallel_loop3A_90 = tpu.vector_load %arg4[%parallel_loop3A_88, %parallel_loop3A_89] {strides = array<i32>} : memref<64x144xf32, #tpu.memory_space<vmem>>, vector<16xf32>,
        %parallel_loop3A_91 = arith.index_cast %parallel_loop3A_18 : i32 to index
        %parallel_loop3A_92 = arith.constant 80 : index
        %parallel_loop3A_93 = tpu.vector_load %arg5[%parallel_loop3A_91, %parallel_loop3A_92] {strides = array<i32>} : memref<64x144xf32, #tpu.memory_space<vmem>>, vector<16xf32>,
        %parallel_loop3A_94 = arith.addf %parallel_loop3A_90, %parallel_loop3A_93 : vector<16xf32>
        %parallel_loop3A_95 = arith.divf %parallel_loop3A_94, %parallel_loop3A_32 : vector<16xf32>
        %parallel_loop3A_96 = arith.index_cast %parallel_loop3A_18 : i32 to index
        %parallel_loop3A_97 = arith.constant 80 : index
        %parallel_loop3A_98 = tpu.vector_load %arg6[%parallel_loop3A_96, %parallel_loop3A_97] {strides = array<i32>} : memref<64x128xf32, #tpu.memory_space<vmem>>, vector<16xf32>,
        tpu.vector_store %arg6[%parallel_loop3A_96, %parallel_loop3A_97], %parallel_loop3A_95 {strides = array<i32>} : memref<64x128xf32, #tpu.memory_space<vmem>>, vector<16xf32>,
        %parallel_loop3A_99 = arith.index_cast %parallel_loop3A_18 : i32 to index
        %parallel_loop3A_100 = arith.constant 96 : index
        %parallel_loop3A_101 = tpu.vector_load %arg4[%parallel_loop3A_99, %parallel_loop3A_100] {strides = array<i32>} : memref<64x144xf32, #tpu.memory_space<vmem>>, vector<16xf32>,
        %parallel_loop3A_102 = arith.index_cast %parallel_loop3A_18 : i32 to index
        %parallel_loop3A_103 = arith.constant 96 : index
        %parallel_loop3A_104 = tpu.vector_load %arg5[%parallel_loop3A_102, %parallel_loop3A_103] {strides = array<i32>} : memref<64x144xf32, #tpu.memory_space<vmem>>, vector<16xf32>,
        %parallel_loop3A_105 = arith.addf %parallel_loop3A_101, %parallel_loop3A_104 : vector<16xf32>
        %parallel_loop3A_106 = arith.divf %parallel_loop3A_105, %parallel_loop3A_32 : vector<16xf32>
        %parallel_loop3A_107 = arith.index_cast %parallel_loop3A_18 : i32 to index
        %parallel_loop3A_108 = arith.constant 96 : index
        %parallel_loop3A_109 = tpu.vector_load %arg6[%parallel_loop3A_107, %parallel_loop3A_108] {strides = array<i32>} : memref<64x128xf32, #tpu.memory_space<vmem>>, vector<16xf32>,
        tpu.vector_store %arg6[%parallel_loop3A_107, %parallel_loop3A_108], %parallel_loop3A_106 {strides = array<i32>} : memref<64x128xf32, #tpu.memory_space<vmem>>, vector<16xf32>,
        %parallel_loop3A_110 = arith.index_cast %parallel_loop3A_18 : i32 to index
        %parallel_loop3A_111 = arith.constant 112 : index
        %parallel_loop3A_112 = tpu.vector_load %arg4[%parallel_loop3A_110, %parallel_loop3A_111] {strides = array<i32>} : memref<64x144xf32, #tpu.memory_space<vmem>>, vector<16xf32>,
        %parallel_loop3A_113 = arith.index_cast %parallel_loop3A_18 : i32 to index
        %parallel_loop3A_114 = arith.constant 112 : index
        %parallel_loop3A_115 = tpu.vector_load %arg5[%parallel_loop3A_113, %parallel_loop3A_114] {strides = array<i32>} : memref<64x144xf32, #tpu.memory_space<vmem>>, vector<16xf32>,
        %parallel_loop3A_116 = arith.addf %parallel_loop3A_112, %parallel_loop3A_115 : vector<16xf32>
        %parallel_loop3A_117 = arith.divf %parallel_loop3A_116, %parallel_loop3A_32 : vector<16xf32>
        %parallel_loop3A_118 = arith.index_cast %parallel_loop3A_18 : i32 to index
        %parallel_loop3A_119 = arith.constant 112 : index
        %parallel_loop3A_120 = tpu.vector_load %arg6[%parallel_loop3A_118, %parallel_loop3A_119] {strides = array<i32>} : memref<64x128xf32, #tpu.memory_space<vmem>>, vector<16xf32>,
        tpu.vector_store %arg6[%parallel_loop3A_118, %parallel_loop3A_119], %parallel_loop3A_117 {strides = array<i32>} : memref<64x128xf32, #tpu.memory_space<vmem>>, vector<16xf32>,
      } {sc.loop_unroll_factor = 2 : i64, sc.parallel_access}
      "tpu.region"() ({
        %run_scoped3A_18 = tpu.sem_alloc : memref<!tpu.dma_semaphore, #tpu.memory_space<semaphore_mem>>
        %dma_start3A = arith.constant 0 : i32
        %dma_start3A_19 = tpu.memref_slice %arg3[%add3A_14, %dma_start3A] : memref<10240x128xf32, #tpu.memory_space<hbm>> -> memref<64x128xf32, #tpu.memory_space<hbm>>
        %dma_start3A_20 = arith.constant 0 : i32
        %dma_start3A_21 = tpu.memref_slice %arg3[%add3A_14, %dma_start3A_20] : memref<10240x128xf32, #tpu.memory_space<hbm>> -> memref<64x128xf32, #tpu.memory_space<hbm>>
        tpu.enqueue_dma source(%arg6 : memref<64x128xf32, #tpu.memory_space<vmem>>) target(%dma_start3A_21 : memref<64x128xf32, #tpu.memory_space<hbm>>) target_semaphore(%run_scoped3A_18 : memref<!tpu.dma_semaphore, #tpu.memory_space<semaphore_mem>>)
        %dma_wait3A = arith.constant 0 : i32
        %dma_wait3A_22 = tpu.memref_slice %arg3[%add3A_14, %dma_wait3A] : memref<10240x128xf32, #tpu.memory_space<hbm>> -> memref<64x128xf32, #tpu.memory_space<hbm>>
        %dma_wait3A_23 = arith.constant 0 : i32
        %dma_wait3A_24 = tpu.memref_slice %arg3[%add3A_14, %dma_wait3A_23] : memref<10240x128xf32, #tpu.memory_space<hbm>> -> memref<64x128xf32, #tpu.memory_space<hbm>>
        tpu.wait_dma2 semaphore(%run_scoped3A_18 : memref<!tpu.dma_semaphore, #tpu.memory_space<semaphore_mem>>) src(%arg6 : memref<64x128xf32, #tpu.memory_space<vmem>>) dst(%dma_wait3A_24 : memref<64x128xf32, #tpu.memory_space<hbm>>)
        tpu.yield
      }) : () -> ()
    }
    %scan3A_6 = arith.constant 5 : i32
    return
  }
}

module attributes {stable_mosaic.version = 14 : i64} {
  func.func @_dense_body(%arg0: memref<10000x128xf32, #tpu.memory_space<vmem>>, %arg1: memref<128x128xf32, #tpu.memory_space<vmem>>, %arg2: memref<128xf32, #tpu.memory_space<vmem>>, %arg3: memref<1x256xf32, #tpu.memory_space<vmem>>, %arg4: memref<1xf32, #tpu.memory_space<vmem>>, %arg5: memref<128xf32, #tpu.memory_space<vmem>>, %arg6: memref<10240x144xf32, #tpu.memory_space<vmem>>, %arg7: memref<10000x1xf32, #tpu.memory_space<vmem>>, %arg8: memref<10000x1xf32, #tpu.memory_space<vmem>>) attributes {dimension_semantics = [], scalar_prefetch = 0 : i64, scratch_operands = 0 : i64, tpu.core_type = #tpu.core_type<tc>} {
    %get3A = arith.constant 0 : index
    %get3A_0 = vector.load %arg5[%get3A] : memref<128xf32, #tpu.memory_space<vmem>>, vector<128xf32>
    %get3A_1 = arith.constant 0 : index
    %get3A_2 = arith.constant 0 : index
    %get3A_3 = vector.load %arg0[%get3A_1, %get3A_2] : memref<10000x128xf32, #tpu.memory_space<vmem>>, vector<10000x128xf32>
    %logistic3A = arith.negf %get3A_0 : vector<128xf32>
    %logistic3A_4 = math.exp %logistic3A : vector<128xf32>
    %logistic3A_5 = arith.constant 1.000000e+00 : f32
    %logistic3A_6 = vector.broadcast %logistic3A_5 : f32 to vector<128xf32>
    %logistic3A_7 = arith.addf %logistic3A_6, %logistic3A_4 : vector<128xf32>
    %logistic3A_8 = arith.divf %logistic3A_6, %logistic3A_7 : vector<128xf32>
    %broadcast_in_dim3A = vector.shape_cast %logistic3A_8 : vector<128xf32> to vector<1x128xf32>
    %mul3A = vector.broadcast %broadcast_in_dim3A : vector<1x128xf32> to vector<10000x128xf32>
    %mul3A_9 = arith.mulf %get3A_3, %mul3A : vector<10000x128xf32>
    %get3A_10 = arith.constant 0 : index
    %get3A_11 = arith.constant 0 : index
    %get3A_12 = vector.load %arg1[%get3A_10, %get3A_11] : memref<128x128xf32, #tpu.memory_space<vmem>>, vector<128x128xf32>
    %dot_general3A = arith.constant dense<0.000000e+00> : vector<10000x128xf32>
    %dot_general3A_13 = tpu.matmul %mul3A_9, %get3A_12, %dot_general3A {dimension_numbers = #tpu.dot_dimension_numbers<[1], [1], [0], [0], [0, 0, 1, 0], [], []>, precision = #tpu.contract_precision<fp32>, transpose_lhs_hint = false} : vector<10000x128xf32>, vector<128x128xf32>, vector<10000x128xf32> -> vector<10000x128xf32>
    %get3A_14 = arith.constant 0 : index
    %get3A_15 = vector.load %arg2[%get3A_14] : memref<128xf32, #tpu.memory_space<vmem>>, vector<128xf32>
    %broadcast_in_dim3A_16 = vector.shape_cast %get3A_15 : vector<128xf32> to vector<1x128xf32>
    %add3A = vector.broadcast %broadcast_in_dim3A_16 : vector<1x128xf32> to vector<10000x128xf32>
    %add3A_17 = arith.addf %dot_general3A_13, %add3A : vector<10000x128xf32>
    %get3A_18 = arith.constant 0 : index
    %get3A_19 = arith.constant 0 : index
    %get3A_20 = vector.load %arg3[%get3A_18, %get3A_19] : memref<1x256xf32, #tpu.memory_space<vmem>>, vector<1x256xf32>
    %slice3A = vector.extract_strided_slice %get3A_20 {offsets = [0, 0], sizes = [1, 128], strides = [1, 1]} : vector<1x256xf32> to vector<1x128xf32>
    %squeeze3A = vector.shape_cast %slice3A : vector<1x128xf32> to vector<128xf32>
    %slice3A_21 = vector.extract_strided_slice %get3A_20 {offsets = [0, 128], sizes = [1, 128], strides = [1, 1]} : vector<1x256xf32> to vector<1x128xf32>
    %squeeze3A_22 = vector.shape_cast %slice3A_21 : vector<1x128xf32> to vector<128xf32>
    %broadcast_in_dim3A_23 = vector.shape_cast %squeeze3A : vector<128xf32> to vector<1x128xf32>
    %mul3A_24 = vector.broadcast %broadcast_in_dim3A_23 : vector<1x128xf32> to vector<10000x128xf32>
    %mul3A_25 = arith.mulf %add3A_17, %mul3A_24 : vector<10000x128xf32>
    %reduce_sum3A = arith.constant dense<0.000000e+00> : vector<10000xf32>
    %reduce_sum3A_26 = vector.multi_reduction <add>, %mul3A_25, %reduce_sum3A [1] : vector<10000x128xf32> to vector<10000xf32>
    %broadcast_in_dim3A_27 = vector.shape_cast %reduce_sum3A_26 : vector<10000xf32> to vector<10000x1xf32>
    %swap3A = arith.constant 0 : index
    %swap3A_28 = arith.constant 0 : index
    %swap3A_29 = vector.load %arg7[%swap3A, %swap3A_28] : memref<10000x1xf32, #tpu.memory_space<vmem>>, vector<10000x1xf32>
    tpu.vector_store %arg7[%swap3A, %swap3A_28], %broadcast_in_dim3A_27 {strides = array<i32>} : memref<10000x1xf32, #tpu.memory_space<vmem>>, vector<10000x1xf32>,
    %broadcast_in_dim3A_30 = vector.shape_cast %squeeze3A_22 : vector<128xf32> to vector<1x128xf32>
    %mul3A_31 = vector.broadcast %broadcast_in_dim3A_30 : vector<1x128xf32> to vector<10000x128xf32>
    %mul3A_32 = arith.mulf %add3A_17, %mul3A_31 : vector<10000x128xf32>
    %reduce_sum3A_33 = arith.constant dense<0.000000e+00> : vector<10000xf32>
    %reduce_sum3A_34 = vector.multi_reduction <add>, %mul3A_32, %reduce_sum3A_33 [1] : vector<10000x128xf32> to vector<10000xf32>
    %broadcast_in_dim3A_35 = vector.shape_cast %reduce_sum3A_34 : vector<10000xf32> to vector<10000x1xf32>
    %get3A_36 = arith.constant 0 : index
    %get3A_37 = vector.load %arg4[%get3A_36] : memref<1xf32, #tpu.memory_space<vmem>>, vector<1xf32>
    %squeeze3A_38 = vector.extract %get3A_37[0] : f32 from vector<1xf32>
    %add3A_39 = vector.broadcast %squeeze3A_38 : f32 to vector<10000x1xf32>
    %add3A_40 = arith.addf %broadcast_in_dim3A_35, %add3A_39 : vector<10000x1xf32>
    %swap3A_41 = arith.constant 0 : index
    %swap3A_42 = arith.constant 0 : index
    %swap3A_43 = vector.load %arg8[%swap3A_41, %swap3A_42] : memref<10000x1xf32, #tpu.memory_space<vmem>>, vector<10000x1xf32>
    tpu.vector_store %arg8[%swap3A_41, %swap3A_42], %add3A_40 {strides = array<i32>} : memref<10000x1xf32, #tpu.memory_space<vmem>>, vector<10000x1xf32>,
    %swap3A_44 = arith.constant 0 : index
    %swap3A_45 = arith.constant 0 : index
    %swap3A_46 = vector.load %arg6[%swap3A_44, %swap3A_45] : memref<10240x144xf32, #tpu.memory_space<vmem>>, vector<10000x128xf32>
    tpu.vector_store %arg6[%swap3A_44, %swap3A_45], %add3A_17 {strides = array<i32>} : memref<10240x144xf32, #tpu.memory_space<vmem>>, vector<10000x128xf32>,
    %iota3A = tpu.iota {dimensions = array<i32: 1>} : vector<10240x16xi32>
    %eq3A = arith.constant 0 : i32
    %eq3A_47 = vector.broadcast %eq3A : i32 to vector<10240x16xi32>
    %eq3A_48 = arith.cmpi eq, %iota3A, %eq3A_47 : vector<10240x16xi32>
    %jit3A = arith.constant 1.000000e+00 : f32
    %jit3A_49 = arith.constant 0.000000e+00 : f32
    %broadcast_in_dim3A_50 = vector.broadcast %jit3A : f32 to vector<10240x16xf32>
    %broadcast_in_dim3A_51 = vector.broadcast %jit3A_49 : f32 to vector<10240x16xf32>
    %select_n3A = arith.select %eq3A_48, %broadcast_in_dim3A_50, %broadcast_in_dim3A_51 : vector<10240x16xi1>, vector<10240x16xf32>
    %swap3A_52 = arith.constant 0 : index
    %swap3A_53 = arith.constant 128 : index
    %swap3A_54 = vector.load %arg6[%swap3A_52, %swap3A_53] : memref<10240x144xf32, #tpu.memory_space<vmem>>, vector<10240x16xf32>
    tpu.vector_store %arg6[%swap3A_52, %swap3A_53], %select_n3A {strides = array<i32>} : memref<10240x144xf32, #tpu.memory_space<vmem>>, vector<10240x16xf32>,
    return
  }
}

</mosaic_0001>

<sc_bundles>
// kernel: _run.12.cloned.1.call-start
scs
__scs_entry_jumppad:
0x0: {  	(pc) =	sbr.rel $0x88, $3  }
0x1: {  	(tag) =	ssettag $0x0;
	lr =	simm.s32 $0x1  }
0x2: {  	[smem:$0x3F9A] =	sst lr;
	_ =	strace $0xD0000000  }
0x3: {  	_ = 	snop  }
0x4: {  	_ = 	snop  }
0x5: {  	_ = 	snop  }
0x6: {  	_ = 	snop  }
0x7: {  	_ = 	snop  }
__scs_overlays_trampoline_lowered:
0x8: {  	[smem:$0x3FA9] =	sst s0  }
0x9: {  	[smem:$0x3FAA] =	sst s1  }
0xa: {  	[smem:$0x3FAB] =	sst s2  }
0xb: {  	[smem:$0x3FAC] =	sst s3  }
0xc: {  	[smem:$0x3FAD] =	sst s4  }
0xd: {  	[smem:$0x3FAE] =	sst s5  }
0xe: {  	[smem:$0x3FAF] =	sst s6  }
0xf: {  	[smem:$0x3FB0] =	sst s7  }
0x10: {  	[smem:$0x3FB1] =	sst s8  }
0x11: {  	[smem:$0x3FB2] =	sst s9;
	s0 =	simm.s32 @!p0 $0x0  }
0x12: {  	s1 =	sld [smem:$0x3F98];
	s0 =	simm.s32 @p0 $0x1  }
0x13: {  	[smem:$0x3FB3] =	sst s0;
	s0 =	simm.s32 @!p1 $0x0  }
0x14: {  	s2 =	sld [smem:$0x3F97];
	s0 =	simm.s32 @p1 $0x1  }
0x15: {  	[smem:$0x3FB4] =	sst s0;
	s0 =	simm.s32 @!p2 $0x0  }
0x16: {  	s3 =	sld [smem:$0x3FDB];
	s0 =	simm.s32 @p2 $0x1  }
0x17: {  	s4 =	simm.s32 $0x1BF5;
	[smem:$0x3FB6] =	sst s0  }
0x18: {  	s0 =	sld [smem:$0x3F99];
	_ =	swait.ge [sflag:s4], $0x0  }
0x19: {  	s7 =	sld [smem:$0x3F9A]  }
0x1a: {  	s8 =	sadd.s32 $0xFFFFE003, lr  }
0x1b: {  	s9 =	sadd.s32 $0xFFFFFEF7, lr;
	s5 =	simm.s32 $0xFFFFFFFF;
	p2 =	slt.u32 s8, $0xFFFFF086  }
0x1c: {  	p1 =	slt.u32 s9, $0xF7A;
	s5 =	simm.s32 @!p2 $0x0  }
0x1d: {  	s5 =	simm.s32 @p1 $0x1;
	p0 =	seq.s32 s7, s2  }
0x1e: {  	s7 =	smul.u32 @!p0 $0xF7A, s2;
	p2 =	seq.s32 @!p0 s5, $0x0  }
0x1f: {  	s9 =	smul.u32 $0xF7A, s1;
	s8 =	simm.s32 @!p0 $0x1BF5;
	p2 =	por !p2, p0  }
0x20: {  	[sflag:s8] =	ssyncset.s32 @!p0 $0xFFFFF086;
	s6 =	sadd.s32 @!p0 s3, s7;
	s7 =	simm.s32 @!p0 $0x108  }
0x21: {  	s3 =	sadd.s32 s3, s9;
	s6 =	sadd.s32 @!p0 $0x88, s6;
	s7 =	simm.s32 @p2 $0x1082  }
0x22: {  	[simem:s7], [sflag:s8] =	dma.local @!p0 [hbm:s6], $0xF7A  }
0x23: {  	s9 =	sor.u32 $0xD0000000, s2;
	s6 =	simm.s32 $0x108;
	_ =	swait.ge @!p0 [sflag:s8], $0x0  }
0x24: {  	s3 =	sadd.s32 $0x88, s3;
	s6 =	simm.s32 @!p1 $0x1082;
	[sflag:s4] =	ssyncset.s32 $0xFFFFF086  }
0x25: {  	[simem:s6], [sflag:s4] =	dma.local [hbm:s3], $0xF7A  }
0x26: {  	[smem:$0x3F9A] =	sst s1;
	(tag) =	ssettag s2;
	_ =	strace s9  }
0x27: {  	s1 =	sld [smem:$0x3FAA]  }
0x28: {  	s2 =	sld [smem:$0x3FAB]  }
0x29: {  	s4 =	sld [smem:$0x3FAD]  }
0x2a: {  	p0 =	seq.s32 s5, $0x0;
	s5 =	sld [smem:$0x3FAE]  }
0x2b: {  	s6 =	sld [smem:$0x3FAF]  }
0x2c: {  	s7 =	sld [smem:$0x3FB0]  }
0x2d: {  	s3 =	simm.s32 $0x108;
	s8 =	sld [smem:$0x3FB1]  }
0x2e: {  	s3 =	simm.s32 @!p0 $0x1082;
	s9 =	sld [smem:$0x3FB2]  }
0x2f: {  	lr =	sadd.s32 s0, s3;
	s0 =	sld [smem:$0x3FA9]  }
0x30: {  	s3 =	sld [smem:$0x3FAC]  }
0x31: {  	[smem:$0x3FB5] =	sst s10  }
0x32: {  	s10 =	sld [smem:$0x3FB3];
	_ =	sdelay $0x3  }
0x33: {  	p0 =	seq.s32 s10, $0x1;
	s10 =	sld [smem:$0x3FB5];
	_ =	sdelay $0x3  }
0x34: {  	[smem:$0x3FB5] =	sst s10  }
0x35: {  	s10 =	sld [smem:$0x3FB4];
	_ =	sdelay $0x3  }
0x36: {  	p1 =	seq.s32 s10, $0x1;
	s10 =	sld [smem:$0x3FB5];
	_ =	sdelay $0x3  }
0x37: {  	[smem:$0x3FB5] =	sst s10  }
0x38: {  	s10 =	sld [smem:$0x3FB6]  }
0x39: {  	_ = 	snop;
	(pc) =	sbr.ind lr, $3  }
0x3a: {  	_ = 	snop  }
0x3b: {  	_ = 	snop  }
0x3c: {  	p2 =	seq.s32 s10, $0x1;
	s10 =	sld [smem:$0x3FB5]  }
0x3d: {  	_ =	shalt  }
0x3e: {  	_ =	shalt  }
0x3f: {  	_ =	shalt  }
0x40: {  	_ =	shalt  }
0x41: {  	_ =	shalt  }
0x42: {  	_ =	shalt  }
0x43: {  	_ =	shalt  }
0x44: {  	_ =	shalt  }
0x45: {  	_ =	shalt  }
0x46: {  	_ =	shalt  }
0x47: {  	_ =	shalt  }
0x48: {  	_ =	shalt  }
0x49: {  	_ =	shalt  }
0x4a: {  	_ =	shalt  }
0x4b: {  	_ =	shalt  }
0x4c: {  	_ =	shalt  }
0x4d: {  	_ =	shalt  }
0x4e: {  	_ =	shalt  }
0x4f: {  	_ =	shalt  }
0x50: {  	_ =	shalt  }
0x51: {  	_ =	shalt  }
0x52: {  	_ =	shalt  }
0x53: {  	_ =	shalt  }
0x54: {  	_ =	shalt  }
0x55: {  	_ =	shalt  }
0x56: {  	_ =	shalt  }
0x57: {  	_ =	shalt  }
0x58: {  	_ =	shalt  }
0x59: {  	_ =	shalt  }
0x5a: {  	_ =	shalt  }
0x5b: {  	_ =	shalt  }
0x5c: {  	_ =	shalt  }
0x5d: {  	_ =	shalt  }
0x5e: {  	_ =	shalt  }
0x5f: {  	_ =	shalt  }
0x60: {  	_ =	shalt  }
0x61: {  	_ =	shalt  }
0x62: {  	_ =	shalt  }
0x63: {  	_ =	shalt  }
0x64: {  	_ =	shalt  }
0x65: {  	_ =	shalt  }
0x66: {  	_ =	shalt  }
0x67: {  	_ =	shalt  }
0x68: {  	_ =	shalt  }
0x69: {  	_ =	shalt  }
0x6a: {  	_ =	shalt  }
0x6b: {  	_ =	shalt  }
0x6c: {  	_ =	shalt  }
0x6d: {  	_ =	shalt  }
0x6e: {  	_ =	shalt  }
0x6f: {  	_ =	shalt  }
0x70: {  	_ =	shalt  }
0x71: {  	_ =	shalt  }
0x72: {  	_ =	shalt  }
0x73: {  	_ =	shalt  }
0x74: {  	_ =	shalt  }
0x75: {  	_ =	shalt  }
0x76: {  	_ =	shalt  }
0x77: {  	_ =	shalt  }
0x78: {  	_ =	shalt  }
0x79: {  	_ =	shalt  }
0x7a: {  	_ =	shalt  }
0x7b: {  	_ =	shalt  }
0x7c: {  	_ =	shalt  }
0x7d: {  	_ =	shalt  }
0x7e: {  	_ =	shalt  }
0x7f: {  	_ =	shalt  }
0x80: {  	_ =	shalt  }
0x81: {  	_ =	shalt  }
0x82: {  	_ =	shalt  }
0x83: {  	_ =	shalt  }
0x84: {  	_ =	shalt  }
0x85: {  	_ =	shalt  }
0x86: {  	_ =	shalt  }
0x87: {  	_ =	shalt  }
.Lfunc_end0:
.L_simem_size_0:
called_computation.2_lowered:
.L_overlay_start_0:
0x88: {  	s2 =	sld [smem:$0x3FD9]  }
0x89: {  	s3 =	sld [smem:$0x3FFE];
	_ =	sdelay $0x1  }
0x8a: {  	s1 =	srdreg.scid  }
0x8b: {  	s0 =	sand.u32 $0x1, s1  }
0x8c: {  	s16 =	sshll.u32 s0, $0xA;
	s2 =	sadd.s32 s3, s2  }
0x8d: {  	s2 =	sadd.s32 s2, s16  }
0x8e: {  	[smem:$0x3FC1] =	sst s2  }
0x8f: {  	_ = 	snop  }
0x90: {  	(tm) =	ssettm $0x1  }
0x91: {  	s17 =	sld [smem:$0x3FFB];
	_ =	sdelay $0x3  }
0x92: {  	_ =	strace s17  }
0x93: {  	s2 =	sld [smem:$0x3FFC];
	_ =	sdelay $0x3  }
0x94: {  	_ =	strace s2  }
0x95: {  	s2 =	sld [smem:$0x3FFD];
	_ =	sdelay $0x3  }
0x96: {  	_ =	strace s2  }
0x97: {  	_ =	strace $0x8FFFFFFF  }
0x98: {  	s18 =	sld [smem:$0x3FDB];
	_ =	sdelay $0x1  }
0x99: {  	s19 =	simm.s32 $_scs_section_size  }
0x9a: {  	s4 =	simm.s32 $_size__tile_overlayer_lowered;
	s5 =	simm.s32 $_tile_overlayer_lowered  }
0x9b: {  	s22 =	simm.s32 $0x1BFF;
	s21 =	sshll.u32 s5, $0x1;
	s2 =	sadd.s32 s19, s18  }
0x9c: {  	s6 =	simm.s32 $0x0;
	s20 =	sshll.u32 s4, $0x1;
	s4 =	sadd.s32 s21, s2  }
0x9d: {  	[timem:s6], [sflag:s22] =	dma.local [hbm:s4], s20  }
0x9e: {  	_ =	swait.ge [sflag:s22], s20  }
0x9f: {  	s3 =	ssub.s32 $0x0, s20;
	[sflag:s22] =	ssyncset.done $0x0  }
0xa0: {  	[sflag:s22] =	ssyncadd.s32 s3;
	_ =	sdelay $0x1  }
0xa1: {  	s23 =	simm.s32 $0x1B8B  }
0xa2: {  	_ =	swait.ge [sflag:s23], $0x1  }
0xa3: {  	[sflag:s23] =	ssyncset.done $0x0  }
0xa4: {  	s25 =	simm.s32 $0x1B8E;
	s24 =	sld [smem:$0x3FFE];
	[sflag:s23] =	ssyncadd.s32 $0xFFFFFFFF  }
0xa5: {  	s26 =	simm.s32 $execute0_lowered;
	[smem:$0x3FD2] =	sst s25  }
0xa6: {  	s4 =	sshll.u32 s26, $0x1;
	_ =	strace $0x8000004C;
	[dreg:$0x1] =	wrdreg $0xFFFFFFFF  }
0xa7: {  	s28 =	simm.s32 $_size_execute0_lowered;
	s2 =	sadd.s32 s2, s4;
	[dreg:$0x0] =	wrdreg $0x0  }
0xa8: {  	s4 =	sshll.u32 s28, $0x1;
	[dreg:$0x2] =	wrdreg s2  }
0xa9: {  	[dreg:$0x3] =	wrdreg s4  }
0xaa: {  	[dreg:$0x4] =	wrdreg $0xC0  }
0xab: {  	_ =	task [dreg:s6], $0x5FFFF  }
0xac: {  	[dreg:$0x1] =	wrdreg $0xFFFFFFFF  }
0xad: {  	[dreg:$0x0] =	wrdreg $0x60  }
0xae: {  	[dreg:$0x2] =	wrdreg s24  }
0xaf: {  	[dreg:$0x3] =	wrdreg $0x9  }
0xb0: {  	_ =	task.clear_ibuf [dreg:s6], $0x4FFFF;
	_ =	strace $0x9000004C  }
0xb1: {  	s29 =	simm.s32 $0x9;
	_ =	strace $0x8000004E  }
0xb2: {  	_ =	swait.ge [sflag:s29], $0x1  }
0xb3: {  	[sflag:s29] =	ssyncadd.s32 $0xFFFFFFFF  }
0xb4: {  	_ =	strace $0x9000004E  }
0xb5: {  	_ =	sfence  }
0xb6: {  	s30 =	sld [smem:$0x0];
	_ =	sdelay $0x2  }
0xb7: {  	s31 =	sshll.u32 s1, $0xD;
	s1 =	sshrl.u32 s1, $0x2  }
0xb8: {  	s3 =	sand.u32 $0x4000, s31;
	s1 =	sadd.s32 s1, s30  }
0xb9: {  	s0 =	sor.u32 s3, s0;
	s1 =	sshll.u32 s1, $0x11  }
0xba: {  	s0 =	sor.u32 s1, s0  }
0xbb: {  	s0 =	sadd.s32 $0x8F2B, s0  }
0xbc: {  	[sflag:s0] =	ssyncadd.remote.s32 $0x1  }
0xbd: {  	_ =	sfence.sel $0xFFFF  }
0xbe: {  	[dreg:$0x0] =	wrdreg $0xFFFFFFFF;
	(pc) =	sbr.abs _section_cstart, $3  }
0xbf: {  	[dreg:$0x1] =	wrdreg $0xFFFFFFFF  }
0xc0: {  	_ =	task.clear_ibuf [dreg:s6], $0x2FFFF;
	_ =	strace $0x9FFFFFFF  }
0xc1: {  	(tm) =	ssettm $0x7FFFFFFF  }
tec
execute0_lowered:
.L_overlay_start_1:
0x0: {  	(tag) =	ssettag $0x1  }
0x1: {  	s4 =	rddreg [dreg:$0x0]  }
0x2: {  	s0 =	rddreg [dreg:$0x1];
	s1 =	simm.s32 $0x0  }
0x3: {  	s2 =	srdreg.scid;
	s9 =	simm.s32 $0x4800;
	s10 =	simm.s32 $0x0  }
0x4: {  	[smem:$0x7FF] =	sst s1;
	s5 =	sand.u32 $0x1, s2;
	s2 =	stileid.u32  }
0x5: {  	s3 =	sadd.s32 $0x66000, s4;
	s4 =	sadd.s32 $0x1600, s4;
	s6 =	ssub.s32 $0x2, s5  }
0x6: {  	_ =	strace $0x8000004D;
	s8 =	sshll.u32 s2, $0x1;
	s7 =	sshrl.u32 s6, $0x1  }
0x7: {  	s5 =	sor.u32 s5, s8;
	s8 =	simm.s32 $0x2400;
	s6 =	ssub.s32 s6, s7  }
0x8: {  	v0 =	vimm.s32 $0x0;
	s5 =	smul.u32 $0x140, s5;
	s7 =	simm.s32 $0x1;
	s6 =	smax.u32 s6, $0x1  }
.LBB2_1:
0x9: {  	s11 =	simm.s32 $0x0  }
.LBB2_2:
0xa: {  	s12 =	sshll.u32 s11, $0x6  }
0xb: {  	s12 =	sadd.s32 s5, s12  }
0xc: {  	s13 =	smul.u32 $0x90, s12;
	_ =	sdelay $0x1  }
0xd: {  	s13 =	sshrl.u32 s13, $0x3  }
0xe: {  	s13 =	sadd.s32 s3, s13  }
0xf: {  	[tilespmem:s1], [sflag:$0x1] =	stream.linear.gather [hbm4b:s13+s1], $0x2400, $0x38;
	[tilespmem:$0x6800] =	vst v63  }
0x10: {  	_ =	swait.ge [sflag:s7], $0x2400  }
0x11: {  	[sflag:s7] =	ssyncset.done $0x0  }
0x12: {  	s13 =	sadd.s32 $0x2D000, s13;
	[sflag:s7] =	ssyncadd.s32 $0xFFFFDC00  }
0x13: {  	[tilespmem:s8], [sflag:$0x1] =	stream.linear.gather [hbm4b:s13+s1], $0x2400, $0x38;
	[tilespmem:$0x6800] =	vst v63  }
0x14: {  	_ =	swait.ge [sflag:s7], $0x2400  }
0x15: {  	[sflag:s7] =	ssyncset.done $0x0  }
0x16: {  	s24 =	simm.s32 $0x90;
	[sflag:s7] =	ssyncadd.s32 $0xFFFFDC00  }
0x17: {  	s23 =	simm.s32 $0x2490;
	v1 =	vld [tilespmem:s24+$0x80]  }
0x18: {  	v2 =	vld [tilespmem:s23+$0x80];
	_ =	sdelay $0x4  }
0x19: {  	v1 =	vadd.f32 v2, v1;
	_ =	sdelay $0x1  }
0x1a: {  	v1 =	vperm.xlane v1, v0;
	_ =	sdelay $0x1  }
0x1b: {  	v1 =	vmax.f32 v1, $9.999999710e-10  }
0x1c: {  	(erf) = vrcp.f32 v1;
	_ =	sdelay $0x1  }
0x1d: {  	v2 =	vld [tilespmem:s23+$0x0]  }
0x1e: {  	v1 =	vld [tilespmem:s24+$0x0];
	_ =	sdelay $0x4  }
0x1f: {  	v1 =	vadd.f32 v2, v1  }
0x20: {  	v6 =	vpop (erf)  }
0x21: {  	v1 =	vmul.f32 v1, v6  }
0x22: {  	s13 =	simm.s32 $0x4880  }
0x23: {  	[tilespmem:s13+$0x0] =	vst v1  }
0x24: {  	v1 =	vld [tilespmem:s24+$0x10]  }
0x25: {  	v2 =	vld [tilespmem:s23+$0x10];
	_ =	sdelay $0x4  }
0x26: {  	v1 =	vadd.f32 v2, v1  }
0x27: {  	v3 =	vld [tilespmem:s24+$0xFFFFFFF0]  }
0x28: {  	v2 =	vld [tilespmem:s23+$0xFFFFFFF0];
	v1 =	vmul.f32 v1, v6  }
0x29: {  	s14 =	simm.s32 $0x1B0  }
0x2a: {  	v4 =	vld [tilespmem:s14+$0x80];
	[tilespmem:s13+$0x10] =	vst v1  }
0x2b: {  	v1 =	vld [tilespmem:s24+$0x20]  }
0x2c: {  	s15 =	simm.s32 $0x25B0;
	v5 =	vld [tilespmem:s23+$0x20]  }
0x2d: {  	v2 =	vadd.f32 v2, v3;
	v3 =	vld [tilespmem:s15+$0x80];
	_ =	sdelay $0x1  }
0x2e: {  	v2 =	vperm.xlane v2, v0;
	_ =	sdelay $0x1  }
0x2f: {  	v2 =	vmax.f32 v2, $9.999999710e-10;
	v1 =	vadd.f32 v5, v1  }
0x30: {  	(erf) = vrcp.f32 v2;
	v2 =	vadd.f32 v3, v4  }
0x31: {  	v1 =	vmul.f32 v1, v6  }
0x32: {  	v3 =	vld [tilespmem:s24+$0xFFFFFF70];
	v2 =	vperm.xlane v2, v0  }
0x33: {  	v4 =	vld [tilespmem:s23+$0xFFFFFF70];
	[tilespmem:s13+$0x20] =	vst v1  }
0x34: {  	v1 =	vmax.f32 v2, $9.999999710e-10;
	v2 =	vld [tilespmem:s24+$0x30]  }
0x35: {  	(erf) = vrcp.f32 v1;
	v5 =	vld [tilespmem:s23+$0x30]  }
0x36: {  	v7 =	vld [tilespmem:s15+$0xFFFFFFF0]  }
0x37: {  	v8 =	vld [tilespmem:s14+$0x0]  }
0x38: {  	v3 =	vadd.f32 v4, v3;
	v4 =	vld [tilespmem:s15+$0x0]  }
0x39: {  	v9 =	vld [tilespmem:s14+$0xFFFFFFF0];
	v1 =	vpop (erf)  }
0x3a: {  	v3 =	vmul.f32 v3, v1;
	v2 =	vadd.f32 v5, v2;
	_ =	sdelay $0x1  }
0x3b: {  	[tilespmem:s13+$0xFFFFFF80] =	vst v3;
	v2 =	vmul.f32 v2, v6  }
0x3c: {  	v4 =	vadd.f32 v4, v8;
	v3 =	vld [tilespmem:s24+$0xFFFFFF80]  }
0x3d: {  	v7 =	vadd.f32 v7, v9;
	v5 =	vld [tilespmem:s23+$0xFFFFFF80];
	v8 =	vpop (erf);
	[tilespmem:s13+$0x30] =	vst v2  }
0x3e: {  	v2 =	vmul.f32 v4, v8;
	v4 =	vld [tilespmem:s24+$0x40]  }
0x3f: {  	s16 =	simm.s32 $0x4980;
	v7 =	vperm.xlane v7, v0;
	v9 =	vld [tilespmem:s23+$0x40]  }
0x40: {  	[tilespmem:s16+$0x0] =	vst v2  }
0x41: {  	v2 =	vmax.f32 v7, $9.999999710e-10;
	v7 =	vld [tilespmem:s14+$0x10]  }
0x42: {  	v3 =	vadd.f32 v5, v3;
	(erf) = vrcp.f32 v2;
	v2 =	vld [tilespmem:s15+$0x10];
	_ =	sdelay $0x1  }
0x43: {  	v5 =	vld [tilespmem:s14+$0xFFFFFF70];
	v3 =	vmul.f32 v3, v1;
	v4 =	vadd.f32 v9, v4  }
0x44: {  	v9 =	vld [tilespmem:s15+$0xFFFFFF70]  }
0x45: {  	[tilespmem:s13+$0xFFFFFF90] =	vst v3;
	v3 =	vmul.f32 v4, v6  }
0x46: {  	v4 =	vld [tilespmem:s24+$0xFFFFFF90];
	v2 =	vadd.f32 v2, v7  }
0x47: {  	v7 =	vld [tilespmem:s23+$0xFFFFFF90];
	[tilespmem:s13+$0x40] =	vst v3  }
0x48: {  	v3 =	vmul.f32 v2, v8;
	v10 =	vld [tilespmem:s24+$0x50]  }
0x49: {  	s17 =	simm.s32 $0x2D0;
	v5 =	vadd.f32 v9, v5;
	v9 =	vld [tilespmem:s23+$0x50]  }
0x4a: {  	v11 =	vld [tilespmem:s17+$0x80];
	v2 =	vpop (erf);
	[tilespmem:s16+$0x10] =	vst v3  }
0x4b: {  	v3 =	vmul.f32 v5, v2;
	v5 =	vld [tilespmem:s14+$0x20]  }
0x4c: {  	s18 =	simm.s32 $0x26D0;
	v12 =	vld [tilespmem:s15+$0x20]  }
0x4d: {  	v4 =	vadd.f32 v7, v4;
	[tilespmem:s16+$0xFFFFFF80] =	vst v3;
	v3 =	vld [tilespmem:s18+$0x80]  }
0x4e: {  	v9 =	vadd.f32 v9, v10;
	v10 =	vld [tilespmem:s18+$0xFFFFFFF0]  }
0x4f: {  	v4 =	vmul.f32 v4, v1;
	v7 =	vld [tilespmem:s14+$0xFFFFFF80]  }
0x50: {  	v13 =	vld [tilespmem:s15+$0xFFFFFF80]  }
0x51: {  	[tilespmem:s13+$0xFFFFFFA0] =	vst v4;
	v4 =	vld [tilespmem:s17+$0xFFFFFFF0];
	v9 =	vmul.f32 v9, v6;
	v5 =	vadd.f32 v12, v5  }
0x52: {  	v12 =	vld [tilespmem:s24+$0xFFFFFFA0];
	v3 =	vadd.f32 v3, v11  }
0x53: {  	[tilespmem:s13+$0x50] =	vst v9;
	v11 =	vld [tilespmem:s23+$0xFFFFFFA0];
	v5 =	vmul.f32 v5, v8  }
0x54: {  	v9 =	vld [tilespmem:s24+$0x60];
	v3 =	vperm.xlane v3, v0  }
0x55: {  	v14 =	vld [tilespmem:s23+$0x60];
	[tilespmem:s16+$0x20] =	vst v5  }
0x56: {  	v5 =	vadd.f32 v13, v7;
	v4 =	vadd.f32 v10, v4;
	v7 =	vld [tilespmem:s14+$0x30];
	v3 =	vmax.f32 v3, $9.999999710e-10  }
0x57: {  	(erf) = vrcp.f32 v3;
	v3 =	vld [tilespmem:s15+$0x30]  }
0x58: {  	v5 =	vmul.f32 v5, v2;
	v4 =	vperm.xlane v4, v0  }
0x59: {  	v11 =	vadd.f32 v11, v12;
	v12 =	vld [tilespmem:s17+$0x0]  }
0x5a: {  	s20 =	simm.s32 $0x3F0;
	[tilespmem:s16+$0xFFFFFF90] =	vst v5;
	v4 =	vmax.f32 v4, $9.999999710e-10;
	v5 =	vld [tilespmem:s18+$0x0]  }
0x5b: {  	v18 =	vld [tilespmem:s20+$0x80];
	(erf) = vrcp.f32 v4;
	v4 =	vadd.f32 v14, v9  }
0x5c: {  	v11 =	vmul.f32 v11, v1;
	v13 =	vld [tilespmem:s14+$0xFFFFFF90];
	v3 =	vadd.f32 v3, v7  }
0x5d: {  	v9 =	vld [tilespmem:s15+$0xFFFFFF90];
	v4 =	vmul.f32 v4, v6  }
0x5e: {  	v10 =	vld [tilespmem:s17+$0xFFFFFF70];
	[tilespmem:s13+$0xFFFFFFB0] =	vst v11  }
0x5f: {  	v7 =	vld [tilespmem:s18+$0xFFFFFF70];
	[tilespmem:s13+$0x60] =	vst v4;
	v4 =	vadd.f32 v5, v12;
	v14 =	vmul.f32 v3, v8  }
0x60: {  	v11 =	vld [tilespmem:s24+$0xFFFFFFB0];
	v3 =	vpop (erf)  }
0x61: {  	v15 =	vld [tilespmem:s23+$0xFFFFFFB0];
	[tilespmem:s16+$0x30] =	vst v14;
	v4 =	vmul.f32 v4, v3  }
0x62: {  	v5 =	vadd.f32 v9, v13;
	v9 =	vld [tilespmem:s14+$0x40]  }
0x63: {  	s19 =	simm.s32 $0x4A80;
	s21 =	simm.s32 $0x27F0;
	v13 =	vld [tilespmem:s15+$0x40]  }
0x64: {  	v20 =	vld [tilespmem:s21+$0xFFFFFFF0];
	v5 =	vmul.f32 v5, v2;
	v7 =	vadd.f32 v7, v10;
	[tilespmem:s19+$0x0] =	vst v4  }
0x65: {  	v14 =	vld [tilespmem:s17+$0x10];
	v4 =	vpop (erf)  }
0x66: {  	[tilespmem:s16+$0xFFFFFFA0] =	vst v5;
	v5 =	vadd.f32 v15, v11;
	v11 =	vld [tilespmem:s18+$0x10];
	v7 =	vmul.f32 v7, v4  }
0x67: {  	v47 =	vld [tilespmem:s20+$0xFFFFFFF0]  }
0x68: {  	v21 =	vld [tilespmem:s20+$0xFFFFFF70];
	v5 =	vmul.f32 v5, v1;
	[tilespmem:s19+$0xFFFFFF80] =	vst v7;
	v7 =	vadd.f32 v13, v9  }
0x69: {  	v9 =	vld [tilespmem:s17+$0xFFFFFF80]  }
0x6a: {  	[tilespmem:s13+$0xFFFFFFC0] =	vst v5;
	v5 =	vld [tilespmem:s18+$0xFFFFFF80];
	v7 =	vmul.f32 v7, v8  }
0x6b: {  	v22 =	vld [tilespmem:s21+$0xFFFFFF70];
	v11 =	vadd.f32 v11, v14  }
0x6c: {  	v12 =	vld [tilespmem:s24+$0x70];
	[tilespmem:s16+$0x40] =	vst v7  }
0x6d: {  	v7 =	vmul.f32 v11, v3;
	v11 =	vld [tilespmem:s14+$0x50]  }
0x6e: {  	v17 =	vld [tilespmem:s15+$0x50]  }
0x6f: {  	[tilespmem:s19+$0x10] =	vst v7;
	v5 =	vadd.f32 v5, v9;
	v9 =	vld [tilespmem:s21+$0x80]  }
0x70: {  	v7 =	vld [tilespmem:s17+$0x20]  }
0x71: {  	v19 =	vld [tilespmem:s18+$0x20]  }
0x72: {  	v15 =	vld [tilespmem:s14+$0xFFFFFFA0];
	v5 =	vmul.f32 v5, v4  }
0x73: {  	v16 =	vld [tilespmem:s15+$0xFFFFFFA0]  }
0x74: {  	v13 =	vld [tilespmem:s24+$0xFFFFFFC0];
	v11 =	vadd.f32 v17, v11;
	[tilespmem:s19+$0xFFFFFF90] =	vst v5  }
0x75: {  	v50 =	vld [tilespmem:s18+$0xFFFFFF90]  }
0x76: {  	v11 =	vmul.f32 v11, v8;
	v5 =	vadd.f32 v19, v7;
	v7 =	vadd.f32 v9, v18;
	v9 =	vld [tilespmem:s17+$0xFFFFFF90]  }
0x77: {  	v14 =	vld [tilespmem:s23+$0xFFFFFFC0]  }
0x78: {  	v10 =	vld [tilespmem:s23+$0x70];
	[tilespmem:s16+$0x50] =	vst v11;
	v11 =	vadd.f32 v16, v15;
	v5 =	vmul.f32 v5, v3  }
0x79: {  	v48 =	vadd.f32 v20, v47;
	v7 =	vperm.xlane v7, v0;
	v15 =	vld [tilespmem:s14+$0x60]  }
0x7a: {  	v49 =	vld [tilespmem:s15+$0x60];
	v11 =	vmul.f32 v11, v2;
	[tilespmem:s19+$0x20] =	vst v5  }
0x7b: {  	v5 =	vperm.xlane v48, v0;
	v7 =	vmax.f32 v7, $9.999999710e-10;
	v51 =	vld [tilespmem:s17+$0x30];
	v9 =	vadd.f32 v50, v9  }
0x7c: {  	(erf) = vrcp.f32 v7;
	v7 =	vld [tilespmem:s18+$0x30];
	[tilespmem:s16+$0xFFFFFFB0] =	vst v11;
	v11 =	vadd.f32 v14, v13  }
0x7d: {  	v5 =	vmax.f32 v5, $9.999999710e-10;
	v14 =	vld [tilespmem:s20+$0x0];
	v9 =	vmul.f32 v9, v4  }
0x7e: {  	v13 =	vld [tilespmem:s14+$0xFFFFFFB0];
	(erf) = vrcp.f32 v5;
	v11 =	vmul.f32 v11, v1  }
0x7f: {  	v5 =	vadd.f32 v49, v15;
	v15 =	vld [tilespmem:s21+$0x0];
	[tilespmem:s19+$0xFFFFFFA0] =	vst v9  }
0x80: {  	[tilespmem:s13+$0xFFFFFFD0] =	vst v11;
	v11 =	vld [tilespmem:s15+$0xFFFFFFB0]  }
0x81: {  	v5 =	vmul.f32 v5, v8;
	v7 =	vadd.f32 v7, v51;
	v58 =	vld [tilespmem:s18+$0xFFFFFFA0]  }
0x82: {  	v52 =	vld [tilespmem:s24+$0xFFFFFFD0]  }
0x83: {  	v53 =	vld [tilespmem:s23+$0xFFFFFFD0];
	[tilespmem:s16+$0x60] =	vst v5;
	v7 =	vmul.f32 v7, v3  }
0x84: {  	v54 =	vld [tilespmem:s14+$0x70];
	v9 =	vadd.f32 v15, v14  }
0x85: {  	v14 =	vld [tilespmem:s15+$0x70];
	v5 =	vpop (erf);
	[tilespmem:s19+$0x30] =	vst v7  }
0x86: {  	v55 =	vadd.f32 v22, v21;
	v9 =	vmul.f32 v9, v5;
	v56 =	vld [tilespmem:s17+$0x40]  }
0x87: {  	s22 =	simm.s32 $0x4B80;
	v57 =	vld [tilespmem:s18+$0x40];
	v7 =	vpop (erf)  }
0x88: {  	v15 =	vld [tilespmem:s17+$0xFFFFFFA0];
	v11 =	vadd.f32 v11, v13;
	v13 =	vmul.f32 v55, v7;
	[tilespmem:s22+$0x0] =	vst v9  }
0x89: {  	v59 =	vld [tilespmem:s20+$0x10]  }
0x8a: {  	v9 =	vadd.f32 v53, v52;
	v11 =	vmul.f32 v11, v2;
	[tilespmem:s22+$0xFFFFFF80] =	vst v13;
	v13 =	vld [tilespmem:s21+$0x10]  }
0x8b: {  	v10 =	vadd.f32 v10, v12;
	v12 =	vld [tilespmem:s20+$0xFFFFFF80]  }
0x8c: {  	[tilespmem:s16+$0xFFFFFFC0] =	vst v11;
	v11 =	vmul.f32 v9, v1;
	v60 =	vadd.f32 v57, v56;
	v61 =	vld [tilespmem:s21+$0xFFFFFF80]  }
0x8d: {  	v6 =	vmul.f32 v10, v6;
	v14 =	vadd.f32 v14, v54;
	v9 =	vld [tilespmem:s14+$0xFFFFFFC0]  }
0x8e: {  	v10 =	vld [tilespmem:s15+$0xFFFFFFC0];
	[tilespmem:s13+$0xFFFFFFE0] =	vst v11;
	v11 =	vadd.f32 v58, v15;
	v15 =	vmul.f32 v60, v3  }
0x8f: {  	[tilespmem:s13+$0x70] =	vst v6;
	v14 =	vmul.f32 v14, v8;
	v6 =	vld [tilespmem:s24+$0xFFFFFFE0];
	v62 =	vadd.f32 v13, v59  }
0x90: {  	v8 =	vld [tilespmem:s23+$0xFFFFFFE0];
	v63 =	vmul.f32 v11, v4;
	[tilespmem:s19+$0x40] =	vst v15  }
0x91: {  	[tilespmem:s16+$0x70] =	vst v14;
	v11 =	vld [tilespmem:s17+$0x50];
	v13 =	vadd.f32 v61, v12;
	v14 =	vmul.f32 v62, v5  }
0x92: {  	s25 =	simm.s32 $0x27F0;
	s23 =	simm.s32 $0x6;
	s24 =	simm.s32 $0x510;
	[tilespmem:s19+$0xFFFFFFB0] =	vst v63;
	v12 =	vld [tilespmem:s18+$0x50]  }
.LBB2_3:
0x93: {  	v15 =	vld [tilespmem:s24+$0x80];
	v13 =	vmul.f32 v13, v7;
	[tilespmem:s22+$0x10] =	vst v14;
	v9 =	vadd.f32 v10, v9  }
0x94: {  	v10 =	vld [tilespmem:s20+$0x20]  }
0x95: {  	s25 =	sadd.s32 $0x120, s25;
	[tilespmem:s22+$0xFFFFFF90] =	vst v13;
	v13 =	vld [tilespmem:s21+$0x20];
	v9 =	vmul.f32 v9, v2;
	v6 =	vadd.f32 v8, v6  }
0x96: {  	v8 =	vld [tilespmem:s25+$0x80]  }
0x97: {  	v14 =	vld [tilespmem:s25+$0xFFFFFFF0];
	v11 =	vadd.f32 v12, v11;
	[tilespmem:s16+$0xFFFFFFD0] =	vst v9;
	v6 =	vmul.f32 v6, v1;
	v1 =	vmovc v2;
	v2 =	vmov v4  }
0x98: {  	v4 =	vmov v7;
	v9 =	vld [tilespmem:s24+$0xFFFFFFF0]  }
0x99: {  	v7 =	vld [tilespmem:s24+$0xFFFFFF70];
	v11 =	vmul.f32 v11, v3;
	[tilespmem:s13+$0xFFFFFFF0] =	vst v6;
	s13 =	smov.u32 s16;
	s16 =	smov.u32 s19;
	s19 =	smov.u32 s22  }
0x9a: {  	v6 =	vld [tilespmem:s25+$0xFFFFFF70];
	v10 =	vadd.f32 v13, v10  }
0x9b: {  	v8 =	vadd.f32 v8, v15;
	v12 =	vld [tilespmem:s20+$0xFFFFFF90];
	[tilespmem:s16+$0x50] =	vst v11  }
0x9c: {  	v10 =	vmul.f32 v10, v5;
	v11 =	vld [tilespmem:s17+$0x60]  }
0x9d: {  	s23 =	sadd.s32 $0x2, s23;
	v9 =	vadd.f32 v14, v9;
	v8 =	vperm.xlane v8, v0;
	v13 =	vld [tilespmem:s18+$0x60]  }
0x9e: {  	p0 =	slt.u32 s23, $0x3E;
	v14 =	vld [tilespmem:s21+$0xFFFFFF90];
	[tilespmem:s22+$0x20] =	vst v10  }
0x9f: {  	v9 =	vperm.xlane v9, v0;
	v6 =	vadd.f32 v6, v7;
	v7 =	vmax.f32 v8, $9.999999710e-10;
	v8 =	vld [tilespmem:s20+$0x30]  }
0xa0: {  	(erf) = vrcp.f32 v7;
	v7 =	vld [tilespmem:s21+$0x30]  }
0xa1: {  	v9 =	vmax.f32 v9, $9.999999710e-10;
	v10 =	vld [tilespmem:s17+$0xFFFFFFB0]  }
0xa2: {  	v15 =	vld [tilespmem:s24+$0x0];
	(erf) = vrcp.f32 v9;
	v9 =	vadd.f32 v13, v11  }
0xa3: {  	v11 =	vld [tilespmem:s25+$0x0];
	v12 =	vadd.f32 v14, v12  }
0xa4: {  	v13 =	vld [tilespmem:s18+$0xFFFFFFB0];
	v9 =	vmul.f32 v9, v3  }
0xa5: {  	v12 =	vmul.f32 v12, v4;
	v7 =	vadd.f32 v7, v8;
	v8 =	vld [tilespmem:s14+$0xFFFFFFD0]  }
0xa6: {  	[tilespmem:s16+$0x60] =	vst v9;
	v9 =	vld [tilespmem:s15+$0xFFFFFFD0]  }
0xa7: {  	[tilespmem:s22+$0xFFFFFFA0] =	vst v12;
	v7 =	vmul.f32 v7, v5;
	v12 =	vld [tilespmem:s17+$0x70]  }
0xa8: {  	v11 =	vadd.f32 v11, v15;
	v14 =	vld [tilespmem:s18+$0x70]  }
0xa9: {  	v15 =	vpop (erf);
	v16 =	vld [tilespmem:s20+$0xFFFFFFA0];
	[tilespmem:s22+$0x30] =	vst v7;
	v10 =	vadd.f32 v13, v10  }
0xaa: {  	v11 =	vmul.f32 v11, v15;
	v13 =	vld [tilespmem:s20+$0x40]  }
0xab: {  	s22 =	sadd.s32 $0x100, s22;
	v7 =	vpop (erf);
	v17 =	vld [tilespmem:s21+$0x40];
	v10 =	vmul.f32 v10, v2;
	v8 =	vadd.f32 v9, v8  }
0xac: {  	v6 =	vmul.f32 v6, v7;
	[tilespmem:s22+$0x0] =	vst v11;
	v9 =	vld [tilespmem:s21+$0xFFFFFFA0]  }
0xad: {  	v11 =	vld [tilespmem:s24+$0x10];
	[tilespmem:s16+$0xFFFFFFC0] =	vst v10;
	v10 =	vadd.f32 v14, v12;
	v8 =	vmul.f32 v8, v1  }
0xae: {  	[tilespmem:s22+$0xFFFFFF80] =	vst v6;
	v6 =	vld [tilespmem:s25+$0x10]  }
0xaf: {  	v12 =	vld [tilespmem:s24+$0xFFFFFF80];
	v10 =	vmul.f32 v10, v3;
	[tilespmem:s13+$0xFFFFFFE0] =	vst v8;
	v3 =	vmov v5;
	v5 =	vmov v15  }
0xb0: {  	v14 =	vld [tilespmem:s25+$0xFFFFFF80];
	v8 =	vadd.f32 v17, v13  }
0xb1: {  	v13 =	vadd.f32 v9, v16;
	v9 =	vld [tilespmem:s17+$0xFFFFFFC0];
	[tilespmem:s16+$0x70] =	vst v10  }
.Ltmp0:
0xb2: {  	v8 =	vmul.f32 v8, v3;
	v10 =	vld [tilespmem:s18+$0xFFFFFFC0];
	(pc) =	sbr.rel @p0 .LBB2_3-.Ltmp0, $4  }
0xb3: {  	v11 =	vadd.f32 v6, v11;
	v15 =	vmul.f32 v13, v4;
	v6 =	vld [tilespmem:s14+$0xFFFFFFE0];
	s14 =	smov.u32 s17;
	s17 =	smov.u32 s20;
	s20 =	smov.u32 s24  }
0xb4: {  	[tilespmem:s19+$0x40] =	vst v8;
	v8 =	vld [tilespmem:s15+$0xFFFFFFE0];
	s15 =	smov.u32 s18;
	s18 =	smov.u32 s21;
	s21 =	smov.u32 s25  }
0xb5: {  	v13 =	vadd.f32 v14, v12;
	v14 =	vmul.f32 v11, v5;
	[tilespmem:s19+$0xFFFFFFB0] =	vst v15;
	v11 =	vld [tilespmem:s17+$0x50]  }
0xb6: {  	s24 =	sadd.s32 $0x120, s24;
	v12 =	vld [tilespmem:s18+$0x50]  }
0xb7: {  	[tilespmem:s22+$0x10] =	vst v14;
	v13 =	vmul.f32 v13, v7  }
0xb8: {  	v14 =	vld [tilespmem:s20+$0x20]  }
0xb9: {  	v15 =	vld [tilespmem:s21+$0x20];
	[tilespmem:s22+$0xFFFFFF90] =	vst v13  }
0xba: {  	v13 =	vld [tilespmem:s20+$0xFFFFFF90]  }
0xbb: {  	v16 =	vld [tilespmem:s21+$0xFFFFFF90];
	_ =	sdelay $0x2  }
0xbc: {  	v14 =	vadd.f32 v15, v14;
	_ =	sdelay $0x1  }
0xbd: {  	v14 =	vmul.f32 v14, v5;
	v13 =	vadd.f32 v16, v13;
	_ =	sdelay $0x1  }
0xbe: {  	[tilespmem:s22+$0x20] =	vst v14;
	v13 =	vmul.f32 v13, v7  }
0xbf: {  	v14 =	vld [tilespmem:s20+$0x30]  }
0xc0: {  	v22 =	vld [tilespmem:s21+$0x30];
	[tilespmem:s22+$0xFFFFFFA0] =	vst v13  }
0xc1: {  	v13 =	vld [tilespmem:s20+$0xFFFFFFA0]  }
0xc2: {  	v23 =	vld [tilespmem:s21+$0xFFFFFFA0];
	_ =	sdelay $0x2  }
0xc3: {  	v14 =	vadd.f32 v22, v14;
	_ =	sdelay $0x1  }
0xc4: {  	v14 =	vmul.f32 v14, v5;
	v13 =	vadd.f32 v23, v13  }
0xc5: {  	v25 =	vld [tilespmem:s17+$0xFFFFFFB0]  }
0xc6: {  	v17 =	vld [tilespmem:s18+$0xFFFFFFB0];
	[tilespmem:s22+$0x30] =	vst v14;
	v13 =	vmul.f32 v13, v7  }
0xc7: {  	v14 =	vld [tilespmem:s20+$0x40]  }
0xc8: {  	v24 =	vld [tilespmem:s21+$0x40];
	[tilespmem:s22+$0xFFFFFFB0] =	vst v13  }
0xc9: {  	v13 =	vld [tilespmem:s20+$0xFFFFFFB0]  }
0xca: {  	v18 =	vld [tilespmem:s21+$0xFFFFFFB0]  }
0xcb: {  	v26 =	vadd.f32 v17, v25;
	_ =	sdelay $0x1  }
0xcc: {  	v15 =	vmul.f32 v26, v4;
	v14 =	vadd.f32 v24, v14;
	_ =	sdelay $0x1  }
0xcd: {  	[tilespmem:s19+$0xFFFFFFC0] =	vst v15;
	v14 =	vmul.f32 v14, v5;
	v13 =	vadd.f32 v18, v13  }
0xce: {  	v28 =	vld [tilespmem:s17+$0xFFFFFFC0]  }
0xcf: {  	v29 =	vld [tilespmem:s18+$0xFFFFFFC0];
	[tilespmem:s22+$0x40] =	vst v14;
	v13 =	vmul.f32 v13, v7  }
0xd0: {  	v9 =	vadd.f32 v10, v9;
	v14 =	vld [tilespmem:s20+$0x50]  }
0xd1: {  	v27 =	vld [tilespmem:s21+$0x50];
	[tilespmem:s22+$0xFFFFFFC0] =	vst v13  }
0xd2: {  	v9 =	vmul.f32 v9, v2;
	v11 =	vadd.f32 v12, v11;
	v31 =	vld [tilespmem:s20+$0xFFFFFFC0]  }
0xd3: {  	v13 =	vld [tilespmem:s21+$0xFFFFFFC0]  }
0xd4: {  	[tilespmem:s16+$0xFFFFFFD0] =	vst v9;
	v30 =	vmul.f32 v11, v3;
	v12 =	vadd.f32 v29, v28  }
0xd5: {  	v35 =	vld [tilespmem:s14+$0xFFFFFFD0]  }
0xd6: {  	v36 =	vld [tilespmem:s15+$0xFFFFFFD0];
	[tilespmem:s19+$0x50] =	vst v30;
	v12 =	vmul.f32 v12, v4;
	v32 =	vadd.f32 v27, v14  }
0xd7: {  	v33 =	vld [tilespmem:s17+$0x60]  }
0xd8: {  	v34 =	vld [tilespmem:s18+$0x60];
	[tilespmem:s19+$0xFFFFFFD0] =	vst v12;
	v10 =	vmul.f32 v32, v5;
	v37 =	vadd.f32 v13, v31  }
0xd9: {  	v40 =	vld [tilespmem:s17+$0xFFFFFFD0]  }
0xda: {  	v41 =	vld [tilespmem:s18+$0xFFFFFFD0];
	[tilespmem:s22+$0x50] =	vst v10;
	v10 =	vmul.f32 v37, v7  }
0xdb: {  	v42 =	vadd.f32 v36, v35;
	v38 =	vld [tilespmem:s20+$0x60]  }
0xdc: {  	v39 =	vld [tilespmem:s21+$0x60];
	[tilespmem:s22+$0xFFFFFFD0] =	vst v10  }
0xdd: {  	v45 =	vmul.f32 v42, v2;
	v9 =	vadd.f32 v34, v33;
	v43 =	vld [tilespmem:s20+$0xFFFFFFD0]  }
0xde: {  	v44 =	vld [tilespmem:s21+$0xFFFFFFD0]  }
0xdf: {  	[tilespmem:s16+$0xFFFFFFE0] =	vst v45;
	v9 =	vmul.f32 v9, v3;
	v50 =	vadd.f32 v41, v40  }
0xe0: {  	v51 =	vld [tilespmem:s14+$0xFFFFFFE0]  }
0xe1: {  	v52 =	vld [tilespmem:s15+$0xFFFFFFE0];
	[tilespmem:s19+$0x60] =	vst v9;
	v53 =	vmul.f32 v50, v4;
	v46 =	vadd.f32 v39, v38  }
0xe2: {  	v47 =	vld [tilespmem:s17+$0x70]  }
0xe3: {  	v48 =	vld [tilespmem:s18+$0x70];
	[tilespmem:s19+$0xFFFFFFE0] =	vst v53;
	v49 =	vmul.f32 v46, v5;
	v54 =	vadd.f32 v44, v43  }
0xe4: {  	v58 =	vld [tilespmem:s17+$0xFFFFFFE0]  }
0xe5: {  	v59 =	vld [tilespmem:s18+$0xFFFFFFE0];
	[tilespmem:s22+$0x60] =	vst v49;
	v57 =	vmul.f32 v54, v7  }
0xe6: {  	v55 =	vld [tilespmem:s20+$0x70]  }
0xe7: {  	v56 =	vld [tilespmem:s21+$0x70];
	[tilespmem:s22+$0xFFFFFFE0] =	vst v57  }
0xe8: {  	v6 =	vadd.f32 v8, v6;
	v9 =	vld [tilespmem:s20+$0xFFFFFFE0]  }
0xe9: {  	v60 =	vld [tilespmem:s21+$0xFFFFFFE0]  }
0xea: {  	v1 =	vmul.f32 v6, v1;
	v61 =	vadd.f32 v52, v51  }
0xeb: {  	v11 =	vadd.f32 v48, v47  }
0xec: {  	[tilespmem:s13+$0xFFFFFFF0] =	vst v1;
	v1 =	vmul.f32 v61, v2;
	v2 =	vadd.f32 v59, v58  }
0xed: {  	v3 =	vmul.f32 v11, v3;
	v62 =	vadd.f32 v56, v55  }
0xee: {  	[tilespmem:s16+$0xFFFFFFF0] =	vst v1;
	v1 =	vmul.f32 v2, v4;
	v63 =	vadd.f32 v60, v9  }
0xef: {  	[tilespmem:s19+$0x70] =	vst v3;
	v3 =	vmul.f32 v62, v5  }
0xf0: {  	s11 =	sadd.s32 $0x1, s11;
	[tilespmem:s19+$0xFFFFFFF0] =	vst v1;
	v2 =	vmul.f32 v63, v7  }
0xf1: {  	s12 =	sshll.u32 s12, $0x4;
	p0 =	sne.s32 s11, $0x5;
	[tilespmem:s22+$0x70] =	vst v3  }
.Ltmp1:
0xf2: {  	s12 =	sadd.s32 s4, s12;
	[tilespmem:s22+$0xFFFFFFF0] =	vst v2;
	(pc) =	sbr.rel @p0 .LBB2_2-.Ltmp1, $4  }
0xf3: {  	[hbm4b:s12+s1] =	stream.linear.scatter [tilespmem:s9], [sflag:$0x1], $0x2000, $0x38;
	[tilespmem:$0x6800] =	vst v63  }
0xf4: {  	_ =	swait.ge [sflag:s7], $0x2000  }
0xf5: {  	[sflag:s7] =	ssyncset.done $0x0  }
0xf6: {  	[sflag:s7] =	ssyncadd.s32 $0xFFFFE000  }
0xf7: {  	s10 =	sadd.s32 $0x1, s10  }
0xf8: {  	p0 =	sne.s32 s10, s6  }
.Ltmp2:
0xf9: {  	_ = 	snop;
	(pc) =	sbr.rel @p0 .LBB2_1-.Ltmp2, $1  }
0xfa: {  	_ =	sdelay $0x3  }
0xfb: {  	_ =	sfence.sel $0x180000  }
0xfc: {  	[bflag:$0x0] =	sbarrier.arrive $0xFFFF  }
0xfd: {  	p0 =	sne.s32 s2, $0x0;
	_ =	strace $0x9000004D  }
0xfe: {  	s0 =	sadd.s32 @!p0 $0x100000, s0;
	[bflag:$0x2] =	sbarrier.arrive $0xFFFF  }
0xff: {  	[sflag:s0] =	ssyncadd.tile.s32 @!p0 $0x1;
	_ =	shalt  }
.Lfunc_end2:
_tile_overlayer_lowered:
.L_overlay_start_2:
0x100: {  	(tag) =	ssettag $0x2  }
0x101: {  	s0 =	rddreg [dreg:$0x0];
	s2 =	stileid.u32  }
0x102: {  	s1 =	rddreg [dreg:$0x1];
	p0 =	sne.s32 s2, $0x0  }
0x103: {  	s3 =	rddreg [dreg:$0x2];
	[bflag:$0x3] =	sbarrier.arrive $0xFFFF;
	s2 =	simm.s32 @!p0 $0x1C01  }
0x104: {  	[timem:s3], [sflag:s2] =	dma.local @!p0 [hbm:s0], s1  }
0x105: {  	s0 =	simm.s32 @!p0 $0x1  }
0x106: {  	_ =	swait.ge @!p0 [sflag:s0], s1  }
0x107: {  	s1 =	ssub.s32 @!p0 $0x0, s1;
	[sflag:s0] =	ssyncset.done @!p0 $0x0  }
0x108: {  	[sflag:s0] =	ssyncadd.s32 @!p0 s1  }
0x109: {  	[bflag:$0x3] =	sbarrier.arrive $0xFFFF  }
0x10a: {  	_ =	shalt  }

// kernel: _run.6.cloned.1.call-start
scs
__scs_entry_jumppad:
0x0: {  	(pc) =	sbr.rel $0x88, $3  }
0x1: {  	(tag) =	ssettag $0x0;
	lr =	simm.s32 $0x1  }
0x2: {  	[smem:$0x3F9A] =	sst lr;
	_ =	strace $0xD0000000  }
0x3: {  	_ = 	snop  }
0x4: {  	_ = 	snop  }
0x5: {  	_ = 	snop  }
0x6: {  	_ = 	snop  }
0x7: {  	_ = 	snop  }
__scs_overlays_trampoline_lowered:
0x8: {  	[smem:$0x3FA9] =	sst s0  }
0x9: {  	[smem:$0x3FAA] =	sst s1  }
0xa: {  	[smem:$0x3FAB] =	sst s2  }
0xb: {  	[smem:$0x3FAC] =	sst s3  }
0xc: {  	[smem:$0x3FAD] =	sst s4  }
0xd: {  	[smem:$0x3FAE] =	sst s5  }
0xe: {  	[smem:$0x3FAF] =	sst s6  }
0xf: {  	[smem:$0x3FB0] =	sst s7  }
0x10: {  	[smem:$0x3FB1] =	sst s8  }
0x11: {  	[smem:$0x3FB2] =	sst s9;
	s0 =	simm.s32 @!p0 $0x0  }
0x12: {  	s1 =	sld [smem:$0x3F98];
	s0 =	simm.s32 @p0 $0x1  }
0x13: {  	[smem:$0x3FB3] =	sst s0;
	s0 =	simm.s32 @!p1 $0x0  }
0x14: {  	s2 =	sld [smem:$0x3F97];
	s0 =	simm.s32 @p1 $0x1  }
0x15: {  	[smem:$0x3FB4] =	sst s0;
	s0 =	simm.s32 @!p2 $0x0  }
0x16: {  	s3 =	sld [smem:$0x3FDB];
	s0 =	simm.s32 @p2 $0x1  }
0x17: {  	s4 =	simm.s32 $0x1BF5;
	[smem:$0x3FB6] =	sst s0  }
0x18: {  	s0 =	sld [smem:$0x3F99];
	_ =	swait.ge [sflag:s4], $0x0  }
0x19: {  	s7 =	sld [smem:$0x3F9A]  }
0x1a: {  	s8 =	sadd.s32 $0xFFFFE003, lr  }
0x1b: {  	s9 =	sadd.s32 $0xFFFFFEF7, lr;
	s5 =	simm.s32 $0xFFFFFFFF;
	p2 =	slt.u32 s8, $0xFFFFF086  }
0x1c: {  	p1 =	slt.u32 s9, $0xF7A;
	s5 =	simm.s32 @!p2 $0x0  }
0x1d: {  	s5 =	simm.s32 @p1 $0x1;
	p0 =	seq.s32 s7, s2  }
0x1e: {  	s7 =	smul.u32 @!p0 $0xF7A, s2;
	p2 =	seq.s32 @!p0 s5, $0x0  }
0x1f: {  	s9 =	smul.u32 $0xF7A, s1;
	s8 =	simm.s32 @!p0 $0x1BF5;
	p2 =	por !p2, p0  }
0x20: {  	[sflag:s8] =	ssyncset.s32 @!p0 $0xFFFFF086;
	s6 =	sadd.s32 @!p0 s3, s7;
	s7 =	simm.s32 @!p0 $0x108  }
0x21: {  	s3 =	sadd.s32 s3, s9;
	s6 =	sadd.s32 @!p0 $0x88, s6;
	s7 =	simm.s32 @p2 $0x1082  }
0x22: {  	[simem:s7], [sflag:s8] =	dma.local @!p0 [hbm:s6], $0xF7A  }
0x23: {  	s9 =	sor.u32 $0xD0000000, s2;
	s6 =	simm.s32 $0x108;
	_ =	swait.ge @!p0 [sflag:s8], $0x0  }
0x24: {  	s3 =	sadd.s32 $0x88, s3;
	s6 =	simm.s32 @!p1 $0x1082;
	[sflag:s4] =	ssyncset.s32 $0xFFFFF086  }
0x25: {  	[simem:s6], [sflag:s4] =	dma.local [hbm:s3], $0xF7A  }
0x26: {  	[smem:$0x3F9A] =	sst s1;
	(tag) =	ssettag s2;
	_ =	strace s9  }
0x27: {  	s1 =	sld [smem:$0x3FAA]  }
0x28: {  	s2 =	sld [smem:$0x3FAB]  }
0x29: {  	s4 =	sld [smem:$0x3FAD]  }
0x2a: {  	p0 =	seq.s32 s5, $0x0;
	s5 =	sld [smem:$0x3FAE]  }
0x2b: {  	s6 =	sld [smem:$0x3FAF]  }
0x2c: {  	s7 =	sld [smem:$0x3FB0]  }
0x2d: {  	s3 =	simm.s32 $0x108;
	s8 =	sld [smem:$0x3FB1]  }
0x2e: {  	s3 =	simm.s32 @!p0 $0x1082;
	s9 =	sld [smem:$0x3FB2]  }
0x2f: {  	lr =	sadd.s32 s0, s3;
	s0 =	sld [smem:$0x3FA9]  }
0x30: {  	s3 =	sld [smem:$0x3FAC]  }
0x31: {  	[smem:$0x3FB5] =	sst s10  }
0x32: {  	s10 =	sld [smem:$0x3FB3];
	_ =	sdelay $0x3  }
0x33: {  	p0 =	seq.s32 s10, $0x1;
	s10 =	sld [smem:$0x3FB5];
	_ =	sdelay $0x3  }
0x34: {  	[smem:$0x3FB5] =	sst s10  }
0x35: {  	s10 =	sld [smem:$0x3FB4];
	_ =	sdelay $0x3  }
0x36: {  	p1 =	seq.s32 s10, $0x1;
	s10 =	sld [smem:$0x3FB5];
	_ =	sdelay $0x3  }
0x37: {  	[smem:$0x3FB5] =	sst s10  }
0x38: {  	s10 =	sld [smem:$0x3FB6]  }
0x39: {  	_ = 	snop;
	(pc) =	sbr.ind lr, $3  }
0x3a: {  	_ = 	snop  }
0x3b: {  	_ = 	snop  }
0x3c: {  	p2 =	seq.s32 s10, $0x1;
	s10 =	sld [smem:$0x3FB5]  }
0x3d: {  	_ =	shalt  }
0x3e: {  	_ =	shalt  }
0x3f: {  	_ =	shalt  }
0x40: {  	_ =	shalt  }
0x41: {  	_ =	shalt  }
0x42: {  	_ =	shalt  }
0x43: {  	_ =	shalt  }
0x44: {  	_ =	shalt  }
0x45: {  	_ =	shalt  }
0x46: {  	_ =	shalt  }
0x47: {  	_ =	shalt  }
0x48: {  	_ =	shalt  }
0x49: {  	_ =	shalt  }
0x4a: {  	_ =	shalt  }
0x4b: {  	_ =	shalt  }
0x4c: {  	_ =	shalt  }
0x4d: {  	_ =	shalt  }
0x4e: {  	_ =	shalt  }
0x4f: {  	_ =	shalt  }
0x50: {  	_ =	shalt  }
0x51: {  	_ =	shalt  }
0x52: {  	_ =	shalt  }
0x53: {  	_ =	shalt  }
0x54: {  	_ =	shalt  }
0x55: {  	_ =	shalt  }
0x56: {  	_ =	shalt  }
0x57: {  	_ =	shalt  }
0x58: {  	_ =	shalt  }
0x59: {  	_ =	shalt  }
0x5a: {  	_ =	shalt  }
0x5b: {  	_ =	shalt  }
0x5c: {  	_ =	shalt  }
0x5d: {  	_ =	shalt  }
0x5e: {  	_ =	shalt  }
0x5f: {  	_ =	shalt  }
0x60: {  	_ =	shalt  }
0x61: {  	_ =	shalt  }
0x62: {  	_ =	shalt  }
0x63: {  	_ =	shalt  }
0x64: {  	_ =	shalt  }
0x65: {  	_ =	shalt  }
0x66: {  	_ =	shalt  }
0x67: {  	_ =	shalt  }
0x68: {  	_ =	shalt  }
0x69: {  	_ =	shalt  }
0x6a: {  	_ =	shalt  }
0x6b: {  	_ =	shalt  }
0x6c: {  	_ =	shalt  }
0x6d: {  	_ =	shalt  }
0x6e: {  	_ =	shalt  }
0x6f: {  	_ =	shalt  }
0x70: {  	_ =	shalt  }
0x71: {  	_ =	shalt  }
0x72: {  	_ =	shalt  }
0x73: {  	_ =	shalt  }
0x74: {  	_ =	shalt  }
0x75: {  	_ =	shalt  }
0x76: {  	_ =	shalt  }
0x77: {  	_ =	shalt  }
0x78: {  	_ =	shalt  }
0x79: {  	_ =	shalt  }
0x7a: {  	_ =	shalt  }
0x7b: {  	_ =	shalt  }
0x7c: {  	_ =	shalt  }
0x7d: {  	_ =	shalt  }
0x7e: {  	_ =	shalt  }
0x7f: {  	_ =	shalt  }
0x80: {  	_ =	shalt  }
0x81: {  	_ =	shalt  }
0x82: {  	_ =	shalt  }
0x83: {  	_ =	shalt  }
0x84: {  	_ =	shalt  }
0x85: {  	_ =	shalt  }
0x86: {  	_ =	shalt  }
0x87: {  	_ =	shalt  }
.Lfunc_end0:
.L_simem_size_0:
called_computation_lowered:
.L_overlay_start_0:
0x88: {  	s2 =	sld [smem:$0x3FD9]  }
0x89: {  	s3 =	sld [smem:$0x3FFE];
	_ =	sdelay $0x1  }
0x8a: {  	s1 =	srdreg.scid  }
0x8b: {  	s0 =	sand.u32 $0x1, s1  }
0x8c: {  	s17 =	sshll.u32 s0, $0xA;
	s2 =	sadd.s32 s3, s2  }
0x8d: {  	s2 =	sadd.s32 s2, s17  }
0x8e: {  	[smem:$0x3FC1] =	sst s2  }
0x8f: {  	_ = 	snop  }
0x90: {  	s2 =	sld [smem:$0x3FD0];
	(tm) =	ssettm $0x1  }
0x91: {  	s18 =	sld [smem:$0x3FFB];
	_ =	sdelay $0x3  }
0x92: {  	_ =	strace s18  }
0x93: {  	s3 =	sld [smem:$0x3FFC];
	_ =	sdelay $0x3  }
0x94: {  	_ =	strace s3  }
0x95: {  	s3 =	sld [smem:$0x3FFD];
	_ =	sdelay $0x3  }
0x96: {  	_ =	strace s3  }
0x97: {  	_ =	strace $0x8FFFFFFF  }
0x98: {  	s19 =	sld [smem:$0x3FDB];
	_ =	sdelay $0x1  }
0x99: {  	s4 =	simm.s32 $_scs_section_size  }
0x9a: {  	s5 =	simm.s32 $_size__tile_overlayer_lowered;
	s6 =	simm.s32 $_tile_overlayer_lowered  }
0x9b: {  	s22 =	simm.s32 $0x1BFF;
	s21 =	sshll.u32 s6, $0x1;
	s3 =	sadd.s32 s4, s19  }
0x9c: {  	s7 =	simm.s32 $0x0;
	s20 =	sshll.u32 s5, $0x1;
	s5 =	sadd.s32 s21, s3  }
0x9d: {  	[timem:s7], [sflag:s22] =	dma.local [hbm:s5], s20  }
0x9e: {  	_ =	swait.ge [sflag:s22], s20  }
0x9f: {  	s4 =	ssub.s32 $0x0, s20;
	[sflag:s22] =	ssyncset.done $0x0  }
0xa0: {  	[sflag:s22] =	ssyncadd.s32 s4;
	_ =	sdelay $0x1  }
0xa1: {  	s23 =	simm.s32 $0x1B8B  }
0xa2: {  	_ =	swait.ge [sflag:s23], $0x1  }
0xa3: {  	[sflag:s23] =	ssyncset.done $0x0  }
0xa4: {  	s25 =	simm.s32 $0x1B8E;
	s24 =	sld [smem:$0x3FFE];
	[sflag:s23] =	ssyncadd.s32 $0xFFFFFFFF  }
0xa5: {  	s26 =	simm.s32 $execute0_lowered;
	[smem:$0x3FD2] =	sst s25  }
0xa6: {  	s5 =	sshll.u32 s26, $0x1;
	_ =	strace $0x80000046;
	[dreg:$0x1] =	wrdreg $0xFFFFFFFF  }
0xa7: {  	s28 =	simm.s32 $_size_execute0_lowered;
	s3 =	sadd.s32 s3, s5;
	[dreg:$0x0] =	wrdreg $0x0  }
0xa8: {  	s5 =	sshll.u32 s28, $0x1;
	[dreg:$0x2] =	wrdreg s3  }
0xa9: {  	[dreg:$0x3] =	wrdreg s5  }
0xaa: {  	[dreg:$0x4] =	wrdreg $0xC0  }
0xab: {  	_ =	task [dreg:s7], $0x5FFFF  }
0xac: {  	[dreg:$0x1] =	wrdreg $0xFFFFFFFF  }
0xad: {  	[dreg:$0x0] =	wrdreg $0x60  }
0xae: {  	[dreg:$0x2] =	wrdreg s24  }
0xaf: {  	[dreg:$0x3] =	wrdreg s2  }
0xb0: {  	[dreg:$0x4] =	wrdreg $0x9  }
0xb1: {  	_ =	task.clear_ibuf [dreg:s7], $0x5FFFF;
	_ =	strace $0x90000046  }
0xb2: {  	s29 =	simm.s32 $0x9;
	_ =	strace $0x80000048  }
0xb3: {  	_ =	swait.ge [sflag:s29], $0x1  }
0xb4: {  	[sflag:s29] =	ssyncadd.s32 $0xFFFFFFFF  }
0xb5: {  	_ =	strace $0x90000048  }
0xb6: {  	_ =	sfence  }
0xb7: {  	s30 =	sld [smem:$0x0];
	_ =	sdelay $0x2  }
0xb8: {  	s31 =	sshll.u32 s1, $0xD;
	s1 =	sshrl.u32 s1, $0x2  }
0xb9: {  	s3 =	sand.u32 $0x4000, s31;
	s1 =	sadd.s32 s1, s30  }
0xba: {  	s0 =	sor.u32 s3, s0;
	s1 =	sshll.u32 s1, $0x11  }
0xbb: {  	s0 =	sor.u32 s1, s0  }
0xbc: {  	s0 =	sadd.s32 $0x8F2B, s0  }
0xbd: {  	[sflag:s0] =	ssyncadd.remote.s32 $0x1  }
0xbe: {  	_ =	sfence.sel $0xFFFF  }
0xbf: {  	[dreg:$0x0] =	wrdreg $0xFFFFFFFF;
	(pc) =	sbr.abs _section_cstart, $3  }
0xc0: {  	[dreg:$0x1] =	wrdreg $0xFFFFFFFF  }
0xc1: {  	_ =	task.clear_ibuf [dreg:s7], $0x2FFFF;
	_ =	strace $0x9FFFFFFF  }
0xc2: {  	(tm) =	ssettm $0x7FFFFFFF  }
0xc3: {  	_ =	shalt  }
tec
execute0_lowered:
.L_overlay_start_1:
0x0: {  	(tag) =	ssettag $0x1  }
0x1: {  	s8 =	rddreg [dreg:$0x0]  }
0x2: {  	s1 =	rddreg [dreg:$0x1]  }
0x3: {  	s0 =	rddreg [dreg:$0x2]  }
0x4: {  	s2 =	simm.s32 $0x0;
	s6 =	srdreg.scid;
	s3 =	stileid.u32  }
0x5: {  	s13 =	simm.s32 $0x4E20;
	s14 =	simm.s32 $0x55F0;
	s15 =	simm.s32 $0x5DC0  }
0x6: {  	s16 =	simm.s32 $0x6590;
	s17 =	simm.s32 $0x0;
	[smem:$0x7FF] =	sst s2  }
0x7: {  	s4 =	sadd.s32 $0x52200, s8;
	s7 =	sand.u32 $0x1, s6;
	s9 =	sshll.u32 s3, $0x1  }
0x8: {  	s5 =	sadd.s32 $0x51C00, s8;
	s6 =	sadd.s32 $0x51600, s8;
	s9 =	sor.u32 s7, s9  }
0x9: {  	_ =	strace $0x80000047;
	s10 =	ssub.s32 $0x2, s7;
	s11 =	sshll.u32 s9, $0x1  }
0xa: {  	s7 =	sadd.s32 $0x5C000, s8;
	s12 =	sshrl.u32 s10, $0x1;
	s11 =	sadd.s32 s11, s8  }
0xb: {  	s10 =	ssub.s32 s10, s12;
	s8 =	smul.u32 $0x2710, s9;
	s12 =	simm.s32 $0x2710  }
0xc: {  	v0 =	vimm.f32 $-3.000000010e+38;
	s9 =	sadd.s32 $0x65E00, s11;
	s10 =	smax.u32 s10, $0x1;
	s11 =	simm.s32 $0x1  }
.LBB2_1:
0xd: {  	[tilespmem:s2], [sflag:$0x1] =	stream.linear.gather [hbm4b:s5+s2], $0x2710, $0x38;
	[tilespmem:$0x65A0] =	vst v63  }
0xe: {  	_ =	swait.ge [sflag:s11], $0x2710  }
0xf: {  	[sflag:s11] =	ssyncset.done $0x0  }
0x10: {  	[sflag:s11] =	ssyncadd.s32 $0xFFFFD8F0  }
0x11: {  	[tilespmem:s12], [sflag:$0x1] =	stream.linear.gather [hbm4b:s6+s2], $0x2710, $0x38;
	[tilespmem:$0x65A0] =	vst v63  }
0x12: {  	_ =	swait.ge [sflag:s11], $0x2710  }
0x13: {  	[sflag:s11] =	ssyncset.done $0x0  }
0x14: {  	[sflag:s11] =	ssyncadd.s32 $0xFFFFD8F0  }
0x15: {  	s18 =	simm.s32 $0x0;
	[tilespmem:$0x6590] =	vst v0  }
.LBB2_2:
0x16: {  	s19 =	smul.u32 $0x7D0, s18;
	_ =	sdelay $0x1  }
0x17: {  	s19 =	sadd.s32 s8, s19  }
0x18: {  	s19 =	sshrl.u32 s19, $0x3  }
0x19: {  	s21 =	simm.s32 $0x0;
	s20 =	sadd.s32 s4, s19  }
0x1a: {  	[tilespmem:s13], [sflag:$0x1] =	stream.linear.gather [hbm4b:s20+s21], $0x7D0, $0x38;
	[tilespmem:$0x65A0] =	vst v63  }
0x1b: {  	_ =	swait.ge [sflag:s11], $0x7D0  }
0x1c: {  	[sflag:s11] =	ssyncset.done $0x0  }
0x1d: {  	s30 =	sadd.s32 s1, s19;
	[sflag:s11] =	ssyncadd.s32 $0xFFFFF830  }
0x1e: {  	[tilespmem:s14], [sflag:$0x1] =	stream.linear.gather [hbm4b:s30+s21], $0x7D0, $0x38;
	[tilespmem:$0x65A0] =	vst v63  }
0x1f: {  	_ =	swait.ge [sflag:s11], $0x7D0  }
0x20: {  	[sflag:s11] =	ssyncset.done $0x0  }
0x21: {  	s31 =	simm.s32 $0x0;
	[sflag:s11] =	ssyncadd.s32 $0xFFFFF830  }
0x22: {  	v1 =	vld [tilespmem:s31+$0x4E20]  }
0x23: {  	v2 =	vld [tilespmem:s31+$0x55F0];
	_ =	sdelay $0x6  }
0x24: {  	v1 =	vld.idx.msk [tilespmem:v1+s2+$0x0], $0xffff  }
0x25: {  	v2 =	vld.idx.msk [tilespmem:v2+s12+$0x0], $0xffff;
	_ =	sdelay $0x4  }
0x26: {  	v1 =	vadd.f32 v2, v1;
	_ =	sdelay $0x1  }
0x27: {  	v2 =	vmul.f32 $9.999999770e-03, v1  }
0x28: {  	vm0 =	vge.f32 v1, $0.0e+00  }
0x29: {  	v1 =	vsel vm0, v1, v2  }
0x2a: {  	[tilespmem:s31+$0x5DC0] =	vst v1  }
0x2b: {  	s20 =	simm.s32 $0x40;
	v2 =	vld [tilespmem:$0x6590]  }
.LBB2_3:
0x2c: {  	_ =	sdelay $0x3  }
0x2d: {  	p0 =	sne.s32 s20, $0x1F00;
	s21 =	smov.u32 s20;
	s20 =	sadd.s32 $0x40, s20;
	v1 =	vmax.f32 v2, v1  }
0x2e: {  	s21 =	sshra.s32 s21, $0x2;
	[tilespmem:$0x6590] =	vst v1  }
0x2f: {  	v1 =	vld [tilespmem:s21+$0x4E20]  }
0x30: {  	v2 =	vld [tilespmem:s21+$0x55F0];
	_ =	sdelay $0x6  }
0x31: {  	v1 =	vld.idx.msk [tilespmem:v1+s2+$0x0], $0xffff  }
0x32: {  	v2 =	vld.idx.msk [tilespmem:v2+s12+$0x0], $0xffff;
	_ =	sdelay $0x5  }
0x33: {  	v1 =	vadd.f32 v2, v1;
	_ =	sdelay $0x1  }
.Ltmp0:
0x34: {  	vm0 =	vge.f32 v1, $0.0e+00;
	v2 =	vmul.f32 $9.999999770e-03, v1;
	(pc) =	sbr.rel @p0 .LBB2_3-.Ltmp0, $4  }
0x35: {  	_ = 	snop  }
0x36: {  	v1 =	vsel vm0, v1, v2  }
0x37: {  	[tilespmem:s21+$0x5DC0] =	vst v1  }
0x38: {  	v2 =	vld [tilespmem:$0x6590]  }
0x39: {  	_ =	sdelay $0x2  }
0x3a: {  	s18 =	sadd.s32 $0x1, s18  }
0x3b: {  	p0 =	sne.s32 s18, $0x5;
	v1 =	vmax.f32 v2, v1  }
.Ltmp1:
0x3c: {  	s19 =	sadd.s32 s7, s19;
	[tilespmem:$0x6590] =	vst v1;
	(pc) =	sbr.rel @p0 .LBB2_2-.Ltmp1, $4  }
0x3d: {  	[hbm4b:s19+s2] =	stream.linear.scatter [tilespmem:s15], [sflag:$0x1], $0x7D0, $0x38;
	[tilespmem:$0x65A0] =	vst v63  }
0x3e: {  	_ =	swait.ge [sflag:s11], $0x7D0  }
0x3f: {  	[sflag:s11] =	ssyncset.done $0x0  }
0x40: {  	[sflag:s11] =	ssyncadd.s32 $0xFFFFF830  }
0x41: {  	s17 =	sadd.s32 $0x1, s17  }
0x42: {  	p0 =	sne.s32 s17, s10  }
.Ltmp2:
0x43: {  	_ = 	snop;
	(pc) =	sbr.rel @p0 .LBB2_1-.Ltmp2, $4  }
0x44: {  	[hbm4b:s9+s2] =	stream.linear.scatter [tilespmem:s16], [sflag:$0x1], $0x10, $0x38;
	[tilespmem:$0x65A0] =	vst v63  }
0x45: {  	_ =	swait.ge [sflag:s11], $0x10  }
0x46: {  	[sflag:s11] =	ssyncset.done $0x0  }
0x47: {  	[sflag:s11] =	ssyncadd.s32 $0xFFFFFFF0  }
0x48: {  	_ =	sfence.sel $0x180000  }
0x49: {  	[bflag:$0x0] =	sbarrier.arrive $0xFFFF  }
0x4a: {  	p0 =	sne.s32 s3, $0x0;
	_ =	strace $0x90000047  }
0x4b: {  	s0 =	sadd.s32 @!p0 $0x100000, s0;
	[bflag:$0x2] =	sbarrier.arrive $0xFFFF  }
0x4c: {  	[sflag:s0] =	ssyncadd.tile.s32 @!p0 $0x1;
	_ =	shalt  }
.Lfunc_end2:
_tile_overlayer_lowered:
.L_overlay_start_2:
0x4d: {  	(tag) =	ssettag $0x2  }
0x4e: {  	s0 =	rddreg [dreg:$0x0];
	s2 =	stileid.u32  }
0x4f: {  	s1 =	rddreg [dreg:$0x1];
	p0 =	sne.s32 s2, $0x0  }
0x50: {  	s3 =	rddreg [dreg:$0x2];
	[bflag:$0x3] =	sbarrier.arrive $0xFFFF;
	s2 =	simm.s32 @!p0 $0x1C01  }
0x51: {  	[timem:s3], [sflag:s2] =	dma.local @!p0 [hbm:s0], s1  }
0x52: {  	s0 =	simm.s32 @!p0 $0x1  }
0x53: {  	_ =	swait.ge @!p0 [sflag:s0], s1  }
0x54: {  	s1 =	ssub.s32 @!p0 $0x0, s1;
	[sflag:s0] =	ssyncset.done @!p0 $0x0  }
0x55: {  	[sflag:s0] =	ssyncadd.s32 @!p0 s1  }
0x56: {  	[bflag:$0x3] =	sbarrier.arrive $0xFFFF  }
0x57: {  	_ =	shalt  }

// kernel: _run.9.cloned.1.call-start
scs
__scs_entry_jumppad:
0x0: {  	(pc) =	sbr.rel $0x88, $3  }
0x1: {  	(tag) =	ssettag $0x0;
	lr =	simm.s32 $0x1  }
0x2: {  	[smem:$0x3F9A] =	sst lr;
	_ =	strace $0xD0000000  }
0x3: {  	_ = 	snop  }
0x4: {  	_ = 	snop  }
0x5: {  	_ = 	snop  }
0x6: {  	_ = 	snop  }
0x7: {  	_ = 	snop  }
__scs_overlays_trampoline_lowered:
0x8: {  	[smem:$0x3FA9] =	sst s0  }
0x9: {  	[smem:$0x3FAA] =	sst s1  }
0xa: {  	[smem:$0x3FAB] =	sst s2  }
0xb: {  	[smem:$0x3FAC] =	sst s3  }
0xc: {  	[smem:$0x3FAD] =	sst s4  }
0xd: {  	[smem:$0x3FAE] =	sst s5  }
0xe: {  	[smem:$0x3FAF] =	sst s6  }
0xf: {  	[smem:$0x3FB0] =	sst s7  }
0x10: {  	[smem:$0x3FB1] =	sst s8  }
0x11: {  	[smem:$0x3FB2] =	sst s9;
	s0 =	simm.s32 @!p0 $0x0  }
0x12: {  	s1 =	sld [smem:$0x3F98];
	s0 =	simm.s32 @p0 $0x1  }
0x13: {  	[smem:$0x3FB3] =	sst s0;
	s0 =	simm.s32 @!p1 $0x0  }
0x14: {  	s2 =	sld [smem:$0x3F97];
	s0 =	simm.s32 @p1 $0x1  }
0x15: {  	[smem:$0x3FB4] =	sst s0;
	s0 =	simm.s32 @!p2 $0x0  }
0x16: {  	s3 =	sld [smem:$0x3FDB];
	s0 =	simm.s32 @p2 $0x1  }
0x17: {  	s4 =	simm.s32 $0x1BF5;
	[smem:$0x3FB6] =	sst s0  }
0x18: {  	s0 =	sld [smem:$0x3F99];
	_ =	swait.ge [sflag:s4], $0x0  }
0x19: {  	s7 =	sld [smem:$0x3F9A]  }
0x1a: {  	s8 =	sadd.s32 $0xFFFFE003, lr  }
0x1b: {  	s9 =	sadd.s32 $0xFFFFFEF7, lr;
	s5 =	simm.s32 $0xFFFFFFFF;
	p2 =	slt.u32 s8, $0xFFFFF086  }
0x1c: {  	p1 =	slt.u32 s9, $0xF7A;
	s5 =	simm.s32 @!p2 $0x0  }
0x1d: {  	s5 =	simm.s32 @p1 $0x1;
	p0 =	seq.s32 s7, s2  }
0x1e: {  	s7 =	smul.u32 @!p0 $0xF7A, s2;
	p2 =	seq.s32 @!p0 s5, $0x0  }
0x1f: {  	s9 =	smul.u32 $0xF7A, s1;
	s8 =	simm.s32 @!p0 $0x1BF5;
	p2 =	por !p2, p0  }
0x20: {  	[sflag:s8] =	ssyncset.s32 @!p0 $0xFFFFF086;
	s6 =	sadd.s32 @!p0 s3, s7;
	s7 =	simm.s32 @!p0 $0x108  }
0x21: {  	s3 =	sadd.s32 s3, s9;
	s6 =	sadd.s32 @!p0 $0x88, s6;
	s7 =	simm.s32 @p2 $0x1082  }
0x22: {  	[simem:s7], [sflag:s8] =	dma.local @!p0 [hbm:s6], $0xF7A  }
0x23: {  	s9 =	sor.u32 $0xD0000000, s2;
	s6 =	simm.s32 $0x108;
	_ =	swait.ge @!p0 [sflag:s8], $0x0  }
0x24: {  	s3 =	sadd.s32 $0x88, s3;
	s6 =	simm.s32 @!p1 $0x1082;
	[sflag:s4] =	ssyncset.s32 $0xFFFFF086  }
0x25: {  	[simem:s6], [sflag:s4] =	dma.local [hbm:s3], $0xF7A  }
0x26: {  	[smem:$0x3F9A] =	sst s1;
	(tag) =	ssettag s2;
	_ =	strace s9  }
0x27: {  	s1 =	sld [smem:$0x3FAA]  }
0x28: {  	s2 =	sld [smem:$0x3FAB]  }
0x29: {  	s4 =	sld [smem:$0x3FAD]  }
0x2a: {  	p0 =	seq.s32 s5, $0x0;
	s5 =	sld [smem:$0x3FAE]  }
0x2b: {  	s6 =	sld [smem:$0x3FAF]  }
0x2c: {  	s7 =	sld [smem:$0x3FB0]  }
0x2d: {  	s3 =	simm.s32 $0x108;
	s8 =	sld [smem:$0x3FB1]  }
0x2e: {  	s3 =	simm.s32 @!p0 $0x1082;
	s9 =	sld [smem:$0x3FB2]  }
0x2f: {  	lr =	sadd.s32 s0, s3;
	s0 =	sld [smem:$0x3FA9]  }
0x30: {  	s3 =	sld [smem:$0x3FAC]  }
0x31: {  	[smem:$0x3FB5] =	sst s10  }
0x32: {  	s10 =	sld [smem:$0x3FB3];
	_ =	sdelay $0x3  }
0x33: {  	p0 =	seq.s32 s10, $0x1;
	s10 =	sld [smem:$0x3FB5];
	_ =	sdelay $0x3  }
0x34: {  	[smem:$0x3FB5] =	sst s10  }
0x35: {  	s10 =	sld [smem:$0x3FB4];
	_ =	sdelay $0x3  }
0x36: {  	p1 =	seq.s32 s10, $0x1;
	s10 =	sld [smem:$0x3FB5];
	_ =	sdelay $0x3  }
0x37: {  	[smem:$0x3FB5] =	sst s10  }
0x38: {  	s10 =	sld [smem:$0x3FB6]  }
0x39: {  	_ = 	snop;
	(pc) =	sbr.ind lr, $3  }
0x3a: {  	_ = 	snop  }
0x3b: {  	_ = 	snop  }
0x3c: {  	p2 =	seq.s32 s10, $0x1;
	s10 =	sld [smem:$0x3FB5]  }
0x3d: {  	_ =	shalt  }
0x3e: {  	_ =	shalt  }
0x3f: {  	_ =	shalt  }
0x40: {  	_ =	shalt  }
0x41: {  	_ =	shalt  }
0x42: {  	_ =	shalt  }
0x43: {  	_ =	shalt  }
0x44: {  	_ =	shalt  }
0x45: {  	_ =	shalt  }
0x46: {  	_ =	shalt  }
0x47: {  	_ =	shalt  }
0x48: {  	_ =	shalt  }
0x49: {  	_ =	shalt  }
0x4a: {  	_ =	shalt  }
0x4b: {  	_ =	shalt  }
0x4c: {  	_ =	shalt  }
0x4d: {  	_ =	shalt  }
0x4e: {  	_ =	shalt  }
0x4f: {  	_ =	shalt  }
0x50: {  	_ =	shalt  }
0x51: {  	_ =	shalt  }
0x52: {  	_ =	shalt  }
0x53: {  	_ =	shalt  }
0x54: {  	_ =	shalt  }
0x55: {  	_ =	shalt  }
0x56: {  	_ =	shalt  }
0x57: {  	_ =	shalt  }
0x58: {  	_ =	shalt  }
0x59: {  	_ =	shalt  }
0x5a: {  	_ =	shalt  }
0x5b: {  	_ =	shalt  }
0x5c: {  	_ =	shalt  }
0x5d: {  	_ =	shalt  }
0x5e: {  	_ =	shalt  }
0x5f: {  	_ =	shalt  }
0x60: {  	_ =	shalt  }
0x61: {  	_ =	shalt  }
0x62: {  	_ =	shalt  }
0x63: {  	_ =	shalt  }
0x64: {  	_ =	shalt  }
0x65: {  	_ =	shalt  }
0x66: {  	_ =	shalt  }
0x67: {  	_ =	shalt  }
0x68: {  	_ =	shalt  }
0x69: {  	_ =	shalt  }
0x6a: {  	_ =	shalt  }
0x6b: {  	_ =	shalt  }
0x6c: {  	_ =	shalt  }
0x6d: {  	_ =	shalt  }
0x6e: {  	_ =	shalt  }
0x6f: {  	_ =	shalt  }
0x70: {  	_ =	shalt  }
0x71: {  	_ =	shalt  }
0x72: {  	_ =	shalt  }
0x73: {  	_ =	shalt  }
0x74: {  	_ =	shalt  }
0x75: {  	_ =	shalt  }
0x76: {  	_ =	shalt  }
0x77: {  	_ =	shalt  }
0x78: {  	_ =	shalt  }
0x79: {  	_ =	shalt  }
0x7a: {  	_ =	shalt  }
0x7b: {  	_ =	shalt  }
0x7c: {  	_ =	shalt  }
0x7d: {  	_ =	shalt  }
0x7e: {  	_ =	shalt  }
0x7f: {  	_ =	shalt  }
0x80: {  	_ =	shalt  }
0x81: {  	_ =	shalt  }
0x82: {  	_ =	shalt  }
0x83: {  	_ =	shalt  }
0x84: {  	_ =	shalt  }
0x85: {  	_ =	shalt  }
0x86: {  	_ =	shalt  }
0x87: {  	_ =	shalt  }
.Lfunc_end0:
.L_simem_size_0:
called_computation.1_lowered:
.L_overlay_start_0:
0x88: {  	s2 =	sld [smem:$0x3FD9]  }
0x89: {  	s3 =	sld [smem:$0x3FFE];
	_ =	sdelay $0x1  }
0x8a: {  	s1 =	srdreg.scid  }
0x8b: {  	s0 =	sand.u32 $0x1, s1  }
0x8c: {  	s17 =	sshll.u32 s0, $0xA;
	s2 =	sadd.s32 s3, s2  }
0x8d: {  	s2 =	sadd.s32 s2, s17  }
0x8e: {  	[smem:$0x3FC1] =	sst s2  }
0x8f: {  	_ = 	snop  }
0x90: {  	s2 =	sld [smem:$0x3FD0];
	(tm) =	ssettm $0x1  }
0x91: {  	s18 =	sld [smem:$0x3FFB];
	_ =	sdelay $0x3  }
0x92: {  	_ =	strace s18  }
0x93: {  	s3 =	sld [smem:$0x3FFC];
	_ =	sdelay $0x3  }
0x94: {  	_ =	strace s3  }
0x95: {  	s3 =	sld [smem:$0x3FFD];
	_ =	sdelay $0x3  }
0x96: {  	_ =	strace s3  }
0x97: {  	_ =	strace $0x8FFFFFFF  }
0x98: {  	s19 =	sld [smem:$0x3FDB];
	_ =	sdelay $0x1  }
0x99: {  	s4 =	simm.s32 $_scs_section_size  }
0x9a: {  	s5 =	simm.s32 $_size__tile_overlayer_lowered;
	s6 =	simm.s32 $_tile_overlayer_lowered  }
0x9b: {  	s22 =	simm.s32 $0x1BFF;
	s21 =	sshll.u32 s6, $0x1;
	s3 =	sadd.s32 s4, s19  }
0x9c: {  	s7 =	simm.s32 $0x0;
	s20 =	sshll.u32 s5, $0x1;
	s5 =	sadd.s32 s21, s3  }
0x9d: {  	[timem:s7], [sflag:s22] =	dma.local [hbm:s5], s20  }
0x9e: {  	_ =	swait.ge [sflag:s22], s20  }
0x9f: {  	s4 =	ssub.s32 $0x0, s20;
	[sflag:s22] =	ssyncset.done $0x0  }
0xa0: {  	[sflag:s22] =	ssyncadd.s32 s4;
	_ =	sdelay $0x1  }
0xa1: {  	s23 =	simm.s32 $0x1B8B  }
0xa2: {  	_ =	swait.ge [sflag:s23], $0x1  }
0xa3: {  	[sflag:s23] =	ssyncset.done $0x0  }
0xa4: {  	s25 =	simm.s32 $0x1B8E;
	s24 =	sld [smem:$0x3FFE];
	[sflag:s23] =	ssyncadd.s32 $0xFFFFFFFF  }
0xa5: {  	s26 =	simm.s32 $execute0_lowered;
	[smem:$0x3FD2] =	sst s25  }
0xa6: {  	s5 =	sshll.u32 s26, $0x1;
	_ =	strace $0x80000049;
	[dreg:$0x1] =	wrdreg $0xFFFFFFFF  }
0xa7: {  	s28 =	simm.s32 $_size_execute0_lowered;
	s3 =	sadd.s32 s3, s5;
	[dreg:$0x0] =	wrdreg $0x0  }
0xa8: {  	s5 =	sshll.u32 s28, $0x1;
	[dreg:$0x2] =	wrdreg s3  }
0xa9: {  	[dreg:$0x3] =	wrdreg s5  }
0xaa: {  	[dreg:$0x4] =	wrdreg $0xC0  }
0xab: {  	_ =	task [dreg:s7], $0x5FFFF  }
0xac: {  	[dreg:$0x1] =	wrdreg $0xFFFFFFFF  }
0xad: {  	[dreg:$0x0] =	wrdreg $0x60  }
0xae: {  	[dreg:$0x2] =	wrdreg s24  }
0xaf: {  	[dreg:$0x3] =	wrdreg s2  }
0xb0: {  	[dreg:$0x4] =	wrdreg $0x73C00  }
0xb1: {  	[dreg:$0x5] =	wrdreg $0x9  }
0xb2: {  	_ =	task.clear_ibuf [dreg:s7], $0x6FFFF;
	_ =	strace $0x90000049  }
0xb3: {  	s29 =	simm.s32 $0x9;
	_ =	strace $0x8000004B  }
0xb4: {  	_ =	swait.ge [sflag:s29], $0x1  }
0xb5: {  	[sflag:s29] =	ssyncadd.s32 $0xFFFFFFFF  }
0xb6: {  	_ =	strace $0x9000004B  }
0xb7: {  	_ =	sfence  }
0xb8: {  	s30 =	sld [smem:$0x0];
	_ =	sdelay $0x2  }
0xb9: {  	s31 =	sshll.u32 s1, $0xD;
	s1 =	sshrl.u32 s1, $0x2  }
0xba: {  	s3 =	sand.u32 $0x4000, s31;
	s1 =	sadd.s32 s1, s30  }
0xbb: {  	s0 =	sor.u32 s3, s0;
	s1 =	sshll.u32 s1, $0x11  }
0xbc: {  	s0 =	sor.u32 s1, s0  }
0xbd: {  	s0 =	sadd.s32 $0x8F2B, s0  }
0xbe: {  	[sflag:s0] =	ssyncadd.remote.s32 $0x1  }
0xbf: {  	_ =	sfence.sel $0xFFFF  }
0xc0: {  	[dreg:$0x0] =	wrdreg $0xFFFFFFFF;
	(pc) =	sbr.abs _section_cstart, $3  }
0xc1: {  	[dreg:$0x1] =	wrdreg $0xFFFFFFFF  }
0xc2: {  	_ =	task.clear_ibuf [dreg:s7], $0x2FFFF;
	_ =	strace $0x9FFFFFFF  }
0xc3: {  	(tm) =	ssettm $0x7FFFFFFF  }
tec
execute0_lowered:
.L_overlay_start_1:
0x0: {  	(tag) =	ssettag $0x1  }
0x1: {  	s0 =	rddreg [dreg:$0x0]  }
0x2: {  	s1 =	rddreg [dreg:$0x1]  }
0x3: {  	s3 =	rddreg [dreg:$0x2];
	s4 =	simm.s32 $0x0  }
0x4: {  	s2 =	srdreg.scid;
	s12 =	stileid.u32;
	s14 =	simm.s32 $0x5  }
0x5: {  	s17 =	simm.s32 $0x7D0;
	s18 =	simm.s32 $0xFA0;
	s19 =	simm.s32 $0x50  }
0x6: {  	s20 =	simm.s32 $0x1770;
	s21 =	simm.s32 $0x1;
	s28 =	simm.s32 $0xF50  }
0x7: {  	s29 =	simm.s32 $0x0;
	s31 =	simm.s32 $0x0;
	[smem:$0x7FF] =	sst s4  }
0x8: {  	s2 =	sand.u32 $0x1, s2;
	s22 =	smul.u32 $0x16800, s12;
	s5 =	sadd.s32 $0x52200, s0  }
0x9: {  	s6 =	sadd.s32 $0x5C000, s0;
	s8 =	sadd.s32 $0x65E00, s0;
	s9 =	sadd.s32 $0x2E600, s0  }
0xa: {  	s11 =	sshll.u32 s12, $0x1;
	s30 =	sshll.u32 s12, $0x6;
	_ =	strace $0x8000004A  }
0xb: {  	s7 =	smul.u32 $0x168000, s2;
	[dreg:$0x4] =	wrdreg s8;
	s8 =	sadd.s32 $0x1600, s0  }
0xc: {  	[dreg:$0x5] =	wrdreg s9;
	s23 =	ssub.s32 $0x2, s2;
	s2 =	sor.u32 s2, s11  }
0xd: {  	s15 =	sor.u32 $0x1C05, s30;
	s10 =	sshrl.u32 s23, $0x1;
	s25 =	sadd.s32 s22, s3  }
0xe: {  	s7 =	sadd.s32 s22, s7;
	s24 =	ssub.s32 s23, s10;
	s10 =	smul.u32 $0x7D, s2  }
0xf: {  	s16 =	sshrl.u32 s25, $0x3;
	s22 =	simm.s32 $0x4470;
	s7 =	sshrl.u32 s7, $0x3  }
0x10: {  	s23 =	simm.s32 $0x7370;
	s26 =	smax.u32 s24, $0x1;
	s0 =	sadd.s32 s7, s0  }
0x11: {  	s25 =	simm.s32 $0x3;
	[dreg:$0x7] =	wrdreg s26;
	s0 =	sadd.s32 $0x66000, s0  }
0x12: {  	s24 =	simm.s32 $0x2;
	s26 =	simm.s32 $0x4;
	[dreg:$0x6] =	wrdreg s0  }
.LBB2_1:
0x13: {  	s0 =	simm.s32 $0x0;
	s2 =	rddreg [dreg:$0x4];
	s4 =	simm.s32 $0x7170  }
0x14: {  	[tilespmem:s4], [sflag:$0x5] =	stream.linear.gather [hbm4b:s2+s0], $0x200, $0x38;
	[tilespmem:$0x1DBC0] =	vst v63  }
0x15: {  	_ =	swait.ge [sflag:s14], $0x200  }
0x16: {  	[sflag:s14] =	ssyncset.done $0x0  }
0x17: {  	[sflag:s14] =	ssyncadd.s32 $0xFFFFFE00  }
0x18: {  	v0 =	vld [tilespmem:$0x7170]  }
0x19: {  	v1 =	vld [tilespmem:$0x7180]  }
0x1a: {  	v2 =	vld [tilespmem:$0x7190]  }
0x1b: {  	v3 =	vld [tilespmem:$0x71A0]  }
0x1c: {  	v4 =	vld [tilespmem:$0x71B0]  }
0x1d: {  	v5 =	vld [tilespmem:$0x71C0]  }
0x1e: {  	v0 =	vmax.f32 v0, v1;
	v1 =	vld [tilespmem:$0x71D0]  }
0x1f: {  	v0 =	vmax.f32 v0, v2;
	v2 =	vld [tilespmem:$0x71E0]  }
0x20: {  	v0 =	vmax.f32 v0, v3;
	v3 =	vld [tilespmem:$0x71F0]  }
0x21: {  	v54 =	vld [tilespmem:$0x7200];
	v0 =	vmax.f32 v0, v4  }
0x22: {  	v55 =	vld [tilespmem:$0x7210];
	v0 =	vmax.f32 v0, v5  }
0x23: {  	v0 =	vmax.f32 v0, v1;
	v1 =	vld [tilespmem:$0x7220]  }
0x24: {  	v0 =	vmax.f32 v0, v2;
	v2 =	vld [tilespmem:$0x7230]  }
0x25: {  	v0 =	vmax.f32 v0, v3;
	v3 =	vld [tilespmem:$0x7240]  }
0x26: {  	v56 =	vld [tilespmem:$0x7250];
	v0 =	vmax.f32 v0, v54  }
0x27: {  	v57 =	vld [tilespmem:$0x7260];
	v0 =	vmax.f32 v0, v55  }
0x28: {  	v0 =	vmax.f32 v0, v1;
	v1 =	vld [tilespmem:$0x7270]  }
0x29: {  	v0 =	vmax.f32 v0, v2;
	v2 =	vld [tilespmem:$0x7280]  }
0x2a: {  	v0 =	vmax.f32 v0, v3;
	v3 =	vld [tilespmem:$0x7290]  }
0x2b: {  	v58 =	vld [tilespmem:$0x72A0];
	v0 =	vmax.f32 v0, v56  }
0x2c: {  	v59 =	vld [tilespmem:$0x72B0];
	v0 =	vmax.f32 v0, v57  }
0x2d: {  	v0 =	vmax.f32 v0, v1;
	v1 =	vld [tilespmem:$0x72C0]  }
0x2e: {  	v0 =	vmax.f32 v0, v2;
	v2 =	vld [tilespmem:$0x72D0]  }
0x2f: {  	v0 =	vmax.f32 v0, v3;
	v3 =	vld [tilespmem:$0x72E0]  }
0x30: {  	v60 =	vld [tilespmem:$0x72F0];
	v0 =	vmax.f32 v0, v58  }
0x31: {  	v61 =	vld [tilespmem:$0x7300];
	v0 =	vmax.f32 v0, v59  }
0x32: {  	v0 =	vmax.f32 v0, v1;
	v1 =	vld [tilespmem:$0x7310]  }
0x33: {  	v0 =	vmax.f32 v0, v2;
	v2 =	vld [tilespmem:$0x7320]  }
0x34: {  	v0 =	vmax.f32 v0, v3;
	v3 =	vld [tilespmem:$0x7330]  }
0x35: {  	v62 =	vld [tilespmem:$0x7340];
	v0 =	vmax.f32 v0, v60  }
0x36: {  	v63 =	vld [tilespmem:$0x7350];
	v0 =	vmax.f32 v0, v61  }
0x37: {  	v0 =	vmax.f32 v0, v1;
	v1 =	vld [tilespmem:$0x7360]  }
0x38: {  	v0 =	vmax.f32 v0, v2  }
0x39: {  	v0 =	vmax.f32 v0, v3  }
0x3a: {  	v0 =	vmax.f32 v0, v62  }
0x3b: {  	v0 =	vmax.f32 v0, v63  }
0x3c: {  	v0 =	vmax.f32 v0, v1  }
0x3d: {  	(xrf0) =	vmax.scan.msk.f32 $0xffff, v0;
	_ =	sdelay $0x5  }
0x3e: {  	s13 =	rddreg [dreg:$0x5];
	v0, _, _ =	vpop (xrf0)  }
0x3f: {  	[spmem:s16], [sflag:s15] =	dma.local [hbm:s13], $0x2D00  }
0x40: {  	_ =	swait.ge [sflag:s14], $0x2D00  }
0x41: {  	[sflag:s14] =	ssyncset.done $0x0  }
0x42: {  	[sflag:s14] =	ssyncadd.s32 $0xFFFFD300  }
0x43: {  	s30 =	simm.s32 $0x0;
	v0 =	vbroadcast v0, $0xF;
	[bflag:$0x0] =	sbarrier.arrive $0xFFFF  }
.LBB2_2:
0x44: {  	s0 =	smul.u32 $0x19, s30;
	_ =	sdelay $0x1  }
0x45: {  	s0 =	sadd.s32 s10, s0  }
0x46: {  	s0 =	smul.u32 $0xA, s0;
	_ =	sdelay $0x1  }
0x47: {  	s2 =	sadd.s32 s5, s0  }
0x48: {  	[tilespmem:s31], [sflag:$0x5] =	stream.linear.gather [hbm4b:s2+s31], $0x7D0, $0x38;
	[tilespmem:$0x1DBC0] =	vst v63  }
0x49: {  	_ =	swait.ge [sflag:s14], $0x7D0  }
0x4a: {  	[sflag:s14] =	ssyncset.done $0x0  }
0x4b: {  	s13 =	sadd.s32 s1, s0;
	[sflag:s14] =	ssyncadd.s32 $0xFFFFF830  }
0x4c: {  	[tilespmem:s17], [sflag:$0x5] =	stream.linear.gather [hbm4b:s13+s31], $0x7D0, $0x38;
	[tilespmem:$0x1DBC0] =	vst v63  }
0x4d: {  	_ =	swait.ge [sflag:s14], $0x7D0  }
0x4e: {  	[sflag:s14] =	ssyncset.done $0x0  }
0x4f: {  	s0 =	sadd.s32 s6, s0;
	[sflag:s14] =	ssyncadd.s32 $0xFFFFF830  }
0x50: {  	[tilespmem:s18], [sflag:$0x5] =	stream.linear.gather [hbm4b:s0+s31], $0x7D0, $0x38;
	[tilespmem:$0x1DBC0] =	vst v63  }
0x51: {  	_ =	swait.ge [sflag:s14], $0x7D0  }
0x52: {  	[sflag:s14] =	ssyncset.done $0x0  }
0x53: {  	s0 =	simm.s32 $0x0;
	[sflag:s14] =	ssyncadd.s32 $0xFFFFF830  }
0x54: {  	[tilespmem:s20], [sflag:$0x1] =	stream.indirect.gather [hbm4b:s8+s19], $0x90, s31, s19, $0xb8;
	[tilespmem:$0x1DBC0] =	vst v63  }
.LBB2_3:
0x55: {  	_ =	swait.ge [sflag:s21], $0x2D00  }
0x56: {  	p0 =	seq.s32 s0, $0x0;
	[sflag:s21] =	ssyncset.done $0x0  }
0x57: {  	s4 =	smul.u32 $0xA0, s0;
	s2 =	simm.s32 @!p0 $0x4;
	[sflag:s21] =	ssyncadd.s32 $0xFFFFD300  }
0x58: {  	s9 =	smul.u32 $0x280, s0;
	_ =	swait.ge @!p0 [sflag:s2], $0x2D00  }
0x59: {  	[sflag:s2] =	ssyncset.done @!p0 $0x0  }
0x5a: {  	s13 =	sshra.s32 s9, $0x2;
	[sflag:s2] =	ssyncadd.s32 @!p0 $0xFFFFD300;
	s2 =	sadd.s32 $0x50, s4  }
0x5b: {  	[tilespmem:s22], [sflag:$0x2] =	stream.indirect.gather [hbm4b:s8+s19], $0x90, s2, s19, $0xb8;
	[tilespmem:$0x1DBC0] =	vst v63  }
0x5c: {  	v1 =	vld [tilespmem:s13+$0xFA0];
	_ =	sdelay $0x4  }
0x5d: {  	v1 =	vsub.f32 v1, v0;
	_ =	sdelay $0x1  }
0x5e: {  	v1 =	vmul.f32 $1.442695020e+00, v1;
	_ =	sdelay $0x1  }
0x5f: {  	(erf) = vpow2.f32 v1;
	_ =	sdelay $0x8  }
0x60: {  	v1 =	vpop (erf)  }
0x61: {  	[tilespmem:$0x7370] =	vst v1  }
0x62: {  	v1 =	vld [tilespmem:s13+$0xFB0];
	_ =	sdelay $0x4  }
0x63: {  	v1 =	vsub.f32 v1, v0;
	_ =	sdelay $0x1  }
0x64: {  	v1 =	vmul.f32 $1.442695020e+00, v1;
	_ =	sdelay $0x1  }
0x65: {  	(erf) = vpow2.f32 v1;
	_ =	sdelay $0x8  }
0x66: {  	v1 =	vpop (erf)  }
0x67: {  	[tilespmem:$0x7380] =	vst v1  }
0x68: {  	v1 =	vld [tilespmem:s13+$0xFC0];
	_ =	sdelay $0x4  }
0x69: {  	v1 =	vsub.f32 v1, v0;
	_ =	sdelay $0x1  }
0x6a: {  	v1 =	vmul.f32 $1.442695020e+00, v1;
	_ =	sdelay $0x1  }
0x6b: {  	(erf) = vpow2.f32 v1;
	_ =	sdelay $0x8  }
0x6c: {  	v1 =	vpop (erf)  }
0x6d: {  	[tilespmem:$0x7390] =	vst v1  }
0x6e: {  	v1 =	vld [tilespmem:s13+$0xFD0];
	_ =	sdelay $0x4  }
0x6f: {  	v1 =	vsub.f32 v1, v0;
	_ =	sdelay $0x1  }
0x70: {  	v1 =	vmul.f32 $1.442695020e+00, v1;
	_ =	sdelay $0x1  }
0x71: {  	(erf) = vpow2.f32 v1;
	_ =	sdelay $0x8  }
0x72: {  	v1 =	vpop (erf)  }
0x73: {  	[tilespmem:$0x73A0] =	vst v1  }
0x74: {  	v1 =	vld [tilespmem:s13+$0xFE0];
	_ =	sdelay $0x4  }
0x75: {  	v1 =	vsub.f32 v1, v0;
	_ =	sdelay $0x1  }
0x76: {  	v1 =	vmul.f32 $1.442695020e+00, v1;
	_ =	sdelay $0x1  }
0x77: {  	(erf) = vpow2.f32 v1;
	_ =	sdelay $0x8  }
0x78: {  	v1 =	vpop (erf)  }
0x79: {  	s4 =	simm.s32 $0x1890;
	[tilespmem:$0x73B0] =	vst v1  }
0x7a: {  	v3 =	vld [tilespmem:s4+$0xFFFFFEF0]  }
0x7b: {  	v9 =	vld [tilespmem:s4+$0x10]  }
0x7c: {  	v14 =	vld [tilespmem:s4+$0xD0]  }
0x7d: {  	v17 =	vld [tilespmem:s4+$0xFFFFFFB0]  }
0x7e: {  	v4 =	vld [tilespmem:s4+$0xFFFFFF30]  }
0x7f: {  	v5 =	vld [tilespmem:s4+$0xFFFFFF50]  }
0x80: {  	v11 =	vld [tilespmem:s4+$0xE0]  }
0x81: {  	v8 =	vld [tilespmem:s4+$0xF0]  }
0x82: {  	v7 =	vld [tilespmem:s4+$0xFFFFFF20]  }
0x83: {  	s7 =	simm.s32 $0x1;
	v10 =	vld [tilespmem:s4+$0x100]  }
0x84: {  	v2 =	vmov s7;
	v18 =	vld [tilespmem:s4+$0xFFFFFF10]  }
0x85: {  	v2 =	vand.u32 $0xFFFFFFFD, v2;
	v1 =	vmov s31;
	v12 =	vld [tilespmem:s4+$0xFFFFFF40]  }
0x86: {  	s11 =	simm.s32 $0x2;
	v2 =	vbroadcast v2, $0x0;
	v1 =	vand.u32 $0xFFFFFFFC, v1;
	v15 =	vld [tilespmem:s4+$0xFFFFFF80]  }
0x87: {  	v6 =	vmov s11;
	v16 =	vld [tilespmem:s4+$0xFFFFFF90];
	v1 =	vbroadcast v1, $0x0  }
0x88: {  	v6 =	vand.u32 $0xFFFFFFFE, v6;
	v19 =	vld [tilespmem:s4+$0xFFFFFF70]  }
0x89: {  	v6 =	vbroadcast v6, $0x0;
	v20 =	vld [tilespmem:s4+$0x60]  }
0x8a: {  	v13 =	vld [tilespmem:s4+$0xFFFFFEE0]  }
0x8b: {  	v22 =	vld [tilespmem:s4+$0xFFFFFF00]  }
0x8c: {  	v2 =	vld.idx.msk [tilespmem:v2+s23+$0x0], $0xffff  }
0x8d: {  	s12 =	simm.s32 $0x3;
	v21 =	vld.idx.msk [tilespmem:v1+s23+$0x0], $0xffff  }
0x8e: {  	v23 =	vmov s12;
	v24 =	vld [tilespmem:s4+$0xFFFFFFA0]  }
0x8f: {  	v1 =	vld.idx.msk [tilespmem:v6+s23+$0x0], $0xffff  }
0x90: {  	v26 =	vld [tilespmem:s4+$0x50]  }
0x91: {  	v27 =	vld [tilespmem:s4+$0x40];
	v28 =	vmul.f32 v15, v2;
	v30 =	vmul.f32 v19, v2  }
0x92: {  	v29 =	vld [tilespmem:s4+$0xA0];
	[tilespmem:s4+$0xFFFFFFF0] =	vst v2;
	v25 =	vmul.f32 v13, v21;
	v4 =	vmul.f32 v4, v21  }
0x93: {  	[tilespmem:s4+$0xFFFFFF80] =	vst v28;
	v13 =	vmul.f32 v3, v21;
	v3 =	vmul.f32 v12, v21;
	v12 =	vld.idx.msk [tilespmem:v23+s23+$0x0], $0xffff  }
0x94: {  	[tilespmem:s4+$0xFFFFFF70] =	vst v30;
	v23 =	vmul.f32 v7, v21;
	v15 =	vmul.f32 v20, v1;
	v20 =	vld [tilespmem:s4+$0x90]  }
0x95: {  	v31 =	vld [tilespmem:s4+$0xC0];
	[tilespmem:s4+$0xFFFFFF60] =	vst v21;
	v5 =	vmul.f32 v5, v21;
	v7 =	vmul.f32 v24, v2  }
0x96: {  	v28 =	vld [tilespmem:s4+$0xFFFFFFE0];
	v22 =	vmul.f32 v22, v21;
	v18 =	vmul.f32 v18, v21;
	[tilespmem:s4+$0xFFFFFEE0] =	vst v25  }
0x97: {  	v25 =	vmul.f32 v16, v2;
	v16 =	vmul.f32 v26, v1;
	v26 =	vld [tilespmem:s4+$0xB0];
	[tilespmem:s4+$0xFFFFFF40] =	vst v3  }
0x98: {  	v6 =	vld [tilespmem:s4+$0x30];
	v3 =	vmul.f32 v27, v1;
	[tilespmem:s4+$0xFFFFFF20] =	vst v23;
	v23 =	vmul.f32 v9, v1  }
0x99: {  	v24 =	vld [tilespmem:s4+$0xFFFFFFD0];
	[tilespmem:s4+$0xFFFFFF50] =	vst v5;
	v21 =	vmul.f32 v10, v12;
	v5 =	vmul.f32 v20, v12  }
0x9a: {  	[tilespmem:s4+$0xFFFFFF00] =	vst v22;
	v22 =	vld [tilespmem:s4+$0xFFFFFFC0];
	v19 =	vmul.f32 v8, v12;
	v8 =	vmul.f32 v29, v12  }
0x9b: {  	[tilespmem:s4+$0xFFFFFF10] =	vst v18;
	v27 =	vld [tilespmem:s4+$0x70];
	v20 =	vmul.f32 v11, v12;
	v18 =	vmul.f32 v14, v12  }
0x9c: {  	[tilespmem:s4+$0xFFFFFF90] =	vst v25;
	v25 =	vld [tilespmem:s4+$0x0];
	v14 =	vmul.f32 v28, v2;
	v11 =	vmul.f32 v26, v12  }
0x9d: {  	s7 =	simm.s32 $0x4;
	s9 =	simm.s32 $0x1AD0;
	[tilespmem:s4+$0x80] =	vst v1;
	v10 =	vld [tilespmem:s4+$0x20];
	v26 =	vmul.f32 v17, v2;
	v17 =	vmul.f32 v31, v12  }
.LBB2_4:
0x9e: {  	s12 =	sadd.s32 $0x1, s7  }
0x9f: {  	v9 =	vmov s7;
	v28 =	vld [tilespmem:s9+$0xFFFFFEF0];
	p0 =	slt.u32 s7, $0x4C;
	[tilespmem:s4+$0xFFFFFEF0] =	vst v13;
	v13 =	vmul.f32 v6, v1;
	s11 =	smov.u32 s7;
	s7 =	sadd.s32 $0x4, s7  }
0xa0: {  	v6 =	vand.u32 $0xFFFFFFFC, v9;
	v29 =	vmov s12;
	s12 =	sadd.s32 $0x2, s11;
	v9 =	vld [tilespmem:s9+$0x10];
	v24 =	vmul.f32 v24, v2;
	[tilespmem:s4+$0x60] =	vst v15  }
0xa1: {  	v6 =	vbroadcast v6, $0x0;
	v15 =	vand.u32 $0xFFFFFFFD, v29;
	v29 =	vmov s12;
	v30 =	vld [tilespmem:s9+$0xD0];
	[tilespmem:s4+$0x110] =	vst v12  }
0xa2: {  	v12 =	vbroadcast v15, $0x0;
	v31 =	vld [tilespmem:s9+$0xFFFFFFB0];
	v15 =	vand.u32 $0xFFFFFFFE, v29;
	v27 =	vmul.f32 v27, v1;
	[tilespmem:s4+$0x100] =	vst v21  }
0xa3: {  	v2 =	vmul.f32 v22, v2;
	v21 =	vld [tilespmem:s9+$0xFFFFFF30];
	v15 =	vbroadcast v15, $0x0;
	[tilespmem:s4+$0x50] =	vst v16  }
0xa4: {  	v16 =	vld [tilespmem:s9+$0xFFFFFF50];
	[tilespmem:s4+$0xFFFFFFB0] =	vst v26  }
0xa5: {  	v22 =	vld [tilespmem:s9+$0xE0];
	[tilespmem:s4+$0xFFFFFF30] =	vst v4  }
0xa6: {  	v26 =	vld [tilespmem:s9+$0xF0];
	[tilespmem:s4+$0x70] =	vst v27  }
0xa7: {  	v27 =	vld [tilespmem:s9+$0xFFFFFF20];
	[tilespmem:s4+$0xF0] =	vst v19  }
0xa8: {  	v4 =	vmul.f32 v25, v1;
	v19 =	vld [tilespmem:s9+$0x100];
	[tilespmem:s4+$0xE0] =	vst v20  }
0xa9: {  	v20 =	vld [tilespmem:s9+$0xFFFFFF10];
	[tilespmem:s4+$0x10] =	vst v23  }
0xaa: {  	v23 =	vld [tilespmem:s9+$0xFFFFFF40];
	[tilespmem:s4+$0x0] =	vst v4  }
0xab: {  	v25 =	vld [tilespmem:s9+$0xFFFFFF80];
	[tilespmem:s4+$0xD0] =	vst v18  }
0xac: {  	v18 =	vld [tilespmem:s9+$0xFFFFFF90];
	[tilespmem:s4+$0xFFFFFFA0] =	vst v7  }
0xad: {  	v29 =	vld [tilespmem:s9+$0xFFFFFF70];
	[tilespmem:s4+$0xFFFFFFC0] =	vst v2  }
0xae: {  	v1 =	vmul.f32 v10, v1;
	v7 =	vld [tilespmem:s9+$0x60];
	[tilespmem:s4+$0xFFFFFFD0] =	vst v24  }
0xaf: {  	v4 =	vld [tilespmem:s9+$0xFFFFFEE0];
	[tilespmem:s4+$0xC0] =	vst v17  }
0xb0: {  	v10 =	vld.idx.msk [tilespmem:v6+s23+$0x0], $0xffff;
	[tilespmem:s4+$0x20] =	vst v1  }
0xb1: {  	s11 =	sadd.s32 $0x3, s11;
	v17 =	vld [tilespmem:s9+$0xFFFFFF00];
	[tilespmem:s4+$0xFFFFFFE0] =	vst v14  }
0xb2: {  	v2 =	vld.idx.msk [tilespmem:v12+s23+$0x0], $0xffff;
	v12 =	vmov s11;
	[tilespmem:s4+$0xB0] =	vst v11  }
0xb3: {  	v1 =	vld.idx.msk [tilespmem:v15+s23+$0x0], $0xffff;
	[tilespmem:s4+$0xA0] =	vst v8  }
0xb4: {  	v6 =	vld [tilespmem:s9+$0x30];
	[tilespmem:s4+$0x40] =	vst v3  }
0xb5: {  	v3 =	vld [tilespmem:s9+$0xFFFFFFA0];
	[tilespmem:s4+$0x90] =	vst v5  }
0xb6: {  	v5 =	vmul.f32 v4, v10;
	v4 =	vmul.f32 v21, v10;
	v8 =	vld [tilespmem:s9+$0x50];
	[tilespmem:s4+$0x30] =	vst v13;
	s4 =	smov.u32 s9  }
0xb7: {  	v11 =	vmul.f32 v23, v10;
	v13 =	vmul.f32 v28, v10;
	[tilespmem:s9+$0xFFFFFF60] =	vst v10;
	v12 =	vld.idx.msk [tilespmem:v12+s23+$0x0], $0xffff  }
0xb8: {  	v14 =	vmul.f32 v27, v10;
	v16 =	vmul.f32 v16, v10;
	[tilespmem:s9+$0xFFFFFFF0] =	vst v2;
	v21 =	vld [tilespmem:s9+$0x40]  }
0xb9: {  	v23 =	vmul.f32 v25, v2;
	v15 =	vmul.f32 v7, v1;
	[tilespmem:s9+$0x80] =	vst v1;
	v24 =	vld [tilespmem:s9+$0x90]  }
0xba: {  	[tilespmem:s9+$0xFFFFFEE0] =	vst v5;
	v5 =	vmul.f32 v18, v2;
	v7 =	vmul.f32 v3, v2;
	v18 =	vld [tilespmem:s9+$0xA0]  }
0xbb: {  	v25 =	vmul.f32 v29, v2;
	[tilespmem:s9+$0xFFFFFF50] =	vst v16;
	v16 =	vmul.f32 v8, v1;
	v27 =	vld [tilespmem:s9+$0xB0]  }
0xbc: {  	v8 =	vmul.f32 v17, v10;
	v17 =	vmul.f32 v20, v10;
	[tilespmem:s9+$0xFFFFFF40] =	vst v11;
	v28 =	vld [tilespmem:s9+$0xC0]  }
0xbd: {  	[tilespmem:s9+$0xFFFFFF80] =	vst v23;
	v23 =	vld [tilespmem:s9+$0xFFFFFFE0];
	v3 =	vmul.f32 v21, v1;
	v21 =	vmul.f32 v19, v12  }
.Ltmp0:
0xbe: {  	v19 =	vmul.f32 v26, v12;
	[tilespmem:s9+$0xFFFFFF90] =	vst v5;
	v10 =	vld [tilespmem:s9+$0x20];
	v5 =	vmul.f32 v24, v12;
	(pc) =	sbr.rel @p0 .LBB2_4-.Ltmp0, $4  }
0xbf: {  	v20 =	vmul.f32 v22, v12;
	[tilespmem:s9+$0xFFFFFF00] =	vst v8;
	v24 =	vld [tilespmem:s9+$0xFFFFFFD0];
	v8 =	vmul.f32 v18, v12  }
0xc0: {  	v18 =	vmul.f32 v30, v12;
	[tilespmem:s9+$0xFFFFFF10] =	vst v17;
	v22 =	vld [tilespmem:s9+$0xFFFFFFC0];
	v11 =	vmul.f32 v27, v12  }
0xc1: {  	v26 =	vmul.f32 v31, v2;
	[tilespmem:s9+$0xFFFFFF70] =	vst v25;
	v27 =	vld [tilespmem:s9+$0x70];
	v17 =	vmul.f32 v28, v12  }
0xc2: {  	s9 =	sadd.s32 $0x240, s9;
	[tilespmem:s4+$0xFFFFFF20] =	vst v14;
	v14 =	vmul.f32 v23, v2;
	v25 =	vld [tilespmem:s4+$0x0];
	v23 =	vmul.f32 v9, v1  }
0xc3: {  	[tilespmem:s4+$0xFFFFFEF0] =	vst v13  }
0xc4: {  	[tilespmem:s4+$0x60] =	vst v15  }
0xc5: {  	[tilespmem:s4+$0x110] =	vst v12  }
0xc6: {  	[tilespmem:s4+$0x100] =	vst v21  }
0xc7: {  	[tilespmem:s4+$0x50] =	vst v16  }
0xc8: {  	[tilespmem:s4+$0xFFFFFFB0] =	vst v26  }
0xc9: {  	[tilespmem:s4+$0xFFFFFF30] =	vst v4  }
0xca: {  	[tilespmem:s4+$0xF0] =	vst v19  }
0xcb: {  	[tilespmem:s4+$0xE0] =	vst v20  }
0xcc: {  	[tilespmem:s4+$0xD0] =	vst v18  }
0xcd: {  	[tilespmem:s4+$0xFFFFFFA0] =	vst v7  }
0xce: {  	[tilespmem:s4+$0xC0] =	vst v17  }
0xcf: {  	[tilespmem:s4+$0xB0] =	vst v11  }
0xd0: {  	[tilespmem:s4+$0xA0] =	vst v8  }
0xd1: {  	[tilespmem:s4+$0x40] =	vst v3  }
0xd2: {  	[tilespmem:s4+$0x90] =	vst v5  }
0xd3: {  	[tilespmem:s4+$0x10] =	vst v23;
	v4 =	vmul.f32 v25, v1  }
0xd4: {  	[tilespmem:s4+$0xFFFFFFE0] =	vst v14;
	v9 =	vmul.f32 v27, v1  }
0xd5: {  	[tilespmem:s4+$0x0] =	vst v4;
	v4 =	vmul.f32 v22, v2;
	v2 =	vmul.f32 v24, v2  }
0xd6: {  	[tilespmem:s4+$0x70] =	vst v9  }
0xd7: {  	[tilespmem:s4+$0xFFFFFFD0] =	vst v2;
	v2 =	vmul.f32 v10, v1  }
0xd8: {  	[tilespmem:s4+$0xFFFFFFC0] =	vst v4;
	v1 =	vmul.f32 v6, v1  }
0xd9: {  	[tilespmem:s4+$0x20] =	vst v2  }
0xda: {  	s12 =	sadd.s32 $0x7D0, s13;
	[tilespmem:s4+$0x30] =	vst v1  }
0xdb: {  	[spmem:s3] =	stream.indirect.scatter.add.f32 [tilespmem:s20], [sflag:$0x3], $0x90, s12, s19, $0xb8;
	[tilespmem:$0x1DBC0] =	vst v63  }
0xdc: {  	_ =	swait.ge [sflag:s24], $0x2D00  }
0xdd: {  	[sflag:s24] =	ssyncset.done $0x0  }
0xde: {  	[sflag:s24] =	ssyncadd.s32 $0xFFFFD300  }
0xdf: {  	_ =	swait.ge [sflag:s25], $0x2D00  }
0xe0: {  	[sflag:s25] =	ssyncset.done $0x0  }
0xe1: {  	s13 =	sadd.s32 $0xA0, s13;
	[sflag:s25] =	ssyncadd.s32 $0xFFFFD300  }
0xe2: {  	[tilespmem:s20], [sflag:$0x1] =	stream.indirect.gather [hbm4b:s8+s19], $0x90, s13, s19, $0xb8;
	[tilespmem:$0x1DBC0] =	vst v63  }
0xe3: {  	v1 =	vld [tilespmem:s2+$0xFA0];
	_ =	sdelay $0x4  }
0xe4: {  	v1 =	vsub.f32 v1, v0;
	_ =	sdelay $0x1  }
0xe5: {  	v1 =	vmul.f32 $1.442695020e+00, v1;
	_ =	sdelay $0x1  }
0xe6: {  	(erf) = vpow2.f32 v1;
	_ =	sdelay $0x8  }
0xe7: {  	v1 =	vpop (erf)  }
0xe8: {  	[tilespmem:$0x7370] =	vst v1  }
0xe9: {  	v1 =	vld [tilespmem:s2+$0xFB0];
	_ =	sdelay $0x4  }
0xea: {  	v1 =	vsub.f32 v1, v0;
	_ =	sdelay $0x1  }
0xeb: {  	v1 =	vmul.f32 $1.442695020e+00, v1;
	_ =	sdelay $0x1  }
0xec: {  	(erf) = vpow2.f32 v1;
	_ =	sdelay $0x8  }
0xed: {  	v1 =	vpop (erf)  }
0xee: {  	[tilespmem:$0x7380] =	vst v1  }
0xef: {  	v1 =	vld [tilespmem:s2+$0xFC0];
	_ =	sdelay $0x4  }
0xf0: {  	v1 =	vsub.f32 v1, v0;
	_ =	sdelay $0x1  }
0xf1: {  	v1 =	vmul.f32 $1.442695020e+00, v1;
	_ =	sdelay $0x1  }
0xf2: {  	(erf) = vpow2.f32 v1;
	_ =	sdelay $0x8  }
0xf3: {  	v1 =	vpop (erf)  }
0xf4: {  	[tilespmem:$0x7390] =	vst v1  }
0xf5: {  	v1 =	vld [tilespmem:s2+$0xFD0];
	_ =	sdelay $0x4  }
0xf6: {  	v1 =	vsub.f32 v1, v0;
	_ =	sdelay $0x1  }
0xf7: {  	v1 =	vmul.f32 $1.442695020e+00, v1;
	_ =	sdelay $0x1  }
0xf8: {  	(erf) = vpow2.f32 v1;
	_ =	sdelay $0x8  }
0xf9: {  	v1 =	vpop (erf)  }
0xfa: {  	[tilespmem:$0x73A0] =	vst v1  }
0xfb: {  	v1 =	vld [tilespmem:s2+$0xFE0];
	_ =	sdelay $0x4  }
0xfc: {  	v1 =	vsub.f32 v1, v0;
	_ =	sdelay $0x1  }
0xfd: {  	v1 =	vmul.f32 $1.442695020e+00, v1;
	_ =	sdelay $0x1  }
0xfe: {  	(erf) = vpow2.f32 v1;
	_ =	sdelay $0x8  }
0xff: {  	v1 =	vpop (erf)  }
0x100: {  	s13 =	simm.s32 $0x4590;
	[tilespmem:$0x73B0] =	vst v1  }
0x101: {  	v3 =	vld [tilespmem:s13+$0xFFFFFEF0]  }
0x102: {  	v9 =	vld [tilespmem:s13+$0x10]  }
0x103: {  	v14 =	vld [tilespmem:s13+$0xD0]  }
0x104: {  	v17 =	vld [tilespmem:s13+$0xFFFFFFB0]  }
0x105: {  	v4 =	vld [tilespmem:s13+$0xFFFFFF30]  }
0x106: {  	v5 =	vld [tilespmem:s13+$0xFFFFFF50]  }
0x107: {  	v11 =	vld [tilespmem:s13+$0xE0]  }
0x108: {  	v8 =	vld [tilespmem:s13+$0xF0]  }
0x109: {  	v7 =	vld [tilespmem:s13+$0xFFFFFF20]  }
0x10a: {  	s9 =	simm.s32 $0x1;
	v10 =	vld [tilespmem:s13+$0x100]  }
0x10b: {  	s7 =	simm.s32 $0x0;
	v2 =	vmov s9;
	v18 =	vld [tilespmem:s13+$0xFFFFFF10]  }
0x10c: {  	v2 =	vand.u32 $0xFFFFFFFD, v2;
	v1 =	vmov s7;
	v12 =	vld [tilespmem:s13+$0xFFFFFF40]  }
0x10d: {  	s11 =	simm.s32 $0x2;
	v2 =	vbroadcast v2, $0x0;
	v1 =	vand.u32 $0xFFFFFFFC, v1;
	v15 =	vld [tilespmem:s13+$0xFFFFFF80]  }
0x10e: {  	v6 =	vmov s11;
	v16 =	vld [tilespmem:s13+$0xFFFFFF90];
	v1 =	vbroadcast v1, $0x0  }
0x10f: {  	v6 =	vand.u32 $0xFFFFFFFE, v6;
	v19 =	vld [tilespmem:s13+$0xFFFFFF70]  }
0x110: {  	v6 =	vbroadcast v6, $0x0;
	v20 =	vld [tilespmem:s13+$0x60]  }
0x111: {  	v13 =	vld [tilespmem:s13+$0xFFFFFEE0]  }
0x112: {  	v22 =	vld [tilespmem:s13+$0xFFFFFF00]  }
0x113: {  	v2 =	vld.idx.msk [tilespmem:v2+s23+$0x0], $0xffff  }
0x114: {  	s12 =	simm.s32 $0x3;
	v21 =	vld.idx.msk [tilespmem:v1+s23+$0x0], $0xffff  }
0x115: {  	v23 =	vmov s12;
	v24 =	vld [tilespmem:s13+$0xFFFFFFA0]  }
0x116: {  	v1 =	vld.idx.msk [tilespmem:v6+s23+$0x0], $0xffff  }
0x117: {  	v26 =	vld [tilespmem:s13+$0x50]  }
0x118: {  	v27 =	vld [tilespmem:s13+$0x40];
	v28 =	vmul.f32 v15, v2;
	v30 =	vmul.f32 v19, v2  }
0x119: {  	v29 =	vld [tilespmem:s13+$0xA0];
	[tilespmem:s13+$0xFFFFFFF0] =	vst v2;
	v25 =	vmul.f32 v13, v21;
	v4 =	vmul.f32 v4, v21  }
0x11a: {  	[tilespmem:s13+$0xFFFFFF80] =	vst v28;
	v13 =	vmul.f32 v3, v21;
	v3 =	vmul.f32 v12, v21;
	v12 =	vld.idx.msk [tilespmem:v23+s23+$0x0], $0xffff  }
0x11b: {  	[tilespmem:s13+$0xFFFFFF70] =	vst v30;
	v23 =	vmul.f32 v7, v21;
	v15 =	vmul.f32 v20, v1;
	v20 =	vld [tilespmem:s13+$0x90]  }
0x11c: {  	v31 =	vld [tilespmem:s13+$0xC0];
	[tilespmem:s13+$0xFFFFFF60] =	vst v21;
	v5 =	vmul.f32 v5, v21;
	v7 =	vmul.f32 v24, v2  }
0x11d: {  	v28 =	vld [tilespmem:s13+$0xFFFFFFE0];
	v22 =	vmul.f32 v22, v21;
	v18 =	vmul.f32 v18, v21;
	[tilespmem:s13+$0xFFFFFEE0] =	vst v25  }
0x11e: {  	v25 =	vmul.f32 v16, v2;
	v16 =	vmul.f32 v26, v1;
	v26 =	vld [tilespmem:s13+$0xB0];
	[tilespmem:s13+$0xFFFFFF40] =	vst v3  }
0x11f: {  	v6 =	vld [tilespmem:s13+$0x30];
	v3 =	vmul.f32 v27, v1;
	[tilespmem:s13+$0xFFFFFF20] =	vst v23;
	v23 =	vmul.f32 v9, v1  }
0x120: {  	v24 =	vld [tilespmem:s13+$0xFFFFFFD0];
	[tilespmem:s13+$0xFFFFFF50] =	vst v5;
	v21 =	vmul.f32 v10, v12;
	v5 =	vmul.f32 v20, v12  }
0x121: {  	[tilespmem:s13+$0xFFFFFF00] =	vst v22;
	v22 =	vld [tilespmem:s13+$0xFFFFFFC0];
	v19 =	vmul.f32 v8, v12;
	v8 =	vmul.f32 v29, v12  }
0x122: {  	[tilespmem:s13+$0xFFFFFF10] =	vst v18;
	v27 =	vld [tilespmem:s13+$0x70];
	v20 =	vmul.f32 v11, v12;
	v18 =	vmul.f32 v14, v12  }
0x123: {  	[tilespmem:s13+$0xFFFFFF90] =	vst v25;
	v25 =	vld [tilespmem:s13+$0x0];
	v14 =	vmul.f32 v28, v2;
	v11 =	vmul.f32 v26, v12  }
0x124: {  	s4 =	simm.s32 $0x4;
	s7 =	simm.s32 $0x47D0;
	[tilespmem:s13+$0x80] =	vst v1;
	v10 =	vld [tilespmem:s13+$0x20];
	v26 =	vmul.f32 v17, v2;
	v17 =	vmul.f32 v31, v12  }
.LBB2_6:
0x125: {  	s11 =	sadd.s32 $0x1, s4  }
0x126: {  	v9 =	vmov s4;
	v28 =	vld [tilespmem:s7+$0xFFFFFEF0];
	p0 =	slt.u32 s4, $0x4C;
	[tilespmem:s13+$0xFFFFFEF0] =	vst v13;
	v13 =	vmul.f32 v6, v1;
	s9 =	smov.u32 s4;
	s4 =	sadd.s32 $0x4, s4  }
0x127: {  	v6 =	vand.u32 $0xFFFFFFFC, v9;
	v29 =	vmov s11;
	s11 =	sadd.s32 $0x2, s9;
	v9 =	vld [tilespmem:s7+$0x10];
	v24 =	vmul.f32 v24, v2;
	[tilespmem:s13+$0x60] =	vst v15  }
0x128: {  	v6 =	vbroadcast v6, $0x0;
	v15 =	vand.u32 $0xFFFFFFFD, v29;
	v29 =	vmov s11;
	v30 =	vld [tilespmem:s7+$0xD0];
	[tilespmem:s13+$0x110] =	vst v12  }
0x129: {  	v12 =	vbroadcast v15, $0x0;
	v31 =	vld [tilespmem:s7+$0xFFFFFFB0];
	v15 =	vand.u32 $0xFFFFFFFE, v29;
	v27 =	vmul.f32 v27, v1;
	[tilespmem:s13+$0x100] =	vst v21  }
0x12a: {  	v2 =	vmul.f32 v22, v2;
	v21 =	vld [tilespmem:s7+$0xFFFFFF30];
	v15 =	vbroadcast v15, $0x0;
	[tilespmem:s13+$0x50] =	vst v16  }
0x12b: {  	v16 =	vld [tilespmem:s7+$0xFFFFFF50];
	[tilespmem:s13+$0xFFFFFFB0] =	vst v26  }
0x12c: {  	v22 =	vld [tilespmem:s7+$0xE0];
	[tilespmem:s13+$0xFFFFFF30] =	vst v4  }
0x12d: {  	v26 =	vld [tilespmem:s7+$0xF0];
	[tilespmem:s13+$0x70] =	vst v27  }
0x12e: {  	v27 =	vld [tilespmem:s7+$0xFFFFFF20];
	[tilespmem:s13+$0xF0] =	vst v19  }
0x12f: {  	v4 =	vmul.f32 v25, v1;
	v19 =	vld [tilespmem:s7+$0x100];
	[tilespmem:s13+$0xE0] =	vst v20  }
0x130: {  	v20 =	vld [tilespmem:s7+$0xFFFFFF10];
	[tilespmem:s13+$0x10] =	vst v23  }
0x131: {  	v23 =	vld [tilespmem:s7+$0xFFFFFF40];
	[tilespmem:s13+$0x0] =	vst v4  }
0x132: {  	v25 =	vld [tilespmem:s7+$0xFFFFFF80];
	[tilespmem:s13+$0xD0] =	vst v18  }
0x133: {  	v18 =	vld [tilespmem:s7+$0xFFFFFF90];
	[tilespmem:s13+$0xFFFFFFA0] =	vst v7  }
0x134: {  	v29 =	vld [tilespmem:s7+$0xFFFFFF70];
	[tilespmem:s13+$0xFFFFFFC0] =	vst v2  }
0x135: {  	v1 =	vmul.f32 v10, v1;
	v7 =	vld [tilespmem:s7+$0x60];
	[tilespmem:s13+$0xFFFFFFD0] =	vst v24  }
0x136: {  	v4 =	vld [tilespmem:s7+$0xFFFFFEE0];
	[tilespmem:s13+$0xC0] =	vst v17  }
0x137: {  	v10 =	vld.idx.msk [tilespmem:v6+s23+$0x0], $0xffff;
	[tilespmem:s13+$0x20] =	vst v1  }
0x138: {  	s9 =	sadd.s32 $0x3, s9;
	v17 =	vld [tilespmem:s7+$0xFFFFFF00];
	[tilespmem:s13+$0xFFFFFFE0] =	vst v14  }
0x139: {  	v2 =	vld.idx.msk [tilespmem:v12+s23+$0x0], $0xffff;
	v12 =	vmov s9;
	[tilespmem:s13+$0xB0] =	vst v11  }
0x13a: {  	v1 =	vld.idx.msk [tilespmem:v15+s23+$0x0], $0xffff;
	[tilespmem:s13+$0xA0] =	vst v8  }
0x13b: {  	v6 =	vld [tilespmem:s7+$0x30];
	[tilespmem:s13+$0x40] =	vst v3  }
0x13c: {  	v3 =	vld [tilespmem:s7+$0xFFFFFFA0];
	[tilespmem:s13+$0x90] =	vst v5  }
0x13d: {  	v5 =	vmul.f32 v4, v10;
	v4 =	vmul.f32 v21, v10;
	v8 =	vld [tilespmem:s7+$0x50];
	[tilespmem:s13+$0x30] =	vst v13;
	s13 =	smov.u32 s7  }
0x13e: {  	v11 =	vmul.f32 v23, v10;
	v13 =	vmul.f32 v28, v10;
	[tilespmem:s7+$0xFFFFFF60] =	vst v10;
	v12 =	vld.idx.msk [tilespmem:v12+s23+$0x0], $0xffff  }
0x13f: {  	v14 =	vmul.f32 v27, v10;
	v16 =	vmul.f32 v16, v10;
	[tilespmem:s7+$0xFFFFFFF0] =	vst v2;
	v21 =	vld [tilespmem:s7+$0x40]  }
0x140: {  	v23 =	vmul.f32 v25, v2;
	v15 =	vmul.f32 v7, v1;
	[tilespmem:s7+$0x80] =	vst v1;
	v24 =	vld [tilespmem:s7+$0x90]  }
0x141: {  	[tilespmem:s7+$0xFFFFFEE0] =	vst v5;
	v5 =	vmul.f32 v18, v2;
	v7 =	vmul.f32 v3, v2;
	v18 =	vld [tilespmem:s7+$0xA0]  }
0x142: {  	v25 =	vmul.f32 v29, v2;
	[tilespmem:s7+$0xFFFFFF50] =	vst v16;
	v16 =	vmul.f32 v8, v1;
	v27 =	vld [tilespmem:s7+$0xB0]  }
0x143: {  	v8 =	vmul.f32 v17, v10;
	v17 =	vmul.f32 v20, v10;
	[tilespmem:s7+$0xFFFFFF40] =	vst v11;
	v28 =	vld [tilespmem:s7+$0xC0]  }
0x144: {  	[tilespmem:s7+$0xFFFFFF80] =	vst v23;
	v23 =	vld [tilespmem:s7+$0xFFFFFFE0];
	v3 =	vmul.f32 v21, v1;
	v21 =	vmul.f32 v19, v12  }
.Ltmp1:
0x145: {  	v19 =	vmul.f32 v26, v12;
	[tilespmem:s7+$0xFFFFFF90] =	vst v5;
	v10 =	vld [tilespmem:s7+$0x20];
	v5 =	vmul.f32 v24, v12;
	(pc) =	sbr.rel @p0 .LBB2_6-.Ltmp1, $4  }
0x146: {  	v20 =	vmul.f32 v22, v12;
	[tilespmem:s7+$0xFFFFFF00] =	vst v8;
	v24 =	vld [tilespmem:s7+$0xFFFFFFD0];
	v8 =	vmul.f32 v18, v12  }
0x147: {  	v18 =	vmul.f32 v30, v12;
	[tilespmem:s7+$0xFFFFFF10] =	vst v17;
	v22 =	vld [tilespmem:s7+$0xFFFFFFC0];
	v11 =	vmul.f32 v27, v12  }
0x148: {  	v26 =	vmul.f32 v31, v2;
	[tilespmem:s7+$0xFFFFFF70] =	vst v25;
	v27 =	vld [tilespmem:s7+$0x70];
	v17 =	vmul.f32 v28, v12  }
0x149: {  	s7 =	sadd.s32 $0x240, s7;
	[tilespmem:s13+$0xFFFFFF20] =	vst v14;
	v14 =	vmul.f32 v23, v2;
	v25 =	vld [tilespmem:s13+$0x0];
	v23 =	vmul.f32 v9, v1  }
0x14a: {  	[tilespmem:s13+$0xFFFFFEF0] =	vst v13  }
0x14b: {  	[tilespmem:s13+$0x60] =	vst v15  }
0x14c: {  	[tilespmem:s13+$0x110] =	vst v12  }
0x14d: {  	[tilespmem:s13+$0x100] =	vst v21  }
0x14e: {  	[tilespmem:s13+$0x50] =	vst v16  }
0x14f: {  	[tilespmem:s13+$0xFFFFFFB0] =	vst v26  }
0x150: {  	[tilespmem:s13+$0xFFFFFF30] =	vst v4  }
0x151: {  	[tilespmem:s13+$0xF0] =	vst v19  }
0x152: {  	[tilespmem:s13+$0xE0] =	vst v20  }
0x153: {  	[tilespmem:s13+$0xD0] =	vst v18  }
0x154: {  	[tilespmem:s13+$0xFFFFFFA0] =	vst v7  }
0x155: {  	[tilespmem:s13+$0xC0] =	vst v17  }
0x156: {  	[tilespmem:s13+$0xB0] =	vst v11  }
0x157: {  	[tilespmem:s13+$0xA0] =	vst v8  }
0x158: {  	[tilespmem:s13+$0x40] =	vst v3  }
0x159: {  	[tilespmem:s13+$0x90] =	vst v5  }
0x15a: {  	[tilespmem:s13+$0x10] =	vst v23;
	v63 =	vmul.f32 v22, v2  }
0x15b: {  	[tilespmem:s13+$0xFFFFFFE0] =	vst v14;
	v2 =	vmul.f32 v24, v2  }
0x15c: {  	s0 =	sadd.s32 $0x1, s0;
	v9 =	vmul.f32 v27, v1;
	[tilespmem:s13+$0xFFFFFFC0] =	vst v63  }
0x15d: {  	p0 =	sne.s32 s0, $0xC;
	v62 =	vmul.f32 v25, v1;
	[tilespmem:s13+$0xFFFFFFD0] =	vst v2  }
.Ltmp2:
0x15e: {  	v2 =	vmul.f32 v10, v1;
	[tilespmem:s13+$0x70] =	vst v9;
	(pc) =	sbr.rel @p0 .LBB2_3-.Ltmp2, $4  }
0x15f: {  	v1 =	vmul.f32 v6, v1;
	[tilespmem:s13+$0x0] =	vst v62  }
0x160: {  	[tilespmem:s13+$0x20] =	vst v2  }
0x161: {  	s2 =	sadd.s32 $0x7D0, s2;
	[tilespmem:s13+$0x30] =	vst v1  }
0x162: {  	[spmem:s3] =	stream.indirect.scatter.add.f32 [tilespmem:s22], [sflag:$0x4], $0x90, s2, s19, $0xb8;
	[tilespmem:$0x1DBC0] =	vst v63  }
0x163: {  	_ =	swait.ge [sflag:s21], $0x2D00  }
0x164: {  	[sflag:s21] =	ssyncset.done $0x0  }
0x165: {  	[sflag:s21] =	ssyncadd.s32 $0xFFFFD300  }
0x166: {  	_ =	swait.ge [sflag:s26], $0x2D00  }
0x167: {  	[sflag:s26] =	ssyncset.done $0x0  }
0x168: {  	[sflag:s26] =	ssyncadd.s32 $0xFFFFD300  }
0x169: {  	v1 =	vld [tilespmem:$0x1720]  }
0x16a: {  	v2 =	vld [tilespmem:$0x1730]  }
0x16b: {  	v3 =	vld [tilespmem:$0x1740]  }
0x16c: {  	v4 =	vld [tilespmem:$0x1750]  }
0x16d: {  	v5 =	vld [tilespmem:$0x1760]  }
0x16e: {  	v1 =	vsub.f32 v1, v0  }
0x16f: {  	v2 =	vsub.f32 v2, v0  }
0x170: {  	v3 =	vsub.f32 v3, v0;
	v1 =	vmul.f32 $1.442695020e+00, v1  }
0x171: {  	v4 =	vsub.f32 v4, v0;
	v2 =	vmul.f32 $1.442695020e+00, v2  }
0x172: {  	(erf) = vpow2.f32 v1;
	v1 =	vmul.f32 $1.442695020e+00, v3;
	v3 =	vsub.f32 v5, v0  }
0x173: {  	(erf) = vpow2.f32 v2;
	v2 =	vmul.f32 $1.442695020e+00, v4  }
0x174: {  	(erf) = vpow2.f32 v1;
	v1 =	vmul.f32 $1.442695020e+00, v3  }
0x175: {  	(erf) = vpow2.f32 v2  }
0x176: {  	(erf) = vpow2.f32 v1;
	_ =	sdelay $0x4  }
0x177: {  	v1 =	vpop (erf)  }
0x178: {  	v2 =	vpop (erf);
	[tilespmem:$0x7370] =	vst v1  }
0x179: {  	v1 =	vpop (erf);
	[tilespmem:$0x7380] =	vst v2  }
0x17a: {  	v2 =	vpop (erf);
	[tilespmem:$0x7390] =	vst v1  }
0x17b: {  	[tilespmem:$0x73A0] =	vst v2;
	v1 =	vpop (erf)  }
0x17c: {  	s0 =	simm.s32 $0x1890;
	[tilespmem:$0x73B0] =	vst v1  }
0x17d: {  	v3 =	vld [tilespmem:s0+$0xFFFFFEF0]  }
0x17e: {  	v9 =	vld [tilespmem:s0+$0x10]  }
0x17f: {  	v14 =	vld [tilespmem:s0+$0xD0]  }
0x180: {  	v17 =	vld [tilespmem:s0+$0xFFFFFFB0]  }
0x181: {  	v4 =	vld [tilespmem:s0+$0xFFFFFF30]  }
0x182: {  	v5 =	vld [tilespmem:s0+$0xFFFFFF50]  }
0x183: {  	v11 =	vld [tilespmem:s0+$0xE0]  }
0x184: {  	v8 =	vld [tilespmem:s0+$0xF0]  }
0x185: {  	v7 =	vld [tilespmem:s0+$0xFFFFFF20]  }
0x186: {  	s11 =	simm.s32 $0x1;
	v10 =	vld [tilespmem:s0+$0x100]  }
0x187: {  	s2 =	simm.s32 $0x0;
	v2 =	vmov s11;
	v18 =	vld [tilespmem:s0+$0xFFFFFF10]  }
0x188: {  	v1 =	vmov s2;
	v2 =	vand.u32 $0xFFFFFFFD, v2;
	v12 =	vld [tilespmem:s0+$0xFFFFFF40]  }
0x189: {  	s12 =	simm.s32 $0x2;
	v1 =	vand.u32 $0xFFFFFFFC, v1;
	v15 =	vld [tilespmem:s0+$0xFFFFFF80];
	v2 =	vbroadcast v2, $0x0  }
0x18a: {  	v6 =	vmov s12;
	v16 =	vld [tilespmem:s0+$0xFFFFFF90];
	v1 =	vbroadcast v1, $0x0  }
0x18b: {  	v6 =	vand.u32 $0xFFFFFFFE, v6;
	v19 =	vld [tilespmem:s0+$0xFFFFFF70]  }
0x18c: {  	v6 =	vbroadcast v6, $0x0;
	v20 =	vld [tilespmem:s0+$0x60]  }
0x18d: {  	v13 =	vld [tilespmem:s0+$0xFFFFFEE0]  }
0x18e: {  	v22 =	vld [tilespmem:s0+$0xFFFFFF00]  }
0x18f: {  	v2 =	vld.idx.msk [tilespmem:v2+s23+$0x0], $0xffff  }
0x190: {  	s13 =	simm.s32 $0x3;
	v21 =	vld.idx.msk [tilespmem:v1+s23+$0x0], $0xffff  }
0x191: {  	v23 =	vmov s13;
	v24 =	vld [tilespmem:s0+$0xFFFFFFA0]  }
0x192: {  	v1 =	vld.idx.msk [tilespmem:v6+s23+$0x0], $0xffff  }
0x193: {  	v26 =	vld [tilespmem:s0+$0x50]  }
0x194: {  	v27 =	vld [tilespmem:s0+$0x40];
	v28 =	vmul.f32 v15, v2;
	v30 =	vmul.f32 v19, v2  }
0x195: {  	v29 =	vld [tilespmem:s0+$0xA0];
	[tilespmem:s0+$0xFFFFFFF0] =	vst v2;
	v25 =	vmul.f32 v13, v21;
	v4 =	vmul.f32 v4, v21  }
0x196: {  	v13 =	vmul.f32 v3, v21;
	v3 =	vmul.f32 v12, v21;
	[tilespmem:s0+$0xFFFFFF60] =	vst v21;
	v12 =	vld.idx.msk [tilespmem:v23+s23+$0x0], $0xffff  }
0x197: {  	v23 =	vmul.f32 v7, v21;
	v15 =	vmul.f32 v20, v1;
	[tilespmem:s0+$0x80] =	vst v1;
	v20 =	vld [tilespmem:s0+$0x90]  }
0x198: {  	v31 =	vld [tilespmem:s0+$0xC0];
	v5 =	vmul.f32 v5, v21;
	v7 =	vmul.f32 v24, v2;
	[tilespmem:s0+$0xFFFFFF80] =	vst v28  }
0x199: {  	v22 =	vmul.f32 v22, v21;
	v18 =	vmul.f32 v18, v21;
	v28 =	vld [tilespmem:s0+$0xFFFFFFE0];
	[tilespmem:s0+$0xFFFFFEE0] =	vst v25  }
0x19a: {  	v25 =	vmul.f32 v16, v2;
	v16 =	vmul.f32 v26, v1;
	v26 =	vld [tilespmem:s0+$0xB0];
	[tilespmem:s0+$0xFFFFFF40] =	vst v3  }
0x19b: {  	v6 =	vld [tilespmem:s0+$0x30];
	v3 =	vmul.f32 v27, v1;
	[tilespmem:s0+$0xFFFFFF20] =	vst v23;
	v23 =	vmul.f32 v9, v1  }
0x19c: {  	v24 =	vld [tilespmem:s0+$0xFFFFFFD0];
	[tilespmem:s0+$0xFFFFFF50] =	vst v5;
	v21 =	vmul.f32 v10, v12;
	v5 =	vmul.f32 v20, v12  }
0x19d: {  	[tilespmem:s0+$0xFFFFFF00] =	vst v22;
	v22 =	vld [tilespmem:s0+$0xFFFFFFC0];
	v19 =	vmul.f32 v8, v12;
	v8 =	vmul.f32 v29, v12  }
0x19e: {  	[tilespmem:s0+$0xFFFFFF10] =	vst v18;
	v27 =	vld [tilespmem:s0+$0x70];
	v20 =	vmul.f32 v11, v12;
	v18 =	vmul.f32 v14, v12  }
0x19f: {  	[tilespmem:s0+$0xFFFFFF90] =	vst v25;
	v25 =	vld [tilespmem:s0+$0x0];
	v14 =	vmul.f32 v28, v2;
	v11 =	vmul.f32 v26, v12  }
0x1a0: {  	s4 =	simm.s32 $0x1AD0;
	s2 =	simm.s32 $0x4;
	[tilespmem:s0+$0xFFFFFF70] =	vst v30;
	v10 =	vld [tilespmem:s0+$0x20];
	v26 =	vmul.f32 v17, v2;
	v17 =	vmul.f32 v31, v12  }
.LBB2_9:
0x1a1: {  	s9 =	sadd.s32 $0x1, s2  }
0x1a2: {  	v9 =	vmov s2;
	v28 =	vld [tilespmem:s4+$0xFFFFFEF0];
	p0 =	slt.u32 s2, $0x4C;
	[tilespmem:s0+$0xFFFFFEF0] =	vst v13;
	v13 =	vmul.f32 v6, v1;
	s7 =	smov.u32 s2;
	s2 =	sadd.s32 $0x4, s2  }
0x1a3: {  	v6 =	vand.u32 $0xFFFFFFFC, v9;
	v29 =	vmov s9;
	s9 =	sadd.s32 $0x2, s7;
	v9 =	vld [tilespmem:s4+$0x10];
	v24 =	vmul.f32 v24, v2;
	[tilespmem:s0+$0x60] =	vst v15  }
0x1a4: {  	v6 =	vbroadcast v6, $0x0;
	v15 =	vand.u32 $0xFFFFFFFD, v29;
	v29 =	vmov s9;
	v30 =	vld [tilespmem:s4+$0xD0];
	[tilespmem:s0+$0x110] =	vst v12  }
0x1a5: {  	v12 =	vbroadcast v15, $0x0;
	v31 =	vld [tilespmem:s4+$0xFFFFFFB0];
	v15 =	vand.u32 $0xFFFFFFFE, v29;
	v27 =	vmul.f32 v27, v1;
	[tilespmem:s0+$0x100] =	vst v21  }
0x1a6: {  	v2 =	vmul.f32 v22, v2;
	v21 =	vld [tilespmem:s4+$0xFFFFFF30];
	v15 =	vbroadcast v15, $0x0;
	[tilespmem:s0+$0x50] =	vst v16  }
0x1a7: {  	v16 =	vld [tilespmem:s4+$0xFFFFFF50];
	[tilespmem:s0+$0xFFFFFFB0] =	vst v26  }
0x1a8: {  	v22 =	vld [tilespmem:s4+$0xE0];
	[tilespmem:s0+$0xFFFFFF30] =	vst v4  }
0x1a9: {  	v26 =	vld [tilespmem:s4+$0xF0];
	[tilespmem:s0+$0x70] =	vst v27  }
0x1aa: {  	v27 =	vld [tilespmem:s4+$0xFFFFFF20];
	[tilespmem:s0+$0xF0] =	vst v19  }
0x1ab: {  	v4 =	vmul.f32 v25, v1;
	v19 =	vld [tilespmem:s4+$0x100];
	[tilespmem:s0+$0xE0] =	vst v20  }
0x1ac: {  	v20 =	vld [tilespmem:s4+$0xFFFFFF10];
	[tilespmem:s0+$0x10] =	vst v23  }
0x1ad: {  	v23 =	vld [tilespmem:s4+$0xFFFFFF40];
	[tilespmem:s0+$0x0] =	vst v4  }
0x1ae: {  	v25 =	vld [tilespmem:s4+$0xFFFFFF80];
	[tilespmem:s0+$0xD0] =	vst v18  }
0x1af: {  	v18 =	vld [tilespmem:s4+$0xFFFFFF90];
	[tilespmem:s0+$0xFFFFFFA0] =	vst v7  }
0x1b0: {  	v29 =	vld [tilespmem:s4+$0xFFFFFF70];
	[tilespmem:s0+$0xFFFFFFC0] =	vst v2  }
0x1b1: {  	v1 =	vmul.f32 v10, v1;
	v7 =	vld [tilespmem:s4+$0x60];
	[tilespmem:s0+$0xFFFFFFD0] =	vst v24  }
0x1b2: {  	v4 =	vld [tilespmem:s4+$0xFFFFFEE0];
	[tilespmem:s0+$0xC0] =	vst v17  }
0x1b3: {  	v10 =	vld.idx.msk [tilespmem:v6+s23+$0x0], $0xffff;
	[tilespmem:s0+$0x20] =	vst v1  }
0x1b4: {  	s7 =	sadd.s32 $0x3, s7;
	v17 =	vld [tilespmem:s4+$0xFFFFFF00];
	[tilespmem:s0+$0xFFFFFFE0] =	vst v14  }
0x1b5: {  	v2 =	vld.idx.msk [tilespmem:v12+s23+$0x0], $0xffff;
	v12 =	vmov s7;
	[tilespmem:s0+$0xB0] =	vst v11  }
0x1b6: {  	v1 =	vld.idx.msk [tilespmem:v15+s23+$0x0], $0xffff;
	[tilespmem:s0+$0xA0] =	vst v8  }
0x1b7: {  	v6 =	vld [tilespmem:s4+$0x30];
	[tilespmem:s0+$0x40] =	vst v3  }
0x1b8: {  	v3 =	vld [tilespmem:s4+$0xFFFFFFA0];
	[tilespmem:s0+$0x90] =	vst v5  }
0x1b9: {  	v5 =	vmul.f32 v4, v10;
	v4 =	vmul.f32 v21, v10;
	v8 =	vld [tilespmem:s4+$0x50];
	[tilespmem:s0+$0x30] =	vst v13;
	s0 =	smov.u32 s4  }
0x1ba: {  	v11 =	vmul.f32 v23, v10;
	v13 =	vmul.f32 v28, v10;
	[tilespmem:s4+$0xFFFFFF60] =	vst v10;
	v12 =	vld.idx.msk [tilespmem:v12+s23+$0x0], $0xffff  }
0x1bb: {  	v14 =	vmul.f32 v27, v10;
	v16 =	vmul.f32 v16, v10;
	[tilespmem:s4+$0xFFFFFFF0] =	vst v2;
	v21 =	vld [tilespmem:s4+$0x40]  }
0x1bc: {  	v23 =	vmul.f32 v25, v2;
	v15 =	vmul.f32 v7, v1;
	[tilespmem:s4+$0x80] =	vst v1;
	v24 =	vld [tilespmem:s4+$0x90]  }
0x1bd: {  	[tilespmem:s4+$0xFFFFFEE0] =	vst v5;
	v5 =	vmul.f32 v18, v2;
	v7 =	vmul.f32 v3, v2;
	v18 =	vld [tilespmem:s4+$0xA0]  }
0x1be: {  	v25 =	vmul.f32 v29, v2;
	[tilespmem:s4+$0xFFFFFF50] =	vst v16;
	v16 =	vmul.f32 v8, v1;
	v27 =	vld [tilespmem:s4+$0xB0]  }
0x1bf: {  	v8 =	vmul.f32 v17, v10;
	v17 =	vmul.f32 v20, v10;
	[tilespmem:s4+$0xFFFFFF40] =	vst v11;
	v28 =	vld [tilespmem:s4+$0xC0]  }
0x1c0: {  	[tilespmem:s4+$0xFFFFFF80] =	vst v23;
	v23 =	vld [tilespmem:s4+$0xFFFFFFE0];
	v3 =	vmul.f32 v21, v1;
	v21 =	vmul.f32 v19, v12  }
.Ltmp3:
0x1c1: {  	v19 =	vmul.f32 v26, v12;
	[tilespmem:s4+$0xFFFFFF90] =	vst v5;
	v10 =	vld [tilespmem:s4+$0x20];
	v5 =	vmul.f32 v24, v12;
	(pc) =	sbr.rel @p0 .LBB2_9-.Ltmp3, $4  }
0x1c2: {  	v20 =	vmul.f32 v22, v12;
	[tilespmem:s4+$0xFFFFFF00] =	vst v8;
	v24 =	vld [tilespmem:s4+$0xFFFFFFD0];
	v8 =	vmul.f32 v18, v12  }
0x1c3: {  	v18 =	vmul.f32 v30, v12;
	[tilespmem:s4+$0xFFFFFF10] =	vst v17;
	v22 =	vld [tilespmem:s4+$0xFFFFFFC0];
	v11 =	vmul.f32 v27, v12  }
0x1c4: {  	v26 =	vmul.f32 v31, v2;
	[tilespmem:s4+$0xFFFFFF70] =	vst v25;
	v27 =	vld [tilespmem:s4+$0x70];
	v17 =	vmul.f32 v28, v12  }
0x1c5: {  	s4 =	sadd.s32 $0x240, s4;
	[tilespmem:s0+$0xFFFFFF20] =	vst v14;
	v14 =	vmul.f32 v23, v2;
	v25 =	vld [tilespmem:s0+$0x0];
	v23 =	vmul.f32 v9, v1  }
0x1c6: {  	[tilespmem:s0+$0xFFFFFEF0] =	vst v13  }
0x1c7: {  	[tilespmem:s0+$0x60] =	vst v15  }
0x1c8: {  	[tilespmem:s0+$0x110] =	vst v12  }
0x1c9: {  	[tilespmem:s0+$0x100] =	vst v21  }
0x1ca: {  	[tilespmem:s0+$0x50] =	vst v16  }
0x1cb: {  	[tilespmem:s0+$0xFFFFFFB0] =	vst v26  }
0x1cc: {  	[tilespmem:s0+$0xFFFFFF30] =	vst v4  }
0x1cd: {  	[tilespmem:s0+$0xF0] =	vst v19  }
0x1ce: {  	[tilespmem:s0+$0xE0] =	vst v20  }
0x1cf: {  	[tilespmem:s0+$0xD0] =	vst v18  }
0x1d0: {  	[tilespmem:s0+$0xFFFFFFA0] =	vst v7  }
0x1d1: {  	[tilespmem:s0+$0xC0] =	vst v17  }
0x1d2: {  	[tilespmem:s0+$0xB0] =	vst v11  }
0x1d3: {  	[tilespmem:s0+$0xA0] =	vst v8  }
0x1d4: {  	[tilespmem:s0+$0x40] =	vst v3  }
0x1d5: {  	[tilespmem:s0+$0x90] =	vst v5  }
0x1d6: {  	[tilespmem:s0+$0x10] =	vst v23;
	v63 =	vmul.f32 v22, v2  }
0x1d7: {  	[tilespmem:s0+$0xFFFFFFE0] =	vst v14;
	v2 =	vmul.f32 v24, v2  }
0x1d8: {  	v9 =	vmul.f32 v27, v1;
	[tilespmem:s0+$0xFFFFFFC0] =	vst v63  }
0x1d9: {  	v62 =	vmul.f32 v25, v1;
	[tilespmem:s0+$0xFFFFFFD0] =	vst v2  }
0x1da: {  	v2 =	vmul.f32 v10, v1;
	[tilespmem:s0+$0x70] =	vst v9  }
0x1db: {  	s30 =	sadd.s32 $0x1, s30;
	v1 =	vmul.f32 v6, v1;
	[tilespmem:s0+$0x0] =	vst v62  }
0x1dc: {  	p0 =	sne.s32 s30, $0x5;
	[tilespmem:s0+$0x20] =	vst v2  }
.Ltmp4:
0x1dd: {  	[tilespmem:s0+$0x30] =	vst v1;
	(pc) =	sbr.rel @p0 .LBB2_2-.Ltmp4, $4  }
0x1de: {  	[spmem:s3] =	stream.indirect.scatter.add.f32 [tilespmem:s20], [sflag:$0x5], $0x90, s28, s19, $0xb8;
	[tilespmem:$0x1DBC0] =	vst v63  }
0x1df: {  	_ =	swait.ge [sflag:s14], $0x2D00  }
0x1e0: {  	[sflag:s14] =	ssyncset.done $0x0  }
0x1e1: {  	[sflag:s14] =	ssyncadd.s32 $0xFFFFD300  }
0x1e2: {  	[bflag:$0x0] =	sbarrier.arrive $0xFFFF  }
0x1e3: {  	s0 =	rddreg [dreg:$0x6]  }
0x1e4: {  	[hbm:s0], [sflag:s15] =	dma.local [spmem:s16], $0x2D00  }
0x1e5: {  	_ =	swait.ge [sflag:s14], $0x2D00  }
0x1e6: {  	s29 =	sadd.s32 $0x1, s29;
	s30 =	rddreg [dreg:$0x7]  }
0x1e7: {  	p0 =	sne.s32 s29, s30  }
.Ltmp5:
0x1e8: {  	_ = 	snop;
	(pc) =	sbr.rel @p0 .LBB2_1-.Ltmp5, $3  }
0x1e9: {  	_ =	sdelay $0x1  }
0x1ea: {  	[sflag:s14] =	ssyncset.done $0x0  }
0x1eb: {  	[sflag:s14] =	ssyncadd.s32 $0xFFFFD300  }
0x1ec: {  	_ =	sfence.sel $0x180000  }
0x1ed: {  	[bflag:$0x0] =	sbarrier.arrive $0xFFFF  }
0x1ee: {  	_ =	strace $0x9000004A  }
0x1ef: {  	s0 =	stileid.u32;
	[bflag:$0x2] =	sbarrier.arrive $0xFFFF  }
0x1f0: {  	p0 =	sne.s32 s0, $0x0;
	s0 =	rddreg [dreg:$0x3]  }
0x1f1: {  	s0 =	sadd.s32 @!p0 $0x100000, s0  }
0x1f2: {  	[sflag:s0] =	ssyncadd.tile.s32 @!p0 $0x1;
	_ =	shalt  }
.Lfunc_end2:
_tile_overlayer_lowered:
.L_overlay_start_2:
0x1f3: {  	(tag) =	ssettag $0x2  }
0x1f4: {  	s0 =	rddreg [dreg:$0x0];
	s2 =	stileid.u32  }
0x1f5: {  	s1 =	rddreg [dreg:$0x1];
	p0 =	sne.s32 s2, $0x0  }
0x1f6: {  	s3 =	rddreg [dreg:$0x2];
	[bflag:$0x3] =	sbarrier.arrive $0xFFFF;
	s2 =	simm.s32 @!p0 $0x1C05  }
0x1f7: {  	[timem:s3], [sflag:s2] =	dma.local @!p0 [hbm:s0], s1  }
0x1f8: {  	s0 =	simm.s32 @!p0 $0x5  }
0x1f9: {  	_ =	swait.ge @!p0 [sflag:s0], s1  }
0x1fa: {  	s1 =	ssub.s32 @!p0 $0x0, s1;
	[sflag:s0] =	ssyncset.done @!p0 $0x0  }
0x1fb: {  	[sflag:s0] =	ssyncadd.s32 @!p0 s1  }
0x1fc: {  	[bflag:$0x3] =	sbarrier.arrive $0xFFFF  }
0x1fd: {  	_ =	shalt  }

</sc_bundles>
